<compile_context>
chip_gen: v7x
topology: tpu7x:2x2x1
jax: 0.10.2.dev20260603
libtpu: 0.0.44.dev20260713+nightly
codegen_flags: <defaults>
</compile_context>

<pallas_src>
import jax
import jax.numpy as jnp
from jax import lax
from jax.experimental import pallas as pl
from jax.experimental.pallas import tpu as pltpu
from jax.experimental.pallas import tpu_sc as plsc

NUM_ATOMS = 100000
NUM_ELEMENTS = 119
EMBED_DIM = 256
BLK = 80
NB = NUM_ATOMS // BLK
NW = 32
BPW = (NB + NW - 1) // NW
L = 16
NSTEP = 13


def _body(idx_hbm, table_hbm, out_hbm, idx_v, table_v,
          buf0, buf1, buf2, wsem0, wsem1, wsem2):
    c = lax.axis_index("c")
    s = lax.axis_index("s")
    w = s * 2 + c
    start = 39 * w + jnp.minimum(w, 2)
    nb_w = jnp.where(w < 2, 40, 39)

    pltpu.sync_copy(idx_hbm.at[pl.ds(start * BLK, BPW * BLK)],
                    idx_v.at[pl.ds(0, BPW * BLK)])
    pltpu.sync_copy(table_hbm, table_v)

    bufs = (buf0, buf1, buf2)
    wsems = (wsem0, wsem1, wsem2)

    def wait_write(p):
        pltpu.make_async_copy(bufs[p], out_hbm.at[pl.ds(0, BLK)],
                              wsems[p]).wait()

    def compute_block(b, buf):
        @plsc.parallel_loop(0, BLK, unroll=8)
        def _(r):
            v = idx_v[pl.ds(b * BLK + r, L)]
            base = v[0] * EMBED_DIM
            for cc in range(EMBED_DIM // L):
                buf[r, pl.ds(cc * L, L)] = table_v[pl.ds(base + cc * L, L)]

    def handle_block(b, p, u):
        @pl.when(b < nb_w)
        def _():
            @pl.when(u >= 1)
            def _():
                wait_write(p)
            compute_block(b, bufs[p])
            pltpu.async_copy(bufs[p],
                             out_hbm.at[pl.ds((start + b) * BLK, BLK)],
                             wsems[p])

    def step(u, carry):
        for p in range(3):
            handle_block(3 * u + p, p, u)
        return carry

    lax.fori_loop(0, NSTEP, step, 0)

    handle_block(3 * NSTEP, 0, NSTEP)

    for p in range(3):
        wait_write(p)


def kernel(atomic_numbers, embedding):
    mesh = plsc.VectorSubcoreMesh(core_axis_name="c", subcore_axis_name="s")
    k = pl.kernel(
        _body,
        mesh=mesh,
        compiler_params=pltpu.CompilerParams(needs_layout_passes=False),
        out_type=jax.ShapeDtypeStruct((NUM_ATOMS, EMBED_DIM), jnp.float32),
        scratch_types=[
            pltpu.VMEM((BPW * BLK + L,), jnp.int32),
            pltpu.VMEM((NUM_ELEMENTS * EMBED_DIM,), jnp.float32),
            pltpu.VMEM((BLK, EMBED_DIM), jnp.float32),
            pltpu.VMEM((BLK, EMBED_DIM), jnp.float32),
            pltpu.VMEM((BLK, EMBED_DIM), jnp.float32),
            pltpu.SemaphoreType.DMA,
            pltpu.SemaphoreType.DMA,
            pltpu.SemaphoreType.DMA,
        ],
    )
    idxflat = atomic_numbers.astype(jnp.int32)
    idxflat = jnp.pad(idxflat, (0, NW * BPW * BLK - NUM_ATOMS))
    return k(idxflat, embedding.reshape(-1))

# --- scband reference (transcript-rebuilt; emitter-appended) ---
"""Pipeline reference for scband-atomic-embedding-49546742727011 (READ-ONLY COPY).

The authoritative reference and input builder live on the scoring server;
editing this copy changes nothing except your own understanding.
"""

import jax, jax.numpy as jnp
import numpy as np

NUM_ATOMS = 100000
NUM_ELEMENTS = 119
EMBED_DIM = 256

def setup_inputs(seed: int = 0) -> dict:
    key = jax.random.key(seed)
    k1, k2 = jax.random.split(key)
    atomic_numbers = jax.random.randint(k1, (NUM_ATOMS,), 0, NUM_ELEMENTS, dtype=jnp.int64 if jax.config.jax_enable_x64 else jnp.int32)
    # flax nn.Embed default init: normal(stddev=1.0) -- variance-scaling default for Embed is normal
    embedding = jax.random.normal(k2, (NUM_ELEMENTS, EMBED_DIM), dtype=jnp.float32)
    return {"atomic_numbers": atomic_numbers, "embedding": embedding}

def reference(atomic_numbers, embedding):
    # Faithful translation of flax nn.Embed.__call__: row gather from the table
    return jnp.take(embedding, atomic_numbers, axis=0)

if __name__ == "__main__":
    import jax
    _d = setup_inputs()
    print(jax.jit(kernel)(*tuple(_d.values())))

</pallas_src>

<mosaic_0001>
#map = affine_map<(d0, d1) -> (0)>
#map1 = affine_map<(d0, d1) -> (0, 0)>
module attributes {stable_mosaic.version = 14 : i64} {
  func.func @_body(%arg0: i32, %arg1: i32, %arg2: memref<102400xi32, #tpu.memory_space<hbm>>, %arg3: memref<30464xf32, #tpu.memory_space<hbm>>, %arg4: memref<100000x256xf32, #tpu.memory_space<hbm>>, %arg5: memref<3216xi32, #tpu.memory_space<vmem>>, %arg6: memref<30464xf32, #tpu.memory_space<vmem>>, %arg7: memref<80x256xf32, #tpu.memory_space<vmem>>, %arg8: memref<80x256xf32, #tpu.memory_space<vmem>>, %arg9: memref<80x256xf32, #tpu.memory_space<vmem>>, %arg10: memref<!tpu.dma_semaphore, #tpu.memory_space<semaphore_mem>>, %arg11: memref<!tpu.dma_semaphore, #tpu.memory_space<semaphore_mem>>, %arg12: memref<!tpu.dma_semaphore, #tpu.memory_space<semaphore_mem>>) attributes {dimension_semantics = [#tpu.dimension_semantics<core_parallel>, #tpu.dimension_semantics<subcore_parallel>], iteration_bounds = array<i64: 2, 16>, scalar_prefetch = 0 : i64, scratch_operands = 8 : i64, tpu.core_type = #tpu.core_type<sc_vector_subcore>, window_params = [{transform_indices = #map}, {transform_indices = #map}, {transform_indices = #map1}]} {
    %mul3A = arith.constant 2 : i32
    %mul3A_0 = arith.muli %arg1, %mul3A : i32
    %add3A = arith.addi %mul3A_0, %arg0 : i32
    %mul3A_1 = arith.constant 39 : i32
    %mul3A_2 = arith.muli %mul3A_1, %add3A : i32
    %min3A = arith.constant 2 : i32
    %min3A_3 = arith.minsi %add3A, %min3A : i32
    %add3A_4 = arith.addi %mul3A_2, %min3A_3 : i32
    %lt3A = arith.constant 2 : i32
    %lt3A_5 = arith.cmpi slt, %add3A, %lt3A : i32
    %jit3A = arith.constant 40 : i32
    %jit3A_6 = arith.constant 39 : i32
    %select_n3A = arith.select %lt3A_5, %jit3A, %jit3A_6 : i32
    %mul3A_7 = arith.constant 80 : i32
    %mul3A_8 = arith.muli %add3A_4, %mul3A_7 : i32
    "tpu.region"() ({
      %run_scoped3A = tpu.sem_alloc : memref<!tpu.dma_semaphore, #tpu.memory_space<semaphore_mem>>
      %dma_start3A = arith.constant 0 : i32
      %dma_start3A_33 = tpu.memref_slice %arg5[%dma_start3A] : memref<3216xi32, #tpu.memory_space<vmem>> -> memref<3200xi32, #tpu.memory_space<vmem>>
      %dma_start3A_34 = tpu.memref_slice %arg2[%mul3A_8] : memref<102400xi32, #tpu.memory_space<hbm>> -> memref<3200xi32, #tpu.memory_space<hbm>>
      %dma_start3A_35 = arith.constant 0 : i32
      %dma_start3A_36 = tpu.memref_slice %arg5[%dma_start3A_35] : memref<3216xi32, #tpu.memory_space<vmem>> -> memref<3200xi32, #tpu.memory_space<vmem>>
      %dma_start3A_37 = tpu.memref_slice %arg2[%mul3A_8] : memref<102400xi32, #tpu.memory_space<hbm>> -> memref<3200xi32, #tpu.memory_space<hbm>>
      tpu.enqueue_dma source(%dma_start3A_37 : memref<3200xi32, #tpu.memory_space<hbm>>) target(%dma_start3A_36 : memref<3200xi32, #tpu.memory_space<vmem>>) target_semaphore(%run_scoped3A : memref<!tpu.dma_semaphore, #tpu.memory_space<semaphore_mem>>)
      %dma_wait3A_38 = arith.constant 0 : i32
      %dma_wait3A_39 = tpu.memref_slice %arg5[%dma_wait3A_38] : memref<3216xi32, #tpu.memory_space<vmem>> -> memref<3200xi32, #tpu.memory_space<vmem>>
      %dma_wait3A_40 = tpu.memref_slice %arg2[%mul3A_8] : memref<102400xi32, #tpu.memory_space<hbm>> -> memref<3200xi32, #tpu.memory_space<hbm>>
      %dma_wait3A_41 = arith.constant 0 : i32
      %dma_wait3A_42 = tpu.memref_slice %arg5[%dma_wait3A_41] : memref<3216xi32, #tpu.memory_space<vmem>> -> memref<3200xi32, #tpu.memory_space<vmem>>
      %dma_wait3A_43 = tpu.memref_slice %arg2[%mul3A_8] : memref<102400xi32, #tpu.memory_space<hbm>> -> memref<3200xi32, #tpu.memory_space<hbm>>
      tpu.wait_dma2 semaphore(%run_scoped3A : memref<!tpu.dma_semaphore, #tpu.memory_space<semaphore_mem>>) src(%dma_wait3A_43 : memref<3200xi32, #tpu.memory_space<hbm>>) dst(%dma_wait3A_42 : memref<3200xi32, #tpu.memory_space<vmem>>)
      tpu.yield
    }) : () -> ()
    "tpu.region"() ({
      %run_scoped3A = tpu.sem_alloc : memref<!tpu.dma_semaphore, #tpu.memory_space<semaphore_mem>>
      tpu.enqueue_dma source(%arg3 : memref<30464xf32, #tpu.memory_space<hbm>>) target(%arg6 : memref<30464xf32, #tpu.memory_space<vmem>>) target_semaphore(%run_scoped3A : memref<!tpu.dma_semaphore, #tpu.memory_space<semaphore_mem>>)
      tpu.wait_dma2 semaphore(%run_scoped3A : memref<!tpu.dma_semaphore, #tpu.memory_space<semaphore_mem>>) src(%arg3 : memref<30464xf32, #tpu.memory_space<hbm>>) dst(%arg6 : memref<30464xf32, #tpu.memory_space<vmem>>)
      tpu.yield
    }) : () -> ()
    %scan3A = arith.constant 0 : i32
    %scan3A_9 = arith.constant 0 : i32
    %scan3A_10 = arith.constant 13 : i32
    %scan3A_11 = arith.addi %scan3A_9, %scan3A_10 : i32
    %scan3A_12 = arith.constant 1 : i32
    scf.for %scan3A_33 = %scan3A_9 to %scan3A_11 step %scan3A_12  : i32 {
      %mul3A_34 = arith.constant 3 : i32
      %mul3A_35 = arith.muli %mul3A_34, %scan3A_33 : i32
      %add3A_36 = arith.constant 0 : i32
      %add3A_37 = arith.addi %mul3A_35, %add3A_36 : i32
      %lt3A_38 = arith.cmpi slt, %add3A_37, %select_n3A : i32
      %convert_element_type3A_39 = arith.extui %lt3A_38 : i1 to i32
      %cond3A_40 = arith.constant 0 : i32
      %cond3A_41 = arith.cmpi ne, %convert_element_type3A_39, %cond3A_40 : i32
      scf.if %cond3A_41 {
        %ge3A = arith.constant 1 : i32
        %ge3A_58 = arith.cmpi sge, %scan3A_33, %ge3A : i32
        %convert_element_type3A_59 = arith.extui %ge3A_58 : i1 to i32
        %cond3A_60 = arith.constant 0 : i32
        %cond3A_61 = arith.cmpi ne, %convert_element_type3A_59, %cond3A_60 : i32
        scf.if %cond3A_61 {
          %dma_wait3A_70 = arith.constant 0 : i32
          %dma_wait3A_71 = arith.constant 0 : i32
          %dma_wait3A_72 = tpu.memref_slice %arg4[%dma_wait3A_70, %dma_wait3A_71] : memref<100000x256xf32, #tpu.memory_space<hbm>> -> memref<80x256xf32, #tpu.memory_space<hbm>>
          %dma_wait3A_73 = arith.constant 0 : i32
          %dma_wait3A_74 = arith.constant 0 : i32
          %dma_wait3A_75 = tpu.memref_slice %arg4[%dma_wait3A_73, %dma_wait3A_74] : memref<100000x256xf32, #tpu.memory_space<hbm>> -> memref<80x256xf32, #tpu.memory_space<hbm>>
          tpu.wait_dma2 semaphore(%arg10 : memref<!tpu.dma_semaphore, #tpu.memory_space<semaphore_mem>>) src(%arg7 : memref<80x256xf32, #tpu.memory_space<vmem>>) dst(%dma_wait3A_75 : memref<80x256xf32, #tpu.memory_space<hbm>>)
        } else {
        }
        %parallel_loop3A = arith.constant 0 : i32
        %parallel_loop3A_62 = arith.constant 80 : i32
        %parallel_loop3A_63 = arith.constant 1 : i32
        scf.for %parallel_loop3A_70 = %parallel_loop3A to %parallel_loop3A_62 step %parallel_loop3A_63  : i32 {
          %parallel_loop3A_71 = arith.constant 80 : i32
          %parallel_loop3A_72 = arith.muli %add3A_37, %parallel_loop3A_71 : i32
          %parallel_loop3A_73 = arith.addi %parallel_loop3A_72, %parallel_loop3A_70 : i32
          %parallel_loop3A_74 = arith.index_cast %parallel_loop3A_73 : i32 to index
          %parallel_loop3A_75 = tpu.vector_load %arg5[%parallel_loop3A_74] {strides = array<i32>} : memref<3216xi32, #tpu.memory_space<vmem>>, vector<16xi32>,
          %parallel_loop3A_76 = vector.extract_strided_slice %parallel_loop3A_75 {offsets = [0], sizes = [1], strides = [1]} : vector<16xi32> to vector<1xi32>
          %parallel_loop3A_77 = vector.extract %parallel_loop3A_76[0] : i32 from vector<1xi32>
          %parallel_loop3A_78 = arith.constant 256 : i32
          %parallel_loop3A_79 = arith.muli %parallel_loop3A_77, %parallel_loop3A_78 : i32
          %parallel_loop3A_80 = arith.constant 0 : i32
          %parallel_loop3A_81 = arith.addi %parallel_loop3A_79, %parallel_loop3A_80 : i32
          %parallel_loop3A_82 = arith.index_cast %parallel_loop3A_81 : i32 to index
          %parallel_loop3A_83 = tpu.vector_load %arg6[%parallel_loop3A_82] {strides = array<i32>} : memref<30464xf32, #tpu.memory_space<vmem>>, vector<16xf32>,
          %parallel_loop3A_84 = arith.index_cast %parallel_loop3A_70 : i32 to index
          %parallel_loop3A_85 = arith.constant 0 : index
          %parallel_loop3A_86 = tpu.vector_load %arg7[%parallel_loop3A_84, %parallel_loop3A_85] {strides = array<i32>} : memref<80x256xf32, #tpu.memory_space<vmem>>, vector<16xf32>,
          tpu.vector_store %arg7[%parallel_loop3A_84, %parallel_loop3A_85], %parallel_loop3A_83 {strides = array<i32>} : memref<80x256xf32, #tpu.memory_space<vmem>>, vector<16xf32>,
          %parallel_loop3A_87 = arith.constant 16 : i32
          %parallel_loop3A_88 = arith.addi %parallel_loop3A_79, %parallel_loop3A_87 : i32
          %parallel_loop3A_89 = arith.index_cast %parallel_loop3A_88 : i32 to index
          %parallel_loop3A_90 = tpu.vector_load %arg6[%parallel_loop3A_89] {strides = array<i32>} : memref<30464xf32, #tpu.memory_space<vmem>>, vector<16xf32>,
          %parallel_loop3A_91 = arith.index_cast %parallel_loop3A_70 : i32 to index
          %parallel_loop3A_92 = arith.constant 16 : index
          %parallel_loop3A_93 = tpu.vector_load %arg7[%parallel_loop3A_91, %parallel_loop3A_92] {strides = array<i32>} : memref<80x256xf32, #tpu.memory_space<vmem>>, vector<16xf32>,
          tpu.vector_store %arg7[%parallel_loop3A_91, %parallel_loop3A_92], %parallel_loop3A_90 {strides = array<i32>} : memref<80x256xf32, #tpu.memory_space<vmem>>, vector<16xf32>,
          %parallel_loop3A_94 = arith.constant 32 : i32
          %parallel_loop3A_95 = arith.addi %parallel_loop3A_79, %parallel_loop3A_94 : i32
          %parallel_loop3A_96 = arith.index_cast %parallel_loop3A_95 : i32 to index
          %parallel_loop3A_97 = tpu.vector_load %arg6[%parallel_loop3A_96] {strides = array<i32>} : memref<30464xf32, #tpu.memory_space<vmem>>, vector<16xf32>,
          %parallel_loop3A_98 = arith.index_cast %parallel_loop3A_70 : i32 to index
          %parallel_loop3A_99 = arith.constant 32 : index
          %parallel_loop3A_100 = tpu.vector_load %arg7[%parallel_loop3A_98, %parallel_loop3A_99] {strides = array<i32>} : memref<80x256xf32, #tpu.memory_space<vmem>>, vector<16xf32>,
          tpu.vector_store %arg7[%parallel_loop3A_98, %parallel_loop3A_99], %parallel_loop3A_97 {strides = array<i32>} : memref<80x256xf32, #tpu.memory_space<vmem>>, vector<16xf32>,
          %parallel_loop3A_101 = arith.constant 48 : i32
          %parallel_loop3A_102 = arith.addi %parallel_loop3A_79, %parallel_loop3A_101 : i32
          %parallel_loop3A_103 = arith.index_cast %parallel_loop3A_102 : i32 to index
          %parallel_loop3A_104 = tpu.vector_load %arg6[%parallel_loop3A_103] {strides = array<i32>} : memref<30464xf32, #tpu.memory_space<vmem>>, vector<16xf32>,
          %parallel_loop3A_105 = arith.index_cast %parallel_loop3A_70 : i32 to index
          %parallel_loop3A_106 = arith.constant 48 : index
          %parallel_loop3A_107 = tpu.vector_load %arg7[%parallel_loop3A_105, %parallel_loop3A_106] {strides = array<i32>} : memref<80x256xf32, #tpu.memory_space<vmem>>, vector<16xf32>,
          tpu.vector_store %arg7[%parallel_loop3A_105, %parallel_loop3A_106], %parallel_loop3A_104 {strides = array<i32>} : memref<80x256xf32, #tpu.memory_space<vmem>>, vector<16xf32>,
          %parallel_loop3A_108 = arith.constant 64 : i32
          %parallel_loop3A_109 = arith.addi %parallel_loop3A_79, %parallel_loop3A_108 : i32
          %parallel_loop3A_110 = arith.index_cast %parallel_loop3A_109 : i32 to index
          %parallel_loop3A_111 = tpu.vector_load %arg6[%parallel_loop3A_110] {strides = array<i32>} : memref<30464xf32, #tpu.memory_space<vmem>>, vector<16xf32>,
          %parallel_loop3A_112 = arith.index_cast %parallel_loop3A_70 : i32 to index
          %parallel_loop3A_113 = arith.constant 64 : index
          %parallel_loop3A_114 = tpu.vector_load %arg7[%parallel_loop3A_112, %parallel_loop3A_113] {strides = array<i32>} : memref<80x256xf32, #tpu.memory_space<vmem>>, vector<16xf32>,
          tpu.vector_store %arg7[%parallel_loop3A_112, %parallel_loop3A_113], %parallel_loop3A_111 {strides = array<i32>} : memref<80x256xf32, #tpu.memory_space<vmem>>, vector<16xf32>,
          %parallel_loop3A_115 = arith.constant 80 : i32
          %parallel_loop3A_116 = arith.addi %parallel_loop3A_79, %parallel_loop3A_115 : i32
          %parallel_loop3A_117 = arith.index_cast %parallel_loop3A_116 : i32 to index
          %parallel_loop3A_118 = tpu.vector_load %arg6[%parallel_loop3A_117] {strides = array<i32>} : memref<30464xf32, #tpu.memory_space<vmem>>, vector<16xf32>,
          %parallel_loop3A_119 = arith.index_cast %parallel_loop3A_70 : i32 to index
          %parallel_loop3A_120 = arith.constant 80 : index
          %parallel_loop3A_121 = tpu.vector_load %arg7[%parallel_loop3A_119, %parallel_loop3A_120] {strides = array<i32>} : memref<80x256xf32, #tpu.memory_space<vmem>>, vector<16xf32>,
          tpu.vector_store %arg7[%parallel_loop3A_119, %parallel_loop3A_120], %parallel_loop3A_118 {strides = array<i32>} : memref<80x256xf32, #tpu.memory_space<vmem>>, vector<16xf32>,
          %parallel_loop3A_122 = arith.constant 96 : i32
          %parallel_loop3A_123 = arith.addi %parallel_loop3A_79, %parallel_loop3A_122 : i32
          %parallel_loop3A_124 = arith.index_cast %parallel_loop3A_123 : i32 to index
          %parallel_loop3A_125 = tpu.vector_load %arg6[%parallel_loop3A_124] {strides = array<i32>} : memref<30464xf32, #tpu.memory_space<vmem>>, vector<16xf32>,
          %parallel_loop3A_126 = arith.index_cast %parallel_loop3A_70 : i32 to index
          %parallel_loop3A_127 = arith.constant 96 : index
          %parallel_loop3A_128 = tpu.vector_load %arg7[%parallel_loop3A_126, %parallel_loop3A_127] {strides = array<i32>} : memref<80x256xf32, #tpu.memory_space<vmem>>, vector<16xf32>,
          tpu.vector_store %arg7[%parallel_loop3A_126, %parallel_loop3A_127], %parallel_loop3A_125 {strides = array<i32>} : memref<80x256xf32, #tpu.memory_space<vmem>>, vector<16xf32>,
          %parallel_loop3A_129 = arith.constant 112 : i32
          %parallel_loop3A_130 = arith.addi %parallel_loop3A_79, %parallel_loop3A_129 : i32
          %parallel_loop3A_131 = arith.index_cast %parallel_loop3A_130 : i32 to index
          %parallel_loop3A_132 = tpu.vector_load %arg6[%parallel_loop3A_131] {strides = array<i32>} : memref<30464xf32, #tpu.memory_space<vmem>>, vector<16xf32>,
          %parallel_loop3A_133 = arith.index_cast %parallel_loop3A_70 : i32 to index
          %parallel_loop3A_134 = arith.constant 112 : index
          %parallel_loop3A_135 = tpu.vector_load %arg7[%parallel_loop3A_133, %parallel_loop3A_134] {strides = array<i32>} : memref<80x256xf32, #tpu.memory_space<vmem>>, vector<16xf32>,
          tpu.vector_store %arg7[%parallel_loop3A_133, %parallel_loop3A_134], %parallel_loop3A_132 {strides = array<i32>} : memref<80x256xf32, #tpu.memory_space<vmem>>, vector<16xf32>,
          %parallel_loop3A_136 = arith.constant 128 : i32
          %parallel_loop3A_137 = arith.addi %parallel_loop3A_79, %parallel_loop3A_136 : i32
          %parallel_loop3A_138 = arith.index_cast %parallel_loop3A_137 : i32 to index
          %parallel_loop3A_139 = tpu.vector_load %arg6[%parallel_loop3A_138] {strides = array<i32>} : memref<30464xf32, #tpu.memory_space<vmem>>, vector<16xf32>,
          %parallel_loop3A_140 = arith.index_cast %parallel_loop3A_70 : i32 to index
          %parallel_loop3A_141 = arith.constant 128 : index
          %parallel_loop3A_142 = tpu.vector_load %arg7[%parallel_loop3A_140, %parallel_loop3A_141] {strides = array<i32>} : memref<80x256xf32, #tpu.memory_space<vmem>>, vector<16xf32>,
          tpu.vector_store %arg7[%parallel_loop3A_140, %parallel_loop3A_141], %parallel_loop3A_139 {strides = array<i32>} : memref<80x256xf32, #tpu.memory_space<vmem>>, vector<16xf32>,
          %parallel_loop3A_143 = arith.constant 144 : i32
          %parallel_loop3A_144 = arith.addi %parallel_loop3A_79, %parallel_loop3A_143 : i32
          %parallel_loop3A_145 = arith.index_cast %parallel_loop3A_144 : i32 to index
          %parallel_loop3A_146 = tpu.vector_load %arg6[%parallel_loop3A_145] {strides = array<i32>} : memref<30464xf32, #tpu.memory_space<vmem>>, vector<16xf32>,
          %parallel_loop3A_147 = arith.index_cast %parallel_loop3A_70 : i32 to index
          %parallel_loop3A_148 = arith.constant 144 : index
          %parallel_loop3A_149 = tpu.vector_load %arg7[%parallel_loop3A_147, %parallel_loop3A_148] {strides = array<i32>} : memref<80x256xf32, #tpu.memory_space<vmem>>, vector<16xf32>,
          tpu.vector_store %arg7[%parallel_loop3A_147, %parallel_loop3A_148], %parallel_loop3A_146 {strides = array<i32>} : memref<80x256xf32, #tpu.memory_space<vmem>>, vector<16xf32>,
          %parallel_loop3A_150 = arith.constant 160 : i32
          %parallel_loop3A_151 = arith.addi %parallel_loop3A_79, %parallel_loop3A_150 : i32
          %parallel_loop3A_152 = arith.index_cast %parallel_loop3A_151 : i32 to index
          %parallel_loop3A_153 = tpu.vector_load %arg6[%parallel_loop3A_152] {strides = array<i32>} : memref<30464xf32, #tpu.memory_space<vmem>>, vector<16xf32>,
          %parallel_loop3A_154 = arith.index_cast %parallel_loop3A_70 : i32 to index
          %parallel_loop3A_155 = arith.constant 160 : index
          %parallel_loop3A_156 = tpu.vector_load %arg7[%parallel_loop3A_154, %parallel_loop3A_155] {strides = array<i32>} : memref<80x256xf32, #tpu.memory_space<vmem>>, vector<16xf32>,
          tpu.vector_store %arg7[%parallel_loop3A_154, %parallel_loop3A_155], %parallel_loop3A_153 {strides = array<i32>} : memref<80x256xf32, #tpu.memory_space<vmem>>, vector<16xf32>,
          %parallel_loop3A_157 = arith.constant 176 : i32
          %parallel_loop3A_158 = arith.addi %parallel_loop3A_79, %parallel_loop3A_157 : i32
          %parallel_loop3A_159 = arith.index_cast %parallel_loop3A_158 : i32 to index
          %parallel_loop3A_160 = tpu.vector_load %arg6[%parallel_loop3A_159] {strides = array<i32>} : memref<30464xf32, #tpu.memory_space<vmem>>, vector<16xf32>,
          %parallel_loop3A_161 = arith.index_cast %parallel_loop3A_70 : i32 to index
          %parallel_loop3A_162 = arith.constant 176 : index
          %parallel_loop3A_163 = tpu.vector_load %arg7[%parallel_loop3A_161, %parallel_loop3A_162] {strides = array<i32>} : memref<80x256xf32, #tpu.memory_space<vmem>>, vector<16xf32>,
          tpu.vector_store %arg7[%parallel_loop3A_161, %parallel_loop3A_162], %parallel_loop3A_160 {strides = array<i32>} : memref<80x256xf32, #tpu.memory_space<vmem>>, vector<16xf32>,
          %parallel_loop3A_164 = arith.constant 192 : i32
          %parallel_loop3A_165 = arith.addi %parallel_loop3A_79, %parallel_loop3A_164 : i32
          %parallel_loop3A_166 = arith.index_cast %parallel_loop3A_165 : i32 to index
          %parallel_loop3A_167 = tpu.vector_load %arg6[%parallel_loop3A_166] {strides = array<i32>} : memref<30464xf32, #tpu.memory_space<vmem>>, vector<16xf32>,
          %parallel_loop3A_168 = arith.index_cast %parallel_loop3A_70 : i32 to index
          %parallel_loop3A_169 = arith.constant 192 : index
          %parallel_loop3A_170 = tpu.vector_load %arg7[%parallel_loop3A_168, %parallel_loop3A_169] {strides = array<i32>} : memref<80x256xf32, #tpu.memory_space<vmem>>, vector<16xf32>,
          tpu.vector_store %arg7[%parallel_loop3A_168, %parallel_loop3A_169], %parallel_loop3A_167 {strides = array<i32>} : memref<80x256xf32, #tpu.memory_space<vmem>>, vector<16xf32>,
          %parallel_loop3A_171 = arith.constant 208 : i32
          %parallel_loop3A_172 = arith.addi %parallel_loop3A_79, %parallel_loop3A_171 : i32
          %parallel_loop3A_173 = arith.index_cast %parallel_loop3A_172 : i32 to index
          %parallel_loop3A_174 = tpu.vector_load %arg6[%parallel_loop3A_173] {strides = array<i32>} : memref<30464xf32, #tpu.memory_space<vmem>>, vector<16xf32>,
          %parallel_loop3A_175 = arith.index_cast %parallel_loop3A_70 : i32 to index
          %parallel_loop3A_176 = arith.constant 208 : index
          %parallel_loop3A_177 = tpu.vector_load %arg7[%parallel_loop3A_175, %parallel_loop3A_176] {strides = array<i32>} : memref<80x256xf32, #tpu.memory_space<vmem>>, vector<16xf32>,
          tpu.vector_store %arg7[%parallel_loop3A_175, %parallel_loop3A_176], %parallel_loop3A_174 {strides = array<i32>} : memref<80x256xf32, #tpu.memory_space<vmem>>, vector<16xf32>,
          %parallel_loop3A_178 = arith.constant 224 : i32
          %parallel_loop3A_179 = arith.addi %parallel_loop3A_79, %parallel_loop3A_178 : i32
          %parallel_loop3A_180 = arith.index_cast %parallel_loop3A_179 : i32 to index
          %parallel_loop3A_181 = tpu.vector_load %arg6[%parallel_loop3A_180] {strides = array<i32>} : memref<30464xf32, #tpu.memory_space<vmem>>, vector<16xf32>,
          %parallel_loop3A_182 = arith.index_cast %parallel_loop3A_70 : i32 to index
          %parallel_loop3A_183 = arith.constant 224 : index
          %parallel_loop3A_184 = tpu.vector_load %arg7[%parallel_loop3A_182, %parallel_loop3A_183] {strides = array<i32>} : memref<80x256xf32, #tpu.memory_space<vmem>>, vector<16xf32>,
          tpu.vector_store %arg7[%parallel_loop3A_182, %parallel_loop3A_183], %parallel_loop3A_181 {strides = array<i32>} : memref<80x256xf32, #tpu.memory_space<vmem>>, vector<16xf32>,
          %parallel_loop3A_185 = arith.constant 240 : i32
          %parallel_loop3A_186 = arith.addi %parallel_loop3A_79, %parallel_loop3A_185 : i32
          %parallel_loop3A_187 = arith.index_cast %parallel_loop3A_186 : i32 to index
          %parallel_loop3A_188 = tpu.vector_load %arg6[%parallel_loop3A_187] {strides = array<i32>} : memref<30464xf32, #tpu.memory_space<vmem>>, vector<16xf32>,
          %parallel_loop3A_189 = arith.index_cast %parallel_loop3A_70 : i32 to index
          %parallel_loop3A_190 = arith.constant 240 : index
          %parallel_loop3A_191 = tpu.vector_load %arg7[%parallel_loop3A_189, %parallel_loop3A_190] {strides = array<i32>} : memref<80x256xf32, #tpu.memory_space<vmem>>, vector<16xf32>,
          tpu.vector_store %arg7[%parallel_loop3A_189, %parallel_loop3A_190], %parallel_loop3A_188 {strides = array<i32>} : memref<80x256xf32, #tpu.memory_space<vmem>>, vector<16xf32>,
        } {sc.loop_unroll_factor = 8 : i64, sc.parallel_access}
        %add3A_64 = arith.addi %add3A_4, %add3A_37 : i32
        %mul3A_65 = arith.constant 80 : i32
        %mul3A_66 = arith.muli %add3A_64, %mul3A_65 : i32
        %dma_start3A = arith.constant 0 : i32
        %dma_start3A_67 = tpu.memref_slice %arg4[%mul3A_66, %dma_start3A] : memref<100000x256xf32, #tpu.memory_space<hbm>> -> memref<80x256xf32, #tpu.memory_space<hbm>>
        %dma_start3A_68 = arith.constant 0 : i32
        %dma_start3A_69 = tpu.memref_slice %arg4[%mul3A_66, %dma_start3A_68] : memref<100000x256xf32, #tpu.memory_space<hbm>> -> memref<80x256xf32, #tpu.memory_space<hbm>>
        tpu.enqueue_dma source(%arg7 : memref<80x256xf32, #tpu.memory_space<vmem>>) target(%dma_start3A_69 : memref<80x256xf32, #tpu.memory_space<hbm>>) target_semaphore(%arg10 : memref<!tpu.dma_semaphore, #tpu.memory_space<semaphore_mem>>)
      } else {
      }
      %mul3A_42 = arith.constant 3 : i32
      %mul3A_43 = arith.muli %mul3A_42, %scan3A_33 : i32
      %add3A_44 = arith.constant 1 : i32
      %add3A_45 = arith.addi %mul3A_43, %add3A_44 : i32
      %lt3A_46 = arith.cmpi slt, %add3A_45, %select_n3A : i32
      %convert_element_type3A_47 = arith.extui %lt3A_46 : i1 to i32
      %cond3A_48 = arith.constant 0 : i32
      %cond3A_49 = arith.cmpi ne, %convert_element_type3A_47, %cond3A_48 : i32
      scf.if %cond3A_49 {
        %ge3A = arith.constant 1 : i32
        %ge3A_58 = arith.cmpi sge, %scan3A_33, %ge3A : i32
        %convert_element_type3A_59 = arith.extui %ge3A_58 : i1 to i32
        %cond3A_60 = arith.constant 0 : i32
        %cond3A_61 = arith.cmpi ne, %convert_element_type3A_59, %cond3A_60 : i32
        scf.if %cond3A_61 {
          %dma_wait3A_70 = arith.constant 0 : i32
          %dma_wait3A_71 = arith.constant 0 : i32
          %dma_wait3A_72 = tpu.memref_slice %arg4[%dma_wait3A_70, %dma_wait3A_71] : memref<100000x256xf32, #tpu.memory_space<hbm>> -> memref<80x256xf32, #tpu.memory_space<hbm>>
          %dma_wait3A_73 = arith.constant 0 : i32
          %dma_wait3A_74 = arith.constant 0 : i32
          %dma_wait3A_75 = tpu.memref_slice %arg4[%dma_wait3A_73, %dma_wait3A_74] : memref<100000x256xf32, #tpu.memory_space<hbm>> -> memref<80x256xf32, #tpu.memory_space<hbm>>
          tpu.wait_dma2 semaphore(%arg11 : memref<!tpu.dma_semaphore, #tpu.memory_space<semaphore_mem>>) src(%arg8 : memref<80x256xf32, #tpu.memory_space<vmem>>) dst(%dma_wait3A_75 : memref<80x256xf32, #tpu.memory_space<hbm>>)
        } else {
        }
        %parallel_loop3A = arith.constant 0 : i32
        %parallel_loop3A_62 = arith.constant 80 : i32
        %parallel_loop3A_63 = arith.constant 1 : i32
        scf.for %parallel_loop3A_70 = %parallel_loop3A to %parallel_loop3A_62 step %parallel_loop3A_63  : i32 {
          %parallel_loop3A_71 = arith.constant 80 : i32
          %parallel_loop3A_72 = arith.muli %add3A_45, %parallel_loop3A_71 : i32
          %parallel_loop3A_73 = arith.addi %parallel_loop3A_72, %parallel_loop3A_70 : i32
          %parallel_loop3A_74 = arith.index_cast %parallel_loop3A_73 : i32 to index
          %parallel_loop3A_75 = tpu.vector_load %arg5[%parallel_loop3A_74] {strides = array<i32>} : memref<3216xi32, #tpu.memory_space<vmem>>, vector<16xi32>,
          %parallel_loop3A_76 = vector.extract_strided_slice %parallel_loop3A_75 {offsets = [0], sizes = [1], strides = [1]} : vector<16xi32> to vector<1xi32>
          %parallel_loop3A_77 = vector.extract %parallel_loop3A_76[0] : i32 from vector<1xi32>
          %parallel_loop3A_78 = arith.constant 256 : i32
          %parallel_loop3A_79 = arith.muli %parallel_loop3A_77, %parallel_loop3A_78 : i32
          %parallel_loop3A_80 = arith.constant 0 : i32
          %parallel_loop3A_81 = arith.addi %parallel_loop3A_79, %parallel_loop3A_80 : i32
          %parallel_loop3A_82 = arith.index_cast %parallel_loop3A_81 : i32 to index
          %parallel_loop3A_83 = tpu.vector_load %arg6[%parallel_loop3A_82] {strides = array<i32>} : memref<30464xf32, #tpu.memory_space<vmem>>, vector<16xf32>,
          %parallel_loop3A_84 = arith.index_cast %parallel_loop3A_70 : i32 to index
          %parallel_loop3A_85 = arith.constant 0 : index
          %parallel_loop3A_86 = tpu.vector_load %arg8[%parallel_loop3A_84, %parallel_loop3A_85] {strides = array<i32>} : memref<80x256xf32, #tpu.memory_space<vmem>>, vector<16xf32>,
          tpu.vector_store %arg8[%parallel_loop3A_84, %parallel_loop3A_85], %parallel_loop3A_83 {strides = array<i32>} : memref<80x256xf32, #tpu.memory_space<vmem>>, vector<16xf32>,
          %parallel_loop3A_87 = arith.constant 16 : i32
          %parallel_loop3A_88 = arith.addi %parallel_loop3A_79, %parallel_loop3A_87 : i32
          %parallel_loop3A_89 = arith.index_cast %parallel_loop3A_88 : i32 to index
          %parallel_loop3A_90 = tpu.vector_load %arg6[%parallel_loop3A_89] {strides = array<i32>} : memref<30464xf32, #tpu.memory_space<vmem>>, vector<16xf32>,
          %parallel_loop3A_91 = arith.index_cast %parallel_loop3A_70 : i32 to index
          %parallel_loop3A_92 = arith.constant 16 : index
          %parallel_loop3A_93 = tpu.vector_load %arg8[%parallel_loop3A_91, %parallel_loop3A_92] {strides = array<i32>} : memref<80x256xf32, #tpu.memory_space<vmem>>, vector<16xf32>,
          tpu.vector_store %arg8[%parallel_loop3A_91, %parallel_loop3A_92], %parallel_loop3A_90 {strides = array<i32>} : memref<80x256xf32, #tpu.memory_space<vmem>>, vector<16xf32>,
          %parallel_loop3A_94 = arith.constant 32 : i32
          %parallel_loop3A_95 = arith.addi %parallel_loop3A_79, %parallel_loop3A_94 : i32
          %parallel_loop3A_96 = arith.index_cast %parallel_loop3A_95 : i32 to index
          %parallel_loop3A_97 = tpu.vector_load %arg6[%parallel_loop3A_96] {strides = array<i32>} : memref<30464xf32, #tpu.memory_space<vmem>>, vector<16xf32>,
          %parallel_loop3A_98 = arith.index_cast %parallel_loop3A_70 : i32 to index
          %parallel_loop3A_99 = arith.constant 32 : index
          %parallel_loop3A_100 = tpu.vector_load %arg8[%parallel_loop3A_98, %parallel_loop3A_99] {strides = array<i32>} : memref<80x256xf32, #tpu.memory_space<vmem>>, vector<16xf32>,
          tpu.vector_store %arg8[%parallel_loop3A_98, %parallel_loop3A_99], %parallel_loop3A_97 {strides = array<i32>} : memref<80x256xf32, #tpu.memory_space<vmem>>, vector<16xf32>,
          %parallel_loop3A_101 = arith.constant 48 : i32
          %parallel_loop3A_102 = arith.addi %parallel_loop3A_79, %parallel_loop3A_101 : i32
          %parallel_loop3A_103 = arith.index_cast %parallel_loop3A_102 : i32 to index
          %parallel_loop3A_104 = tpu.vector_load %arg6[%parallel_loop3A_103] {strides = array<i32>} : memref<30464xf32, #tpu.memory_space<vmem>>, vector<16xf32>,
          %parallel_loop3A_105 = arith.index_cast %parallel_loop3A_70 : i32 to index
          %parallel_loop3A_106 = arith.constant 48 : index
          %parallel_loop3A_107 = tpu.vector_load %arg8[%parallel_loop3A_105, %parallel_loop3A_106] {strides = array<i32>} : memref<80x256xf32, #tpu.memory_space<vmem>>, vector<16xf32>,
          tpu.vector_store %arg8[%parallel_loop3A_105, %parallel_loop3A_106], %parallel_loop3A_104 {strides = array<i32>} : memref<80x256xf32, #tpu.memory_space<vmem>>, vector<16xf32>,
          %parallel_loop3A_108 = arith.constant 64 : i32
          %parallel_loop3A_109 = arith.addi %parallel_loop3A_79, %parallel_loop3A_108 : i32
          %parallel_loop3A_110 = arith.index_cast %parallel_loop3A_109 : i32 to index
          %parallel_loop3A_111 = tpu.vector_load %arg6[%parallel_loop3A_110] {strides = array<i32>} : memref<30464xf32, #tpu.memory_space<vmem>>, vector<16xf32>,
          %parallel_loop3A_112 = arith.index_cast %parallel_loop3A_70 : i32 to index
          %parallel_loop3A_113 = arith.constant 64 : index
          %parallel_loop3A_114 = tpu.vector_load %arg8[%parallel_loop3A_112, %parallel_loop3A_113] {strides = array<i32>} : memref<80x256xf32, #tpu.memory_space<vmem>>, vector<16xf32>,
          tpu.vector_store %arg8[%parallel_loop3A_112, %parallel_loop3A_113], %parallel_loop3A_111 {strides = array<i32>} : memref<80x256xf32, #tpu.memory_space<vmem>>, vector<16xf32>,
          %parallel_loop3A_115 = arith.constant 80 : i32
          %parallel_loop3A_116 = arith.addi %parallel_loop3A_79, %parallel_loop3A_115 : i32
          %parallel_loop3A_117 = arith.index_cast %parallel_loop3A_116 : i32 to index
          %parallel_loop3A_118 = tpu.vector_load %arg6[%parallel_loop3A_117] {strides = array<i32>} : memref<30464xf32, #tpu.memory_space<vmem>>, vector<16xf32>,
          %parallel_loop3A_119 = arith.index_cast %parallel_loop3A_70 : i32 to index
          %parallel_loop3A_120 = arith.constant 80 : index
          %parallel_loop3A_121 = tpu.vector_load %arg8[%parallel_loop3A_119, %parallel_loop3A_120] {strides = array<i32>} : memref<80x256xf32, #tpu.memory_space<vmem>>, vector<16xf32>,
          tpu.vector_store %arg8[%parallel_loop3A_119, %parallel_loop3A_120], %parallel_loop3A_118 {strides = array<i32>} : memref<80x256xf32, #tpu.memory_space<vmem>>, vector<16xf32>,
          %parallel_loop3A_122 = arith.constant 96 : i32
          %parallel_loop3A_123 = arith.addi %parallel_loop3A_79, %parallel_loop3A_122 : i32
          %parallel_loop3A_124 = arith.index_cast %parallel_loop3A_123 : i32 to index
          %parallel_loop3A_125 = tpu.vector_load %arg6[%parallel_loop3A_124] {strides = array<i32>} : memref<30464xf32, #tpu.memory_space<vmem>>, vector<16xf32>,
          %parallel_loop3A_126 = arith.index_cast %parallel_loop3A_70 : i32 to index
          %parallel_loop3A_127 = arith.constant 96 : index
          %parallel_loop3A_128 = tpu.vector_load %arg8[%parallel_loop3A_126, %parallel_loop3A_127] {strides = array<i32>} : memref<80x256xf32, #tpu.memory_space<vmem>>, vector<16xf32>,
          tpu.vector_store %arg8[%parallel_loop3A_126, %parallel_loop3A_127], %parallel_loop3A_125 {strides = array<i32>} : memref<80x256xf32, #tpu.memory_space<vmem>>, vector<16xf32>,
          %parallel_loop3A_129 = arith.constant 112 : i32
          %parallel_loop3A_130 = arith.addi %parallel_loop3A_79, %parallel_loop3A_129 : i32
          %parallel_loop3A_131 = arith.index_cast %parallel_loop3A_130 : i32 to index
          %parallel_loop3A_132 = tpu.vector_load %arg6[%parallel_loop3A_131] {strides = array<i32>} : memref<30464xf32, #tpu.memory_space<vmem>>, vector<16xf32>,
          %parallel_loop3A_133 = arith.index_cast %parallel_loop3A_70 : i32 to index
          %parallel_loop3A_134 = arith.constant 112 : index
          %parallel_loop3A_135 = tpu.vector_load %arg8[%parallel_loop3A_133, %parallel_loop3A_134] {strides = array<i32>} : memref<80x256xf32, #tpu.memory_space<vmem>>, vector<16xf32>,
          tpu.vector_store %arg8[%parallel_loop3A_133, %parallel_loop3A_134], %parallel_loop3A_132 {strides = array<i32>} : memref<80x256xf32, #tpu.memory_space<vmem>>, vector<16xf32>,
          %parallel_loop3A_136 = arith.constant 128 : i32
          %parallel_loop3A_137 = arith.addi %parallel_loop3A_79, %parallel_loop3A_136 : i32
          %parallel_loop3A_138 = arith.index_cast %parallel_loop3A_137 : i32 to index
          %parallel_loop3A_139 = tpu.vector_load %arg6[%parallel_loop3A_138] {strides = array<i32>} : memref<30464xf32, #tpu.memory_space<vmem>>, vector<16xf32>,
          %parallel_loop3A_140 = arith.index_cast %parallel_loop3A_70 : i32 to index
          %parallel_loop3A_141 = arith.constant 128 : index
          %parallel_loop3A_142 = tpu.vector_load %arg8[%parallel_loop3A_140, %parallel_loop3A_141] {strides = array<i32>} : memref<80x256xf32, #tpu.memory_space<vmem>>, vector<16xf32>,
          tpu.vector_store %arg8[%parallel_loop3A_140, %parallel_loop3A_141], %parallel_loop3A_139 {strides = array<i32>} : memref<80x256xf32, #tpu.memory_space<vmem>>, vector<16xf32>,
          %parallel_loop3A_143 = arith.constant 144 : i32
          %parallel_loop3A_144 = arith.addi %parallel_loop3A_79, %parallel_loop3A_143 : i32
          %parallel_loop3A_145 = arith.index_cast %parallel_loop3A_144 : i32 to index
          %parallel_loop3A_146 = tpu.vector_load %arg6[%parallel_loop3A_145] {strides = array<i32>} : memref<30464xf32, #tpu.memory_space<vmem>>, vector<16xf32>,
          %parallel_loop3A_147 = arith.index_cast %parallel_loop3A_70 : i32 to index
          %parallel_loop3A_148 = arith.constant 144 : index
          %parallel_loop3A_149 = tpu.vector_load %arg8[%parallel_loop3A_147, %parallel_loop3A_148] {strides = array<i32>} : memref<80x256xf32, #tpu.memory_space<vmem>>, vector<16xf32>,
          tpu.vector_store %arg8[%parallel_loop3A_147, %parallel_loop3A_148], %parallel_loop3A_146 {strides = array<i32>} : memref<80x256xf32, #tpu.memory_space<vmem>>, vector<16xf32>,
          %parallel_loop3A_150 = arith.constant 160 : i32
          %parallel_loop3A_151 = arith.addi %parallel_loop3A_79, %parallel_loop3A_150 : i32
          %parallel_loop3A_152 = arith.index_cast %parallel_loop3A_151 : i32 to index
          %parallel_loop3A_153 = tpu.vector_load %arg6[%parallel_loop3A_152] {strides = array<i32>} : memref<30464xf32, #tpu.memory_space<vmem>>, vector<16xf32>,
          %parallel_loop3A_154 = arith.index_cast %parallel_loop3A_70 : i32 to index
          %parallel_loop3A_155 = arith.constant 160 : index
          %parallel_loop3A_156 = tpu.vector_load %arg8[%parallel_loop3A_154, %parallel_loop3A_155] {strides = array<i32>} : memref<80x256xf32, #tpu.memory_space<vmem>>, vector<16xf32>,
          tpu.vector_store %arg8[%parallel_loop3A_154, %parallel_loop3A_155], %parallel_loop3A_153 {strides = array<i32>} : memref<80x256xf32, #tpu.memory_space<vmem>>, vector<16xf32>,
          %parallel_loop3A_157 = arith.constant 176 : i32
          %parallel_loop3A_158 = arith.addi %parallel_loop3A_79, %parallel_loop3A_157 : i32
          %parallel_loop3A_159 = arith.index_cast %parallel_loop3A_158 : i32 to index
          %parallel_loop3A_160 = tpu.vector_load %arg6[%parallel_loop3A_159] {strides = array<i32>} : memref<30464xf32, #tpu.memory_space<vmem>>, vector<16xf32>,
          %parallel_loop3A_161 = arith.index_cast %parallel_loop3A_70 : i32 to index
          %parallel_loop3A_162 = arith.constant 176 : index
          %parallel_loop3A_163 = tpu.vector_load %arg8[%parallel_loop3A_161, %parallel_loop3A_162] {strides = array<i32>} : memref<80x256xf32, #tpu.memory_space<vmem>>, vector<16xf32>,
          tpu.vector_store %arg8[%parallel_loop3A_161, %parallel_loop3A_162], %parallel_loop3A_160 {strides = array<i32>} : memref<80x256xf32, #tpu.memory_space<vmem>>, vector<16xf32>,
          %parallel_loop3A_164 = arith.constant 192 : i32
          %parallel_loop3A_165 = arith.addi %parallel_loop3A_79, %parallel_loop3A_164 : i32
          %parallel_loop3A_166 = arith.index_cast %parallel_loop3A_165 : i32 to index
          %parallel_loop3A_167 = tpu.vector_load %arg6[%parallel_loop3A_166] {strides = array<i32>} : memref<30464xf32, #tpu.memory_space<vmem>>, vector<16xf32>,
          %parallel_loop3A_168 = arith.index_cast %parallel_loop3A_70 : i32 to index
          %parallel_loop3A_169 = arith.constant 192 : index
          %parallel_loop3A_170 = tpu.vector_load %arg8[%parallel_loop3A_168, %parallel_loop3A_169] {strides = array<i32>} : memref<80x256xf32, #tpu.memory_space<vmem>>, vector<16xf32>,
          tpu.vector_store %arg8[%parallel_loop3A_168, %parallel_loop3A_169], %parallel_loop3A_167 {strides = array<i32>} : memref<80x256xf32, #tpu.memory_space<vmem>>, vector<16xf32>,
          %parallel_loop3A_171 = arith.constant 208 : i32
          %parallel_loop3A_172 = arith.addi %parallel_loop3A_79, %parallel_loop3A_171 : i32
          %parallel_loop3A_173 = arith.index_cast %parallel_loop3A_172 : i32 to index
          %parallel_loop3A_174 = tpu.vector_load %arg6[%parallel_loop3A_173] {strides = array<i32>} : memref<30464xf32, #tpu.memory_space<vmem>>, vector<16xf32>,
          %parallel_loop3A_175 = arith.index_cast %parallel_loop3A_70 : i32 to index
          %parallel_loop3A_176 = arith.constant 208 : index
          %parallel_loop3A_177 = tpu.vector_load %arg8[%parallel_loop3A_175, %parallel_loop3A_176] {strides = array<i32>} : memref<80x256xf32, #tpu.memory_space<vmem>>, vector<16xf32>,
          tpu.vector_store %arg8[%parallel_loop3A_175, %parallel_loop3A_176], %parallel_loop3A_174 {strides = array<i32>} : memref<80x256xf32, #tpu.memory_space<vmem>>, vector<16xf32>,
          %parallel_loop3A_178 = arith.constant 224 : i32
          %parallel_loop3A_179 = arith.addi %parallel_loop3A_79, %parallel_loop3A_178 : i32
          %parallel_loop3A_180 = arith.index_cast %parallel_loop3A_179 : i32 to index
          %parallel_loop3A_181 = tpu.vector_load %arg6[%parallel_loop3A_180] {strides = array<i32>} : memref<30464xf32, #tpu.memory_space<vmem>>, vector<16xf32>,
          %parallel_loop3A_182 = arith.index_cast %parallel_loop3A_70 : i32 to index
          %parallel_loop3A_183 = arith.constant 224 : index
          %parallel_loop3A_184 = tpu.vector_load %arg8[%parallel_loop3A_182, %parallel_loop3A_183] {strides = array<i32>} : memref<80x256xf32, #tpu.memory_space<vmem>>, vector<16xf32>,
          tpu.vector_store %arg8[%parallel_loop3A_182, %parallel_loop3A_183], %parallel_loop3A_181 {strides = array<i32>} : memref<80x256xf32, #tpu.memory_space<vmem>>, vector<16xf32>,
          %parallel_loop3A_185 = arith.constant 240 : i32
          %parallel_loop3A_186 = arith.addi %parallel_loop3A_79, %parallel_loop3A_185 : i32
          %parallel_loop3A_187 = arith.index_cast %parallel_loop3A_186 : i32 to index
          %parallel_loop3A_188 = tpu.vector_load %arg6[%parallel_loop3A_187] {strides = array<i32>} : memref<30464xf32, #tpu.memory_space<vmem>>, vector<16xf32>,
          %parallel_loop3A_189 = arith.index_cast %parallel_loop3A_70 : i32 to index
          %parallel_loop3A_190 = arith.constant 240 : index
          %parallel_loop3A_191 = tpu.vector_load %arg8[%parallel_loop3A_189, %parallel_loop3A_190] {strides = array<i32>} : memref<80x256xf32, #tpu.memory_space<vmem>>, vector<16xf32>,
          tpu.vector_store %arg8[%parallel_loop3A_189, %parallel_loop3A_190], %parallel_loop3A_188 {strides = array<i32>} : memref<80x256xf32, #tpu.memory_space<vmem>>, vector<16xf32>,
        } {sc.loop_unroll_factor = 8 : i64, sc.parallel_access}
        %add3A_64 = arith.addi %add3A_4, %add3A_45 : i32
        %mul3A_65 = arith.constant 80 : i32
        %mul3A_66 = arith.muli %add3A_64, %mul3A_65 : i32
        %dma_start3A = arith.constant 0 : i32
        %dma_start3A_67 = tpu.memref_slice %arg4[%mul3A_66, %dma_start3A] : memref<100000x256xf32, #tpu.memory_space<hbm>> -> memref<80x256xf32, #tpu.memory_space<hbm>>
        %dma_start3A_68 = arith.constant 0 : i32
        %dma_start3A_69 = tpu.memref_slice %arg4[%mul3A_66, %dma_start3A_68] : memref<100000x256xf32, #tpu.memory_space<hbm>> -> memref<80x256xf32, #tpu.memory_space<hbm>>
        tpu.enqueue_dma source(%arg8 : memref<80x256xf32, #tpu.memory_space<vmem>>) target(%dma_start3A_69 : memref<80x256xf32, #tpu.memory_space<hbm>>) target_semaphore(%arg11 : memref<!tpu.dma_semaphore, #tpu.memory_space<semaphore_mem>>)
      } else {
      }
      %mul3A_50 = arith.constant 3 : i32
      %mul3A_51 = arith.muli %mul3A_50, %scan3A_33 : i32
      %add3A_52 = arith.constant 2 : i32
      %add3A_53 = arith.addi %mul3A_51, %add3A_52 : i32
      %lt3A_54 = arith.cmpi slt, %add3A_53, %select_n3A : i32
      %convert_element_type3A_55 = arith.extui %lt3A_54 : i1 to i32
      %cond3A_56 = arith.constant 0 : i32
      %cond3A_57 = arith.cmpi ne, %convert_element_type3A_55, %cond3A_56 : i32
      scf.if %cond3A_57 {
        %ge3A = arith.constant 1 : i32
        %ge3A_58 = arith.cmpi sge, %scan3A_33, %ge3A : i32
        %convert_element_type3A_59 = arith.extui %ge3A_58 : i1 to i32
        %cond3A_60 = arith.constant 0 : i32
        %cond3A_61 = arith.cmpi ne, %convert_element_type3A_59, %cond3A_60 : i32
        scf.if %cond3A_61 {
          %dma_wait3A_70 = arith.constant 0 : i32
          %dma_wait3A_71 = arith.constant 0 : i32
          %dma_wait3A_72 = tpu.memref_slice %arg4[%dma_wait3A_70, %dma_wait3A_71] : memref<100000x256xf32, #tpu.memory_space<hbm>> -> memref<80x256xf32, #tpu.memory_space<hbm>>
          %dma_wait3A_73 = arith.constant 0 : i32
          %dma_wait3A_74 = arith.constant 0 : i32
          %dma_wait3A_75 = tpu.memref_slice %arg4[%dma_wait3A_73, %dma_wait3A_74] : memref<100000x256xf32, #tpu.memory_space<hbm>> -> memref<80x256xf32, #tpu.memory_space<hbm>>
          tpu.wait_dma2 semaphore(%arg12 : memref<!tpu.dma_semaphore, #tpu.memory_space<semaphore_mem>>) src(%arg9 : memref<80x256xf32, #tpu.memory_space<vmem>>) dst(%dma_wait3A_75 : memref<80x256xf32, #tpu.memory_space<hbm>>)
        } else {
        }
        %parallel_loop3A = arith.constant 0 : i32
        %parallel_loop3A_62 = arith.constant 80 : i32
        %parallel_loop3A_63 = arith.constant 1 : i32
        scf.for %parallel_loop3A_70 = %parallel_loop3A to %parallel_loop3A_62 step %parallel_loop3A_63  : i32 {
          %parallel_loop3A_71 = arith.constant 80 : i32
          %parallel_loop3A_72 = arith.muli %add3A_53, %parallel_loop3A_71 : i32
          %parallel_loop3A_73 = arith.addi %parallel_loop3A_72, %parallel_loop3A_70 : i32
          %parallel_loop3A_74 = arith.index_cast %parallel_loop3A_73 : i32 to index
          %parallel_loop3A_75 = tpu.vector_load %arg5[%parallel_loop3A_74] {strides = array<i32>} : memref<3216xi32, #tpu.memory_space<vmem>>, vector<16xi32>,
          %parallel_loop3A_76 = vector.extract_strided_slice %parallel_loop3A_75 {offsets = [0], sizes = [1], strides = [1]} : vector<16xi32> to vector<1xi32>
          %parallel_loop3A_77 = vector.extract %parallel_loop3A_76[0] : i32 from vector<1xi32>
          %parallel_loop3A_78 = arith.constant 256 : i32
          %parallel_loop3A_79 = arith.muli %parallel_loop3A_77, %parallel_loop3A_78 : i32
          %parallel_loop3A_80 = arith.constant 0 : i32
          %parallel_loop3A_81 = arith.addi %parallel_loop3A_79, %parallel_loop3A_80 : i32
          %parallel_loop3A_82 = arith.index_cast %parallel_loop3A_81 : i32 to index
          %parallel_loop3A_83 = tpu.vector_load %arg6[%parallel_loop3A_82] {strides = array<i32>} : memref<30464xf32, #tpu.memory_space<vmem>>, vector<16xf32>,
          %parallel_loop3A_84 = arith.index_cast %parallel_loop3A_70 : i32 to index
          %parallel_loop3A_85 = arith.constant 0 : index
          %parallel_loop3A_86 = tpu.vector_load %arg9[%parallel_loop3A_84, %parallel_loop3A_85] {strides = array<i32>} : memref<80x256xf32, #tpu.memory_space<vmem>>, vector<16xf32>,
          tpu.vector_store %arg9[%parallel_loop3A_84, %parallel_loop3A_85], %parallel_loop3A_83 {strides = array<i32>} : memref<80x256xf32, #tpu.memory_space<vmem>>, vector<16xf32>,
          %parallel_loop3A_87 = arith.constant 16 : i32
          %parallel_loop3A_88 = arith.addi %parallel_loop3A_79, %parallel_loop3A_87 : i32
          %parallel_loop3A_89 = arith.index_cast %parallel_loop3A_88 : i32 to index
          %parallel_loop3A_90 = tpu.vector_load %arg6[%parallel_loop3A_89] {strides = array<i32>} : memref<30464xf32, #tpu.memory_space<vmem>>, vector<16xf32>,
          %parallel_loop3A_91 = arith.index_cast %parallel_loop3A_70 : i32 to index
          %parallel_loop3A_92 = arith.constant 16 : index
          %parallel_loop3A_93 = tpu.vector_load %arg9[%parallel_loop3A_91, %parallel_loop3A_92] {strides = array<i32>} : memref<80x256xf32, #tpu.memory_space<vmem>>, vector<16xf32>,
          tpu.vector_store %arg9[%parallel_loop3A_91, %parallel_loop3A_92], %parallel_loop3A_90 {strides = array<i32>} : memref<80x256xf32, #tpu.memory_space<vmem>>, vector<16xf32>,
          %parallel_loop3A_94 = arith.constant 32 : i32
          %parallel_loop3A_95 = arith.addi %parallel_loop3A_79, %parallel_loop3A_94 : i32
          %parallel_loop3A_96 = arith.index_cast %parallel_loop3A_95 : i32 to index
          %parallel_loop3A_97 = tpu.vector_load %arg6[%parallel_loop3A_96] {strides = array<i32>} : memref<30464xf32, #tpu.memory_space<vmem>>, vector<16xf32>,
          %parallel_loop3A_98 = arith.index_cast %parallel_loop3A_70 : i32 to index
          %parallel_loop3A_99 = arith.constant 32 : index
          %parallel_loop3A_100 = tpu.vector_load %arg9[%parallel_loop3A_98, %parallel_loop3A_99] {strides = array<i32>} : memref<80x256xf32, #tpu.memory_space<vmem>>, vector<16xf32>,
          tpu.vector_store %arg9[%parallel_loop3A_98, %parallel_loop3A_99], %parallel_loop3A_97 {strides = array<i32>} : memref<80x256xf32, #tpu.memory_space<vmem>>, vector<16xf32>,
          %parallel_loop3A_101 = arith.constant 48 : i32
          %parallel_loop3A_102 = arith.addi %parallel_loop3A_79, %parallel_loop3A_101 : i32
          %parallel_loop3A_103 = arith.index_cast %parallel_loop3A_102 : i32 to index
          %parallel_loop3A_104 = tpu.vector_load %arg6[%parallel_loop3A_103] {strides = array<i32>} : memref<30464xf32, #tpu.memory_space<vmem>>, vector<16xf32>,
          %parallel_loop3A_105 = arith.index_cast %parallel_loop3A_70 : i32 to index
          %parallel_loop3A_106 = arith.constant 48 : index
          %parallel_loop3A_107 = tpu.vector_load %arg9[%parallel_loop3A_105, %parallel_loop3A_106] {strides = array<i32>} : memref<80x256xf32, #tpu.memory_space<vmem>>, vector<16xf32>,
          tpu.vector_store %arg9[%parallel_loop3A_105, %parallel_loop3A_106], %parallel_loop3A_104 {strides = array<i32>} : memref<80x256xf32, #tpu.memory_space<vmem>>, vector<16xf32>,
          %parallel_loop3A_108 = arith.constant 64 : i32
          %parallel_loop3A_109 = arith.addi %parallel_loop3A_79, %parallel_loop3A_108 : i32
          %parallel_loop3A_110 = arith.index_cast %parallel_loop3A_109 : i32 to index
          %parallel_loop3A_111 = tpu.vector_load %arg6[%parallel_loop3A_110] {strides = array<i32>} : memref<30464xf32, #tpu.memory_space<vmem>>, vector<16xf32>,
          %parallel_loop3A_112 = arith.index_cast %parallel_loop3A_70 : i32 to index
          %parallel_loop3A_113 = arith.constant 64 : index
          %parallel_loop3A_114 = tpu.vector_load %arg9[%parallel_loop3A_112, %parallel_loop3A_113] {strides = array<i32>} : memref<80x256xf32, #tpu.memory_space<vmem>>, vector<16xf32>,
          tpu.vector_store %arg9[%parallel_loop3A_112, %parallel_loop3A_113], %parallel_loop3A_111 {strides = array<i32>} : memref<80x256xf32, #tpu.memory_space<vmem>>, vector<16xf32>,
          %parallel_loop3A_115 = arith.constant 80 : i32
          %parallel_loop3A_116 = arith.addi %parallel_loop3A_79, %parallel_loop3A_115 : i32
          %parallel_loop3A_117 = arith.index_cast %parallel_loop3A_116 : i32 to index
          %parallel_loop3A_118 = tpu.vector_load %arg6[%parallel_loop3A_117] {strides = array<i32>} : memref<30464xf32, #tpu.memory_space<vmem>>, vector<16xf32>,
          %parallel_loop3A_119 = arith.index_cast %parallel_loop3A_70 : i32 to index
          %parallel_loop3A_120 = arith.constant 80 : index
          %parallel_loop3A_121 = tpu.vector_load %arg9[%parallel_loop3A_119, %parallel_loop3A_120] {strides = array<i32>} : memref<80x256xf32, #tpu.memory_space<vmem>>, vector<16xf32>,
          tpu.vector_store %arg9[%parallel_loop3A_119, %parallel_loop3A_120], %parallel_loop3A_118 {strides = array<i32>} : memref<80x256xf32, #tpu.memory_space<vmem>>, vector<16xf32>,
          %parallel_loop3A_122 = arith.constant 96 : i32
          %parallel_loop3A_123 = arith.addi %parallel_loop3A_79, %parallel_loop3A_122 : i32
          %parallel_loop3A_124 = arith.index_cast %parallel_loop3A_123 : i32 to index
          %parallel_loop3A_125 = tpu.vector_load %arg6[%parallel_loop3A_124] {strides = array<i32>} : memref<30464xf32, #tpu.memory_space<vmem>>, vector<16xf32>,
          %parallel_loop3A_126 = arith.index_cast %parallel_loop3A_70 : i32 to index
          %parallel_loop3A_127 = arith.constant 96 : index
          %parallel_loop3A_128 = tpu.vector_load %arg9[%parallel_loop3A_126, %parallel_loop3A_127] {strides = array<i32>} : memref<80x256xf32, #tpu.memory_space<vmem>>, vector<16xf32>,
          tpu.vector_store %arg9[%parallel_loop3A_126, %parallel_loop3A_127], %parallel_loop3A_125 {strides = array<i32>} : memref<80x256xf32, #tpu.memory_space<vmem>>, vector<16xf32>,
          %parallel_loop3A_129 = arith.constant 112 : i32
          %parallel_loop3A_130 = arith.addi %parallel_loop3A_79, %parallel_loop3A_129 : i32
          %parallel_loop3A_131 = arith.index_cast %parallel_loop3A_130 : i32 to index
          %parallel_loop3A_132 = tpu.vector_load %arg6[%parallel_loop3A_131] {strides = array<i32>} : memref<30464xf32, #tpu.memory_space<vmem>>, vector<16xf32>,
          %parallel_loop3A_133 = arith.index_cast %parallel_loop3A_70 : i32 to index
          %parallel_loop3A_134 = arith.constant 112 : index
          %parallel_loop3A_135 = tpu.vector_load %arg9[%parallel_loop3A_133, %parallel_loop3A_134] {strides = array<i32>} : memref<80x256xf32, #tpu.memory_space<vmem>>, vector<16xf32>,
          tpu.vector_store %arg9[%parallel_loop3A_133, %parallel_loop3A_134], %parallel_loop3A_132 {strides = array<i32>} : memref<80x256xf32, #tpu.memory_space<vmem>>, vector<16xf32>,
          %parallel_loop3A_136 = arith.constant 128 : i32
          %parallel_loop3A_137 = arith.addi %parallel_loop3A_79, %parallel_loop3A_136 : i32
          %parallel_loop3A_138 = arith.index_cast %parallel_loop3A_137 : i32 to index
          %parallel_loop3A_139 = tpu.vector_load %arg6[%parallel_loop3A_138] {strides = array<i32>} : memref<30464xf32, #tpu.memory_space<vmem>>, vector<16xf32>,
          %parallel_loop3A_140 = arith.index_cast %parallel_loop3A_70 : i32 to index
          %parallel_loop3A_141 = arith.constant 128 : index
          %parallel_loop3A_142 = tpu.vector_load %arg9[%parallel_loop3A_140, %parallel_loop3A_141] {strides = array<i32>} : memref<80x256xf32, #tpu.memory_space<vmem>>, vector<16xf32>,
          tpu.vector_store %arg9[%parallel_loop3A_140, %parallel_loop3A_141], %parallel_loop3A_139 {strides = array<i32>} : memref<80x256xf32, #tpu.memory_space<vmem>>, vector<16xf32>,
          %parallel_loop3A_143 = arith.constant 144 : i32
          %parallel_loop3A_144 = arith.addi %parallel_loop3A_79, %parallel_loop3A_143 : i32
          %parallel_loop3A_145 = arith.index_cast %parallel_loop3A_144 : i32 to index
          %parallel_loop3A_146 = tpu.vector_load %arg6[%parallel_loop3A_145] {strides = array<i32>} : memref<30464xf32, #tpu.memory_space<vmem>>, vector<16xf32>,
          %parallel_loop3A_147 = arith.index_cast %parallel_loop3A_70 : i32 to index
          %parallel_loop3A_148 = arith.constant 144 : index
          %parallel_loop3A_149 = tpu.vector_load %arg9[%parallel_loop3A_147, %parallel_loop3A_148] {strides = array<i32>} : memref<80x256xf32, #tpu.memory_space<vmem>>, vector<16xf32>,
          tpu.vector_store %arg9[%parallel_loop3A_147, %parallel_loop3A_148], %parallel_loop3A_146 {strides = array<i32>} : memref<80x256xf32, #tpu.memory_space<vmem>>, vector<16xf32>,
          %parallel_loop3A_150 = arith.constant 160 : i32
          %parallel_loop3A_151 = arith.addi %parallel_loop3A_79, %parallel_loop3A_150 : i32
          %parallel_loop3A_152 = arith.index_cast %parallel_loop3A_151 : i32 to index
          %parallel_loop3A_153 = tpu.vector_load %arg6[%parallel_loop3A_152] {strides = array<i32>} : memref<30464xf32, #tpu.memory_space<vmem>>, vector<16xf32>,
          %parallel_loop3A_154 = arith.index_cast %parallel_loop3A_70 : i32 to index
          %parallel_loop3A_155 = arith.constant 160 : index
          %parallel_loop3A_156 = tpu.vector_load %arg9[%parallel_loop3A_154, %parallel_loop3A_155] {strides = array<i32>} : memref<80x256xf32, #tpu.memory_space<vmem>>, vector<16xf32>,
          tpu.vector_store %arg9[%parallel_loop3A_154, %parallel_loop3A_155], %parallel_loop3A_153 {strides = array<i32>} : memref<80x256xf32, #tpu.memory_space<vmem>>, vector<16xf32>,
          %parallel_loop3A_157 = arith.constant 176 : i32
          %parallel_loop3A_158 = arith.addi %parallel_loop3A_79, %parallel_loop3A_157 : i32
          %parallel_loop3A_159 = arith.index_cast %parallel_loop3A_158 : i32 to index
          %parallel_loop3A_160 = tpu.vector_load %arg6[%parallel_loop3A_159] {strides = array<i32>} : memref<30464xf32, #tpu.memory_space<vmem>>, vector<16xf32>,
          %parallel_loop3A_161 = arith.index_cast %parallel_loop3A_70 : i32 to index
          %parallel_loop3A_162 = arith.constant 176 : index
          %parallel_loop3A_163 = tpu.vector_load %arg9[%parallel_loop3A_161, %parallel_loop3A_162] {strides = array<i32>} : memref<80x256xf32, #tpu.memory_space<vmem>>, vector<16xf32>,
          tpu.vector_store %arg9[%parallel_loop3A_161, %parallel_loop3A_162], %parallel_loop3A_160 {strides = array<i32>} : memref<80x256xf32, #tpu.memory_space<vmem>>, vector<16xf32>,
          %parallel_loop3A_164 = arith.constant 192 : i32
          %parallel_loop3A_165 = arith.addi %parallel_loop3A_79, %parallel_loop3A_164 : i32
          %parallel_loop3A_166 = arith.index_cast %parallel_loop3A_165 : i32 to index
          %parallel_loop3A_167 = tpu.vector_load %arg6[%parallel_loop3A_166] {strides = array<i32>} : memref<30464xf32, #tpu.memory_space<vmem>>, vector<16xf32>,
          %parallel_loop3A_168 = arith.index_cast %parallel_loop3A_70 : i32 to index
          %parallel_loop3A_169 = arith.constant 192 : index
          %parallel_loop3A_170 = tpu.vector_load %arg9[%parallel_loop3A_168, %parallel_loop3A_169] {strides = array<i32>} : memref<80x256xf32, #tpu.memory_space<vmem>>, vector<16xf32>,
          tpu.vector_store %arg9[%parallel_loop3A_168, %parallel_loop3A_169], %parallel_loop3A_167 {strides = array<i32>} : memref<80x256xf32, #tpu.memory_space<vmem>>, vector<16xf32>,
          %parallel_loop3A_171 = arith.constant 208 : i32
          %parallel_loop3A_172 = arith.addi %parallel_loop3A_79, %parallel_loop3A_171 : i32
          %parallel_loop3A_173 = arith.index_cast %parallel_loop3A_172 : i32 to index
          %parallel_loop3A_174 = tpu.vector_load %arg6[%parallel_loop3A_173] {strides = array<i32>} : memref<30464xf32, #tpu.memory_space<vmem>>, vector<16xf32>,
          %parallel_loop3A_175 = arith.index_cast %parallel_loop3A_70 : i32 to index
          %parallel_loop3A_176 = arith.constant 208 : index
          %parallel_loop3A_177 = tpu.vector_load %arg9[%parallel_loop3A_175, %parallel_loop3A_176] {strides = array<i32>} : memref<80x256xf32, #tpu.memory_space<vmem>>, vector<16xf32>,
          tpu.vector_store %arg9[%parallel_loop3A_175, %parallel_loop3A_176], %parallel_loop3A_174 {strides = array<i32>} : memref<80x256xf32, #tpu.memory_space<vmem>>, vector<16xf32>,
          %parallel_loop3A_178 = arith.constant 224 : i32
          %parallel_loop3A_179 = arith.addi %parallel_loop3A_79, %parallel_loop3A_178 : i32
          %parallel_loop3A_180 = arith.index_cast %parallel_loop3A_179 : i32 to index
          %parallel_loop3A_181 = tpu.vector_load %arg6[%parallel_loop3A_180] {strides = array<i32>} : memref<30464xf32, #tpu.memory_space<vmem>>, vector<16xf32>,
          %parallel_loop3A_182 = arith.index_cast %parallel_loop3A_70 : i32 to index
          %parallel_loop3A_183 = arith.constant 224 : index
          %parallel_loop3A_184 = tpu.vector_load %arg9[%parallel_loop3A_182, %parallel_loop3A_183] {strides = array<i32>} : memref<80x256xf32, #tpu.memory_space<vmem>>, vector<16xf32>,
          tpu.vector_store %arg9[%parallel_loop3A_182, %parallel_loop3A_183], %parallel_loop3A_181 {strides = array<i32>} : memref<80x256xf32, #tpu.memory_space<vmem>>, vector<16xf32>,
          %parallel_loop3A_185 = arith.constant 240 : i32
          %parallel_loop3A_186 = arith.addi %parallel_loop3A_79, %parallel_loop3A_185 : i32
          %parallel_loop3A_187 = arith.index_cast %parallel_loop3A_186 : i32 to index
          %parallel_loop3A_188 = tpu.vector_load %arg6[%parallel_loop3A_187] {strides = array<i32>} : memref<30464xf32, #tpu.memory_space<vmem>>, vector<16xf32>,
          %parallel_loop3A_189 = arith.index_cast %parallel_loop3A_70 : i32 to index
          %parallel_loop3A_190 = arith.constant 240 : index
          %parallel_loop3A_191 = tpu.vector_load %arg9[%parallel_loop3A_189, %parallel_loop3A_190] {strides = array<i32>} : memref<80x256xf32, #tpu.memory_space<vmem>>, vector<16xf32>,
          tpu.vector_store %arg9[%parallel_loop3A_189, %parallel_loop3A_190], %parallel_loop3A_188 {strides = array<i32>} : memref<80x256xf32, #tpu.memory_space<vmem>>, vector<16xf32>,
        } {sc.loop_unroll_factor = 8 : i64, sc.parallel_access}
        %add3A_64 = arith.addi %add3A_4, %add3A_53 : i32
        %mul3A_65 = arith.constant 80 : i32
        %mul3A_66 = arith.muli %add3A_64, %mul3A_65 : i32
        %dma_start3A = arith.constant 0 : i32
        %dma_start3A_67 = tpu.memref_slice %arg4[%mul3A_66, %dma_start3A] : memref<100000x256xf32, #tpu.memory_space<hbm>> -> memref<80x256xf32, #tpu.memory_space<hbm>>
        %dma_start3A_68 = arith.constant 0 : i32
        %dma_start3A_69 = tpu.memref_slice %arg4[%mul3A_66, %dma_start3A_68] : memref<100000x256xf32, #tpu.memory_space<hbm>> -> memref<80x256xf32, #tpu.memory_space<hbm>>
        tpu.enqueue_dma source(%arg9 : memref<80x256xf32, #tpu.memory_space<vmem>>) target(%dma_start3A_69 : memref<80x256xf32, #tpu.memory_space<hbm>>) target_semaphore(%arg12 : memref<!tpu.dma_semaphore, #tpu.memory_space<semaphore_mem>>)
      } else {
      }
    }
    %scan3A_13 = arith.constant 13 : i32
    %gt3A = arith.constant 39 : i32
    %gt3A_14 = arith.cmpi sgt, %select_n3A, %gt3A : i32
    %convert_element_type3A = arith.extui %gt3A_14 : i1 to i32
    %cond3A = arith.constant 0 : i32
    %cond3A_15 = arith.cmpi ne, %convert_element_type3A, %cond3A : i32
    scf.if %cond3A_15 {
      %dma_wait3A_33 = arith.constant 0 : i32
      %dma_wait3A_34 = arith.constant 0 : i32
      %dma_wait3A_35 = tpu.memref_slice %arg4[%dma_wait3A_33, %dma_wait3A_34] : memref<100000x256xf32, #tpu.memory_space<hbm>> -> memref<80x256xf32, #tpu.memory_space<hbm>>
      %dma_wait3A_36 = arith.constant 0 : i32
      %dma_wait3A_37 = arith.constant 0 : i32
      %dma_wait3A_38 = tpu.memref_slice %arg4[%dma_wait3A_36, %dma_wait3A_37] : memref<100000x256xf32, #tpu.memory_space<hbm>> -> memref<80x256xf32, #tpu.memory_space<hbm>>
      tpu.wait_dma2 semaphore(%arg10 : memref<!tpu.dma_semaphore, #tpu.memory_space<semaphore_mem>>) src(%arg7 : memref<80x256xf32, #tpu.memory_space<vmem>>) dst(%dma_wait3A_38 : memref<80x256xf32, #tpu.memory_space<hbm>>)
      %parallel_loop3A = arith.constant 0 : i32
      %parallel_loop3A_39 = arith.constant 80 : i32
      %parallel_loop3A_40 = arith.constant 1 : i32
      scf.for %parallel_loop3A_48 = %parallel_loop3A to %parallel_loop3A_39 step %parallel_loop3A_40  : i32 {
        %parallel_loop3A_49 = arith.constant 3120 : i32
        %parallel_loop3A_50 = arith.addi %parallel_loop3A_49, %parallel_loop3A_48 : i32
        %parallel_loop3A_51 = arith.index_cast %parallel_loop3A_50 : i32 to index
        %parallel_loop3A_52 = tpu.vector_load %arg5[%parallel_loop3A_51] {strides = array<i32>} : memref<3216xi32, #tpu.memory_space<vmem>>, vector<16xi32>,
        %parallel_loop3A_53 = vector.extract_strided_slice %parallel_loop3A_52 {offsets = [0], sizes = [1], strides = [1]} : vector<16xi32> to vector<1xi32>
        %parallel_loop3A_54 = vector.extract %parallel_loop3A_53[0] : i32 from vector<1xi32>
        %parallel_loop3A_55 = arith.constant 256 : i32
        %parallel_loop3A_56 = arith.muli %parallel_loop3A_54, %parallel_loop3A_55 : i32
        %parallel_loop3A_57 = arith.constant 0 : i32
        %parallel_loop3A_58 = arith.addi %parallel_loop3A_56, %parallel_loop3A_57 : i32
        %parallel_loop3A_59 = arith.index_cast %parallel_loop3A_58 : i32 to index
        %parallel_loop3A_60 = tpu.vector_load %arg6[%parallel_loop3A_59] {strides = array<i32>} : memref<30464xf32, #tpu.memory_space<vmem>>, vector<16xf32>,
        %parallel_loop3A_61 = arith.index_cast %parallel_loop3A_48 : i32 to index
        %parallel_loop3A_62 = arith.constant 0 : index
        %parallel_loop3A_63 = tpu.vector_load %arg7[%parallel_loop3A_61, %parallel_loop3A_62] {strides = array<i32>} : memref<80x256xf32, #tpu.memory_space<vmem>>, vector<16xf32>,
        tpu.vector_store %arg7[%parallel_loop3A_61, %parallel_loop3A_62], %parallel_loop3A_60 {strides = array<i32>} : memref<80x256xf32, #tpu.memory_space<vmem>>, vector<16xf32>,
        %parallel_loop3A_64 = arith.constant 16 : i32
        %parallel_loop3A_65 = arith.addi %parallel_loop3A_56, %parallel_loop3A_64 : i32
        %parallel_loop3A_66 = arith.index_cast %parallel_loop3A_65 : i32 to index
        %parallel_loop3A_67 = tpu.vector_load %arg6[%parallel_loop3A_66] {strides = array<i32>} : memref<30464xf32, #tpu.memory_space<vmem>>, vector<16xf32>,
        %parallel_loop3A_68 = arith.index_cast %parallel_loop3A_48 : i32 to index
        %parallel_loop3A_69 = arith.constant 16 : index
        %parallel_loop3A_70 = tpu.vector_load %arg7[%parallel_loop3A_68, %parallel_loop3A_69] {strides = array<i32>} : memref<80x256xf32, #tpu.memory_space<vmem>>, vector<16xf32>,
        tpu.vector_store %arg7[%parallel_loop3A_68, %parallel_loop3A_69], %parallel_loop3A_67 {strides = array<i32>} : memref<80x256xf32, #tpu.memory_space<vmem>>, vector<16xf32>,
        %parallel_loop3A_71 = arith.constant 32 : i32
        %parallel_loop3A_72 = arith.addi %parallel_loop3A_56, %parallel_loop3A_71 : i32
        %parallel_loop3A_73 = arith.index_cast %parallel_loop3A_72 : i32 to index
        %parallel_loop3A_74 = tpu.vector_load %arg6[%parallel_loop3A_73] {strides = array<i32>} : memref<30464xf32, #tpu.memory_space<vmem>>, vector<16xf32>,
        %parallel_loop3A_75 = arith.index_cast %parallel_loop3A_48 : i32 to index
        %parallel_loop3A_76 = arith.constant 32 : index
        %parallel_loop3A_77 = tpu.vector_load %arg7[%parallel_loop3A_75, %parallel_loop3A_76] {strides = array<i32>} : memref<80x256xf32, #tpu.memory_space<vmem>>, vector<16xf32>,
        tpu.vector_store %arg7[%parallel_loop3A_75, %parallel_loop3A_76], %parallel_loop3A_74 {strides = array<i32>} : memref<80x256xf32, #tpu.memory_space<vmem>>, vector<16xf32>,
        %parallel_loop3A_78 = arith.constant 48 : i32
        %parallel_loop3A_79 = arith.addi %parallel_loop3A_56, %parallel_loop3A_78 : i32
        %parallel_loop3A_80 = arith.index_cast %parallel_loop3A_79 : i32 to index
        %parallel_loop3A_81 = tpu.vector_load %arg6[%parallel_loop3A_80] {strides = array<i32>} : memref<30464xf32, #tpu.memory_space<vmem>>, vector<16xf32>,
        %parallel_loop3A_82 = arith.index_cast %parallel_loop3A_48 : i32 to index
        %parallel_loop3A_83 = arith.constant 48 : index
        %parallel_loop3A_84 = tpu.vector_load %arg7[%parallel_loop3A_82, %parallel_loop3A_83] {strides = array<i32>} : memref<80x256xf32, #tpu.memory_space<vmem>>, vector<16xf32>,
        tpu.vector_store %arg7[%parallel_loop3A_82, %parallel_loop3A_83], %parallel_loop3A_81 {strides = array<i32>} : memref<80x256xf32, #tpu.memory_space<vmem>>, vector<16xf32>,
        %parallel_loop3A_85 = arith.constant 64 : i32
        %parallel_loop3A_86 = arith.addi %parallel_loop3A_56, %parallel_loop3A_85 : i32
        %parallel_loop3A_87 = arith.index_cast %parallel_loop3A_86 : i32 to index
        %parallel_loop3A_88 = tpu.vector_load %arg6[%parallel_loop3A_87] {strides = array<i32>} : memref<30464xf32, #tpu.memory_space<vmem>>, vector<16xf32>,
        %parallel_loop3A_89 = arith.index_cast %parallel_loop3A_48 : i32 to index
        %parallel_loop3A_90 = arith.constant 64 : index
        %parallel_loop3A_91 = tpu.vector_load %arg7[%parallel_loop3A_89, %parallel_loop3A_90] {strides = array<i32>} : memref<80x256xf32, #tpu.memory_space<vmem>>, vector<16xf32>,
        tpu.vector_store %arg7[%parallel_loop3A_89, %parallel_loop3A_90], %parallel_loop3A_88 {strides = array<i32>} : memref<80x256xf32, #tpu.memory_space<vmem>>, vector<16xf32>,
        %parallel_loop3A_92 = arith.constant 80 : i32
        %parallel_loop3A_93 = arith.addi %parallel_loop3A_56, %parallel_loop3A_92 : i32
        %parallel_loop3A_94 = arith.index_cast %parallel_loop3A_93 : i32 to index
        %parallel_loop3A_95 = tpu.vector_load %arg6[%parallel_loop3A_94] {strides = array<i32>} : memref<30464xf32, #tpu.memory_space<vmem>>, vector<16xf32>,
        %parallel_loop3A_96 = arith.index_cast %parallel_loop3A_48 : i32 to index
        %parallel_loop3A_97 = arith.constant 80 : index
        %parallel_loop3A_98 = tpu.vector_load %arg7[%parallel_loop3A_96, %parallel_loop3A_97] {strides = array<i32>} : memref<80x256xf32, #tpu.memory_space<vmem>>, vector<16xf32>,
        tpu.vector_store %arg7[%parallel_loop3A_96, %parallel_loop3A_97], %parallel_loop3A_95 {strides = array<i32>} : memref<80x256xf32, #tpu.memory_space<vmem>>, vector<16xf32>,
        %parallel_loop3A_99 = arith.constant 96 : i32
        %parallel_loop3A_100 = arith.addi %parallel_loop3A_56, %parallel_loop3A_99 : i32
        %parallel_loop3A_101 = arith.index_cast %parallel_loop3A_100 : i32 to index
        %parallel_loop3A_102 = tpu.vector_load %arg6[%parallel_loop3A_101] {strides = array<i32>} : memref<30464xf32, #tpu.memory_space<vmem>>, vector<16xf32>,
        %parallel_loop3A_103 = arith.index_cast %parallel_loop3A_48 : i32 to index
        %parallel_loop3A_104 = arith.constant 96 : index
        %parallel_loop3A_105 = tpu.vector_load %arg7[%parallel_loop3A_103, %parallel_loop3A_104] {strides = array<i32>} : memref<80x256xf32, #tpu.memory_space<vmem>>, vector<16xf32>,
        tpu.vector_store %arg7[%parallel_loop3A_103, %parallel_loop3A_104], %parallel_loop3A_102 {strides = array<i32>} : memref<80x256xf32, #tpu.memory_space<vmem>>, vector<16xf32>,
        %parallel_loop3A_106 = arith.constant 112 : i32
        %parallel_loop3A_107 = arith.addi %parallel_loop3A_56, %parallel_loop3A_106 : i32
        %parallel_loop3A_108 = arith.index_cast %parallel_loop3A_107 : i32 to index
        %parallel_loop3A_109 = tpu.vector_load %arg6[%parallel_loop3A_108] {strides = array<i32>} : memref<30464xf32, #tpu.memory_space<vmem>>, vector<16xf32>,
        %parallel_loop3A_110 = arith.index_cast %parallel_loop3A_48 : i32 to index
        %parallel_loop3A_111 = arith.constant 112 : index
        %parallel_loop3A_112 = tpu.vector_load %arg7[%parallel_loop3A_110, %parallel_loop3A_111] {strides = array<i32>} : memref<80x256xf32, #tpu.memory_space<vmem>>, vector<16xf32>,
        tpu.vector_store %arg7[%parallel_loop3A_110, %parallel_loop3A_111], %parallel_loop3A_109 {strides = array<i32>} : memref<80x256xf32, #tpu.memory_space<vmem>>, vector<16xf32>,
        %parallel_loop3A_113 = arith.constant 128 : i32
        %parallel_loop3A_114 = arith.addi %parallel_loop3A_56, %parallel_loop3A_113 : i32
        %parallel_loop3A_115 = arith.index_cast %parallel_loop3A_114 : i32 to index
        %parallel_loop3A_116 = tpu.vector_load %arg6[%parallel_loop3A_115] {strides = array<i32>} : memref<30464xf32, #tpu.memory_space<vmem>>, vector<16xf32>,
        %parallel_loop3A_117 = arith.index_cast %parallel_loop3A_48 : i32 to index
        %parallel_loop3A_118 = arith.constant 128 : index
        %parallel_loop3A_119 = tpu.vector_load %arg7[%parallel_loop3A_117, %parallel_loop3A_118] {strides = array<i32>} : memref<80x256xf32, #tpu.memory_space<vmem>>, vector<16xf32>,
        tpu.vector_store %arg7[%parallel_loop3A_117, %parallel_loop3A_118], %parallel_loop3A_116 {strides = array<i32>} : memref<80x256xf32, #tpu.memory_space<vmem>>, vector<16xf32>,
        %parallel_loop3A_120 = arith.constant 144 : i32
        %parallel_loop3A_121 = arith.addi %parallel_loop3A_56, %parallel_loop3A_120 : i32
        %parallel_loop3A_122 = arith.index_cast %parallel_loop3A_121 : i32 to index
        %parallel_loop3A_123 = tpu.vector_load %arg6[%parallel_loop3A_122] {strides = array<i32>} : memref<30464xf32, #tpu.memory_space<vmem>>, vector<16xf32>,
        %parallel_loop3A_124 = arith.index_cast %parallel_loop3A_48 : i32 to index
        %parallel_loop3A_125 = arith.constant 144 : index
        %parallel_loop3A_126 = tpu.vector_load %arg7[%parallel_loop3A_124, %parallel_loop3A_125] {strides = array<i32>} : memref<80x256xf32, #tpu.memory_space<vmem>>, vector<16xf32>,
        tpu.vector_store %arg7[%parallel_loop3A_124, %parallel_loop3A_125], %parallel_loop3A_123 {strides = array<i32>} : memref<80x256xf32, #tpu.memory_space<vmem>>, vector<16xf32>,
        %parallel_loop3A_127 = arith.constant 160 : i32
        %parallel_loop3A_128 = arith.addi %parallel_loop3A_56, %parallel_loop3A_127 : i32
        %parallel_loop3A_129 = arith.index_cast %parallel_loop3A_128 : i32 to index
        %parallel_loop3A_130 = tpu.vector_load %arg6[%parallel_loop3A_129] {strides = array<i32>} : memref<30464xf32, #tpu.memory_space<vmem>>, vector<16xf32>,
        %parallel_loop3A_131 = arith.index_cast %parallel_loop3A_48 : i32 to index
        %parallel_loop3A_132 = arith.constant 160 : index
        %parallel_loop3A_133 = tpu.vector_load %arg7[%parallel_loop3A_131, %parallel_loop3A_132] {strides = array<i32>} : memref<80x256xf32, #tpu.memory_space<vmem>>, vector<16xf32>,
        tpu.vector_store %arg7[%parallel_loop3A_131, %parallel_loop3A_132], %parallel_loop3A_130 {strides = array<i32>} : memref<80x256xf32, #tpu.memory_space<vmem>>, vector<16xf32>,
        %parallel_loop3A_134 = arith.constant 176 : i32
        %parallel_loop3A_135 = arith.addi %parallel_loop3A_56, %parallel_loop3A_134 : i32
        %parallel_loop3A_136 = arith.index_cast %parallel_loop3A_135 : i32 to index
        %parallel_loop3A_137 = tpu.vector_load %arg6[%parallel_loop3A_136] {strides = array<i32>} : memref<30464xf32, #tpu.memory_space<vmem>>, vector<16xf32>,
        %parallel_loop3A_138 = arith.index_cast %parallel_loop3A_48 : i32 to index
        %parallel_loop3A_139 = arith.constant 176 : index
        %parallel_loop3A_140 = tpu.vector_load %arg7[%parallel_loop3A_138, %parallel_loop3A_139] {strides = array<i32>} : memref<80x256xf32, #tpu.memory_space<vmem>>, vector<16xf32>,
        tpu.vector_store %arg7[%parallel_loop3A_138, %parallel_loop3A_139], %parallel_loop3A_137 {strides = array<i32>} : memref<80x256xf32, #tpu.memory_space<vmem>>, vector<16xf32>,
        %parallel_loop3A_141 = arith.constant 192 : i32
        %parallel_loop3A_142 = arith.addi %parallel_loop3A_56, %parallel_loop3A_141 : i32
        %parallel_loop3A_143 = arith.index_cast %parallel_loop3A_142 : i32 to index
        %parallel_loop3A_144 = tpu.vector_load %arg6[%parallel_loop3A_143] {strides = array<i32>} : memref<30464xf32, #tpu.memory_space<vmem>>, vector<16xf32>,
        %parallel_loop3A_145 = arith.index_cast %parallel_loop3A_48 : i32 to index
        %parallel_loop3A_146 = arith.constant 192 : index
        %parallel_loop3A_147 = tpu.vector_load %arg7[%parallel_loop3A_145, %parallel_loop3A_146] {strides = array<i32>} : memref<80x256xf32, #tpu.memory_space<vmem>>, vector<16xf32>,
        tpu.vector_store %arg7[%parallel_loop3A_145, %parallel_loop3A_146], %parallel_loop3A_144 {strides = array<i32>} : memref<80x256xf32, #tpu.memory_space<vmem>>, vector<16xf32>,
        %parallel_loop3A_148 = arith.constant 208 : i32
        %parallel_loop3A_149 = arith.addi %parallel_loop3A_56, %parallel_loop3A_148 : i32
        %parallel_loop3A_150 = arith.index_cast %parallel_loop3A_149 : i32 to index
        %parallel_loop3A_151 = tpu.vector_load %arg6[%parallel_loop3A_150] {strides = array<i32>} : memref<30464xf32, #tpu.memory_space<vmem>>, vector<16xf32>,
        %parallel_loop3A_152 = arith.index_cast %parallel_loop3A_48 : i32 to index
        %parallel_loop3A_153 = arith.constant 208 : index
        %parallel_loop3A_154 = tpu.vector_load %arg7[%parallel_loop3A_152, %parallel_loop3A_153] {strides = array<i32>} : memref<80x256xf32, #tpu.memory_space<vmem>>, vector<16xf32>,
        tpu.vector_store %arg7[%parallel_loop3A_152, %parallel_loop3A_153], %parallel_loop3A_151 {strides = array<i32>} : memref<80x256xf32, #tpu.memory_space<vmem>>, vector<16xf32>,
        %parallel_loop3A_155 = arith.constant 224 : i32
        %parallel_loop3A_156 = arith.addi %parallel_loop3A_56, %parallel_loop3A_155 : i32
        %parallel_loop3A_157 = arith.index_cast %parallel_loop3A_156 : i32 to index
        %parallel_loop3A_158 = tpu.vector_load %arg6[%parallel_loop3A_157] {strides = array<i32>} : memref<30464xf32, #tpu.memory_space<vmem>>, vector<16xf32>,
        %parallel_loop3A_159 = arith.index_cast %parallel_loop3A_48 : i32 to index
        %parallel_loop3A_160 = arith.constant 224 : index
        %parallel_loop3A_161 = tpu.vector_load %arg7[%parallel_loop3A_159, %parallel_loop3A_160] {strides = array<i32>} : memref<80x256xf32, #tpu.memory_space<vmem>>, vector<16xf32>,
        tpu.vector_store %arg7[%parallel_loop3A_159, %parallel_loop3A_160], %parallel_loop3A_158 {strides = array<i32>} : memref<80x256xf32, #tpu.memory_space<vmem>>, vector<16xf32>,
        %parallel_loop3A_162 = arith.constant 240 : i32
        %parallel_loop3A_163 = arith.addi %parallel_loop3A_56, %parallel_loop3A_162 : i32
        %parallel_loop3A_164 = arith.index_cast %parallel_loop3A_163 : i32 to index
        %parallel_loop3A_165 = tpu.vector_load %arg6[%parallel_loop3A_164] {strides = array<i32>} : memref<30464xf32, #tpu.memory_space<vmem>>, vector<16xf32>,
        %parallel_loop3A_166 = arith.index_cast %parallel_loop3A_48 : i32 to index
        %parallel_loop3A_167 = arith.constant 240 : index
        %parallel_loop3A_168 = tpu.vector_load %arg7[%parallel_loop3A_166, %parallel_loop3A_167] {strides = array<i32>} : memref<80x256xf32, #tpu.memory_space<vmem>>, vector<16xf32>,
        tpu.vector_store %arg7[%parallel_loop3A_166, %parallel_loop3A_167], %parallel_loop3A_165 {strides = array<i32>} : memref<80x256xf32, #tpu.memory_space<vmem>>, vector<16xf32>,
      } {sc.loop_unroll_factor = 8 : i64, sc.parallel_access}
      %add3A_41 = arith.constant 39 : i32
      %add3A_42 = arith.addi %add3A_4, %add3A_41 : i32
      %mul3A_43 = arith.constant 80 : i32
      %mul3A_44 = arith.muli %add3A_42, %mul3A_43 : i32
      %dma_start3A = arith.constant 0 : i32
      %dma_start3A_45 = tpu.memref_slice %arg4[%mul3A_44, %dma_start3A] : memref<100000x256xf32, #tpu.memory_space<hbm>> -> memref<80x256xf32, #tpu.memory_space<hbm>>
      %dma_start3A_46 = arith.constant 0 : i32
      %dma_start3A_47 = tpu.memref_slice %arg4[%mul3A_44, %dma_start3A_46] : memref<100000x256xf32, #tpu.memory_space<hbm>> -> memref<80x256xf32, #tpu.memory_space<hbm>>
      tpu.enqueue_dma source(%arg7 : memref<80x256xf32, #tpu.memory_space<vmem>>) target(%dma_start3A_47 : memref<80x256xf32, #tpu.memory_space<hbm>>) target_semaphore(%arg10 : memref<!tpu.dma_semaphore, #tpu.memory_space<semaphore_mem>>)
    } else {
    }
    %dma_wait3A = arith.constant 0 : i32
    %dma_wait3A_16 = arith.constant 0 : i32
    %dma_wait3A_17 = tpu.memref_slice %arg4[%dma_wait3A, %dma_wait3A_16] : memref<100000x256xf32, #tpu.memory_space<hbm>> -> memref<80x256xf32, #tpu.memory_space<hbm>>
    %dma_wait3A_18 = arith.constant 0 : i32
    %dma_wait3A_19 = arith.constant 0 : i32
    %dma_wait3A_20 = tpu.memref_slice %arg4[%dma_wait3A_18, %dma_wait3A_19] : memref<100000x256xf32, #tpu.memory_space<hbm>> -> memref<80x256xf32, #tpu.memory_space<hbm>>
    tpu.wait_dma2 semaphore(%arg10 : memref<!tpu.dma_semaphore, #tpu.memory_space<semaphore_mem>>) src(%arg7 : memref<80x256xf32, #tpu.memory_space<vmem>>) dst(%dma_wait3A_20 : memref<80x256xf32, #tpu.memory_space<hbm>>)
    %dma_wait3A_21 = arith.constant 0 : i32
    %dma_wait3A_22 = arith.constant 0 : i32
    %dma_wait3A_23 = tpu.memref_slice %arg4[%dma_wait3A_21, %dma_wait3A_22] : memref<100000x256xf32, #tpu.memory_space<hbm>> -> memref<80x256xf32, #tpu.memory_space<hbm>>
    %dma_wait3A_24 = arith.constant 0 : i32
    %dma_wait3A_25 = arith.constant 0 : i32
    %dma_wait3A_26 = tpu.memref_slice %arg4[%dma_wait3A_24, %dma_wait3A_25] : memref<100000x256xf32, #tpu.memory_space<hbm>> -> memref<80x256xf32, #tpu.memory_space<hbm>>
    tpu.wait_dma2 semaphore(%arg11 : memref<!tpu.dma_semaphore, #tpu.memory_space<semaphore_mem>>) src(%arg8 : memref<80x256xf32, #tpu.memory_space<vmem>>) dst(%dma_wait3A_26 : memref<80x256xf32, #tpu.memory_space<hbm>>)
    %dma_wait3A_27 = arith.constant 0 : i32
    %dma_wait3A_28 = arith.constant 0 : i32
    %dma_wait3A_29 = tpu.memref_slice %arg4[%dma_wait3A_27, %dma_wait3A_28] : memref<100000x256xf32, #tpu.memory_space<hbm>> -> memref<80x256xf32, #tpu.memory_space<hbm>>
    %dma_wait3A_30 = arith.constant 0 : i32
    %dma_wait3A_31 = arith.constant 0 : i32
    %dma_wait3A_32 = tpu.memref_slice %arg4[%dma_wait3A_30, %dma_wait3A_31] : memref<100000x256xf32, #tpu.memory_space<hbm>> -> memref<80x256xf32, #tpu.memory_space<hbm>>
    tpu.wait_dma2 semaphore(%arg12 : memref<!tpu.dma_semaphore, #tpu.memory_space<semaphore_mem>>) src(%arg9 : memref<80x256xf32, #tpu.memory_space<vmem>>) dst(%dma_wait3A_32 : memref<80x256xf32, #tpu.memory_space<hbm>>)
    return
  }
}

</mosaic_0001>

<sc_bundles>
// kernel: kernel.3.cloned.1.call-start
scs
__scs_entry_jumppad:
0x0: {  	(pc) =	sbr.rel $0x88, $3  }
0x1: {  	(tag) =	ssettag $0x0;
	lr =	simm.s32 $0x1  }
0x2: {  	[smem:$0x3F9F] =	sst lr;
	_ =	strace $0xD0000000  }
0x3: {  	_ = 	snop  }
0x4: {  	_ = 	snop  }
0x5: {  	_ = 	snop  }
0x6: {  	_ = 	snop  }
0x7: {  	_ = 	snop  }
__scs_overlays_trampoline_lowered:
0x8: {  	[smem:$0x3FAE] =	sst s0  }
0x9: {  	[smem:$0x3FAF] =	sst s1  }
0xa: {  	[smem:$0x3FB0] =	sst s2  }
0xb: {  	[smem:$0x3FB1] =	sst s3  }
0xc: {  	[smem:$0x3FB2] =	sst s4  }
0xd: {  	[smem:$0x3FB3] =	sst s5  }
0xe: {  	[smem:$0x3FB4] =	sst s6  }
0xf: {  	[smem:$0x3FB5] =	sst s7  }
0x10: {  	[smem:$0x3FB6] =	sst s8  }
0x11: {  	[smem:$0x3FB7] =	sst s9;
	s0 =	simm.s32 @!p0 $0x0  }
0x12: {  	s1 =	sld [smem:$0x3F9D];
	s0 =	simm.s32 @p0 $0x1  }
0x13: {  	[smem:$0x3FB8] =	sst s0;
	s0 =	simm.s32 @!p1 $0x0  }
0x14: {  	s2 =	sld [smem:$0x3F9C];
	s0 =	simm.s32 @p1 $0x1  }
0x15: {  	[smem:$0x3FB9] =	sst s0;
	s0 =	simm.s32 @!p2 $0x0  }
0x16: {  	s3 =	sld [smem:$0x3FDB];
	s0 =	simm.s32 @p2 $0x1  }
0x17: {  	s4 =	simm.s32 $0x1BF5;
	[smem:$0x3FBB] =	sst s0  }
0x18: {  	s0 =	sld [smem:$0x3F9E];
	_ =	swait.ge [sflag:s4], $0x0  }
0x19: {  	s7 =	sld [smem:$0x3F9F]  }
0x1a: {  	s8 =	sadd.s32 $0xFFFFE003, lr  }
0x1b: {  	s9 =	sadd.s32 $0xFFFFFEF7, lr;
	s5 =	simm.s32 $0xFFFFFFFF;
	p2 =	slt.u32 s8, $0xFFFFF086  }
0x1c: {  	p1 =	slt.u32 s9, $0xF7A;
	s5 =	simm.s32 @!p2 $0x0  }
0x1d: {  	s5 =	simm.s32 @p1 $0x1;
	p0 =	seq.s32 s7, s2  }
0x1e: {  	s7 =	smul.u32 @!p0 $0xF7A, s2;
	p2 =	seq.s32 @!p0 s5, $0x0  }
0x1f: {  	s9 =	smul.u32 $0xF7A, s1;
	s8 =	simm.s32 @!p0 $0x1BF5;
	p2 =	por !p2, p0  }
0x20: {  	[sflag:s8] =	ssyncset.s32 @!p0 $0xFFFFF086;
	s6 =	sadd.s32 @!p0 s3, s7;
	s7 =	simm.s32 @!p0 $0x108  }
0x21: {  	s3 =	sadd.s32 s3, s9;
	s6 =	sadd.s32 @!p0 $0x88, s6;
	s7 =	simm.s32 @p2 $0x1082  }
0x22: {  	[simem:s7], [sflag:s8] =	dma.local @!p0 [hbm:s6], $0xF7A  }
0x23: {  	s9 =	sor.u32 $0xD0000000, s2;
	s6 =	simm.s32 $0x108;
	_ =	swait.ge @!p0 [sflag:s8], $0x0  }
0x24: {  	s3 =	sadd.s32 $0x88, s3;
	s6 =	simm.s32 @!p1 $0x1082;
	[sflag:s4] =	ssyncset.s32 $0xFFFFF086  }
0x25: {  	[simem:s6], [sflag:s4] =	dma.local [hbm:s3], $0xF7A  }
0x26: {  	[smem:$0x3F9F] =	sst s1;
	(tag) =	ssettag s2;
	_ =	strace s9  }
0x27: {  	s1 =	sld [smem:$0x3FAF]  }
0x28: {  	s2 =	sld [smem:$0x3FB0]  }
0x29: {  	s4 =	sld [smem:$0x3FB2]  }
0x2a: {  	p0 =	seq.s32 s5, $0x0;
	s5 =	sld [smem:$0x3FB3]  }
0x2b: {  	s6 =	sld [smem:$0x3FB4]  }
0x2c: {  	s7 =	sld [smem:$0x3FB5]  }
0x2d: {  	s3 =	simm.s32 $0x108;
	s8 =	sld [smem:$0x3FB6]  }
0x2e: {  	s3 =	simm.s32 @!p0 $0x1082;
	s9 =	sld [smem:$0x3FB7]  }
0x2f: {  	lr =	sadd.s32 s0, s3;
	s0 =	sld [smem:$0x3FAE]  }
0x30: {  	s3 =	sld [smem:$0x3FB1]  }
0x31: {  	[smem:$0x3FBA] =	sst s10  }
0x32: {  	s10 =	sld [smem:$0x3FB8];
	_ =	sdelay $0x3  }
0x33: {  	p0 =	seq.s32 s10, $0x1;
	s10 =	sld [smem:$0x3FBA];
	_ =	sdelay $0x3  }
0x34: {  	[smem:$0x3FBA] =	sst s10  }
0x35: {  	s10 =	sld [smem:$0x3FB9];
	_ =	sdelay $0x3  }
0x36: {  	p1 =	seq.s32 s10, $0x1;
	s10 =	sld [smem:$0x3FBA];
	_ =	sdelay $0x3  }
0x37: {  	[smem:$0x3FBA] =	sst s10  }
0x38: {  	s10 =	sld [smem:$0x3FBB]  }
0x39: {  	_ = 	snop;
	(pc) =	sbr.ind lr, $3  }
0x3a: {  	_ = 	snop  }
0x3b: {  	_ = 	snop  }
0x3c: {  	p2 =	seq.s32 s10, $0x1;
	s10 =	sld [smem:$0x3FBA]  }
0x3d: {  	_ =	shalt  }
0x3e: {  	_ =	shalt  }
0x3f: {  	_ =	shalt  }
0x40: {  	_ =	shalt  }
0x41: {  	_ =	shalt  }
0x42: {  	_ =	shalt  }
0x43: {  	_ =	shalt  }
0x44: {  	_ =	shalt  }
0x45: {  	_ =	shalt  }
0x46: {  	_ =	shalt  }
0x47: {  	_ =	shalt  }
0x48: {  	_ =	shalt  }
0x49: {  	_ =	shalt  }
0x4a: {  	_ =	shalt  }
0x4b: {  	_ =	shalt  }
0x4c: {  	_ =	shalt  }
0x4d: {  	_ =	shalt  }
0x4e: {  	_ =	shalt  }
0x4f: {  	_ =	shalt  }
0x50: {  	_ =	shalt  }
0x51: {  	_ =	shalt  }
0x52: {  	_ =	shalt  }
0x53: {  	_ =	shalt  }
0x54: {  	_ =	shalt  }
0x55: {  	_ =	shalt  }
0x56: {  	_ =	shalt  }
0x57: {  	_ =	shalt  }
0x58: {  	_ =	shalt  }
0x59: {  	_ =	shalt  }
0x5a: {  	_ =	shalt  }
0x5b: {  	_ =	shalt  }
0x5c: {  	_ =	shalt  }
0x5d: {  	_ =	shalt  }
0x5e: {  	_ =	shalt  }
0x5f: {  	_ =	shalt  }
0x60: {  	_ =	shalt  }
0x61: {  	_ =	shalt  }
0x62: {  	_ =	shalt  }
0x63: {  	_ =	shalt  }
0x64: {  	_ =	shalt  }
0x65: {  	_ =	shalt  }
0x66: {  	_ =	shalt  }
0x67: {  	_ =	shalt  }
0x68: {  	_ =	shalt  }
0x69: {  	_ =	shalt  }
0x6a: {  	_ =	shalt  }
0x6b: {  	_ =	shalt  }
0x6c: {  	_ =	shalt  }
0x6d: {  	_ =	shalt  }
0x6e: {  	_ =	shalt  }
0x6f: {  	_ =	shalt  }
0x70: {  	_ =	shalt  }
0x71: {  	_ =	shalt  }
0x72: {  	_ =	shalt  }
0x73: {  	_ =	shalt  }
0x74: {  	_ =	shalt  }
0x75: {  	_ =	shalt  }
0x76: {  	_ =	shalt  }
0x77: {  	_ =	shalt  }
0x78: {  	_ =	shalt  }
0x79: {  	_ =	shalt  }
0x7a: {  	_ =	shalt  }
0x7b: {  	_ =	shalt  }
0x7c: {  	_ =	shalt  }
0x7d: {  	_ =	shalt  }
0x7e: {  	_ =	shalt  }
0x7f: {  	_ =	shalt  }
0x80: {  	_ =	shalt  }
0x81: {  	_ =	shalt  }
0x82: {  	_ =	shalt  }
0x83: {  	_ =	shalt  }
0x84: {  	_ =	shalt  }
0x85: {  	_ =	shalt  }
0x86: {  	_ =	shalt  }
0x87: {  	_ =	shalt  }
.Lfunc_end0:
.L_simem_size_0:
called_computation_lowered:
.L_overlay_start_0:
0x88: {  	s2 =	sld [smem:$0x3FD9]  }
0x89: {  	s3 =	sld [smem:$0x3FFE];
	_ =	sdelay $0x1  }
0x8a: {  	s1 =	srdreg.scid  }
0x8b: {  	s0 =	sand.u32 $0x1, s1  }
0x8c: {  	s17 =	sshll.u32 s0, $0xA;
	s2 =	sadd.s32 s3, s2  }
0x8d: {  	s2 =	sadd.s32 s2, s17  }
0x8e: {  	[smem:$0x3FC6] =	sst s2  }
0x8f: {  	_ = 	snop  }
0x90: {  	s2 =	sld [smem:$0x3FD0];
	(tm) =	ssettm $0x1  }
0x91: {  	s18 =	sld [smem:$0x3FFB];
	_ =	sdelay $0x3  }
0x92: {  	_ =	strace s18  }
0x93: {  	s3 =	sld [smem:$0x3FFC];
	_ =	sdelay $0x3  }
0x94: {  	_ =	strace s3  }
0x95: {  	s3 =	sld [smem:$0x3FFD];
	_ =	sdelay $0x3  }
0x96: {  	_ =	strace s3  }
0x97: {  	_ =	strace $0x8FFFFFFF  }
0x98: {  	s19 =	sld [smem:$0x3FDB];
	_ =	sdelay $0x1  }
0x99: {  	s4 =	simm.s32 $_scs_section_size  }
0x9a: {  	s5 =	simm.s32 $_size__tile_overlayer_lowered;
	s6 =	simm.s32 $_tile_overlayer_lowered  }
0x9b: {  	s22 =	simm.s32 $0x1BFF;
	s21 =	sshll.u32 s6, $0x1;
	s3 =	sadd.s32 s4, s19  }
0x9c: {  	s7 =	simm.s32 $0x0;
	s20 =	sshll.u32 s5, $0x1;
	s5 =	sadd.s32 s21, s3  }
0x9d: {  	[timem:s7], [sflag:s22] =	dma.local [hbm:s5], s20  }
0x9e: {  	_ =	swait.ge [sflag:s22], s20  }
0x9f: {  	s4 =	ssub.s32 $0x0, s20;
	[sflag:s22] =	ssyncset.done $0x0  }
0xa0: {  	[sflag:s22] =	ssyncadd.s32 s4;
	_ =	sdelay $0x1  }
0xa1: {  	s23 =	simm.s32 $0x1B8B  }
0xa2: {  	_ =	swait.ge [sflag:s23], $0x1  }
0xa3: {  	[sflag:s23] =	ssyncset.done $0x0  }
0xa4: {  	s25 =	simm.s32 $0x1B8E;
	s24 =	sld [smem:$0x3FFE];
	[sflag:s23] =	ssyncadd.s32 $0xFFFFFFFF  }
0xa5: {  	s26 =	simm.s32 $execute0_lowered;
	[smem:$0x3FD2] =	sst s25  }
0xa6: {  	s5 =	sshll.u32 s26, $0x1;
	_ =	strace $0x80000046;
	[dreg:$0x1] =	wrdreg $0xFFFFFFFF  }
0xa7: {  	s28 =	simm.s32 $_size_execute0_lowered;
	s3 =	sadd.s32 s3, s5;
	[dreg:$0x0] =	wrdreg $0x0  }
0xa8: {  	s5 =	sshll.u32 s28, $0x1;
	[dreg:$0x2] =	wrdreg s3  }
0xa9: {  	[dreg:$0x3] =	wrdreg s5  }
0xaa: {  	[dreg:$0x4] =	wrdreg $0xC0  }
0xab: {  	_ =	task [dreg:s7], $0x5FFFF  }
0xac: {  	[dreg:$0x1] =	wrdreg $0xFFFFFFFF  }
0xad: {  	[dreg:$0x0] =	wrdreg $0x60  }
0xae: {  	[dreg:$0x2] =	wrdreg s24  }
0xaf: {  	[dreg:$0x3] =	wrdreg s2  }
0xb0: {  	[dreg:$0x4] =	wrdreg $0x9  }
0xb1: {  	_ =	task.clear_ibuf [dreg:s7], $0x5FFFF;
	_ =	strace $0x90000046  }
0xb2: {  	s29 =	simm.s32 $0x9;
	_ =	strace $0x80000048  }
0xb3: {  	_ =	swait.ge [sflag:s29], $0x1  }
0xb4: {  	[sflag:s29] =	ssyncadd.s32 $0xFFFFFFFF  }
0xb5: {  	_ =	strace $0x90000048  }
0xb6: {  	_ =	sfence  }
0xb7: {  	s30 =	sld [smem:$0x0];
	_ =	sdelay $0x2  }
0xb8: {  	s31 =	sshll.u32 s1, $0xD;
	s1 =	sshrl.u32 s1, $0x2  }
0xb9: {  	s3 =	sand.u32 $0x4000, s31;
	s1 =	sadd.s32 s1, s30  }
0xba: {  	s0 =	sor.u32 s3, s0;
	s1 =	sshll.u32 s1, $0x11  }
0xbb: {  	s0 =	sor.u32 s1, s0  }
0xbc: {  	s0 =	sadd.s32 $0x8F2B, s0  }
0xbd: {  	[sflag:s0] =	ssyncadd.remote.s32 $0x1  }
0xbe: {  	_ =	sfence.sel $0xFFFF  }
0xbf: {  	[dreg:$0x0] =	wrdreg $0xFFFFFFFF;
	(pc) =	sbr.abs _section_cstart, $3  }
0xc0: {  	[dreg:$0x1] =	wrdreg $0xFFFFFFFF  }
0xc1: {  	_ =	task.clear_ibuf [dreg:s7], $0x2FFFF;
	_ =	strace $0x9FFFFFFF  }
0xc2: {  	(tm) =	ssettm $0x7FFFFFFF  }
0xc3: {  	_ =	shalt  }
tec
execute0_lowered:
.L_overlay_start_1:
0x0: {  	(tag) =	ssettag $0x1  }
0x1: {  	s0 =	srdreg.scid;
	s4 =	stileid.u32  }
0x2: {  	s5 =	rddreg [dreg:$0x0];
	s10 =	simm.s32 $0x8400;
	s11 =	simm.s32 $0xD400  }
0x3: {  	s12 =	simm.s32 $0x12400;
	s0 =	sand.u32 $0x1, s0;
	s1 =	sshll.u32 s4, $0x1  }
0x4: {  	s13 =	simm.s32 $0x1;
	s14 =	simm.s32 $0x2;
	s2 =	sor.u32 s0, s1  }
0x5: {  	s15 =	simm.s32 $0x3;
	s16 =	simm.s32 $0x0;
	s3 =	smul.u32 $0x27, s2  }
0x6: {  	p0 =	seq.s32 s4, $0x0;
	s0 =	ssub.s32 $0x2, s0;
	s6 =	smin.u32 s2, $0x2  }
0x7: {  	s1 =	rddreg [dreg:$0x1];
	s8 =	sshrl.u32 s0, $0x1;
	s3 =	sadd.s32 s6, s3  }
0x8: {  	s2 =	simm.s32 $0x0;
	s0 =	ssub.s32 s0, s8;
	s6 =	smul.u32 $0xA, s3  }
0x9: {  	[smem:$0x7FF] =	sst s2;
	s0 =	smax.u32 s0, $0x1;
	s7 =	smul.u32 $0x5000, s3  }
.Ltmp0:
0xa: {  	_ =	strace $0x80000047;
	[dreg:$0x6] =	wrdreg s0;
	(pc) =	sbr.rel .LBB2_1-.Ltmp0, $4  }
0xb: {  	s6 =	sadd.s32 s6, s5;
	s5 =	sadd.s32 $0x400, s5;
	s7 =	sshrl.u32 s7, $0x3  }
0xc: {  	[dreg:$0x3] =	wrdreg s5;
	s7 =	sadd.s32 s1, s7;
	s6 =	sadd.s32 $0x1400, s6  }
0xd: {  	s5 =	simm.s32 $0x28;
	[dreg:$0x4] =	wrdreg s6;
	s31 =	sadd.s32 $0x18600, s7  }
0xe: {  	s5 =	simm.s32 @!p0 $0x27;
	p0 =	sne.s32 s4, $0x0;
	[dreg:$0x5] =	wrdreg s31  }
.LBB2_15:
.Ltmp1:
0xf: {  	(pc) =	sbr.rel @!p0 .LBB2_16-.Ltmp1, $1  }
0x10: {  	_ =	sdelay $0x3  }
.LBB2_19:
0x11: {  	_ =	swait.ge [sflag:s13], $0x5000  }
0x12: {  	[sflag:s13] =	ssyncset.done $0x0  }
0x13: {  	[sflag:s13] =	ssyncadd.s32 $0xFFFFB000  }
0x14: {  	_ =	swait.ge [sflag:s14], $0x5000  }
0x15: {  	[sflag:s14] =	ssyncset.done $0x0  }
0x16: {  	[sflag:s14] =	ssyncadd.s32 $0xFFFFB000  }
0x17: {  	_ =	swait.ge [sflag:s15], $0x5000  }
0x18: {  	s16 =	sadd.s32 $0x1, s16;
	s0 =	rddreg [dreg:$0x6]  }
0x19: {  	p1 =	sne.s32 s16, s0  }
.Ltmp2:
0x1a: {  	_ = 	snop;
	(pc) =	sbr.rel @!p1 .LBB2_20-.Ltmp2, $3  }
0x1b: {  	_ =	sdelay $0x1  }
0x1c: {  	[sflag:s15] =	ssyncset.done $0x0  }
0x1d: {  	[sflag:s15] =	ssyncadd.s32 $0xFFFFB000  }
.LBB2_1:
0x1e: {  	s0 =	rddreg [dreg:$0x4];
	s17 =	simm.s32 $0x4  }
0x1f: {  	[tilespmem:s2], [sflag:$0x4] =	stream.linear.gather [hbm4b:s0+s2], $0xC80, $0x38;
	[tilespmem:$0x17400] =	vst v63  }
0x20: {  	_ =	swait.ge [sflag:s17], $0xC80  }
0x21: {  	s4 =	simm.s32 $0xD00;
	[sflag:s17] =	ssyncset.done $0x0  }
.Ltmp3:
0x22: {  	s31 =	rddreg [dreg:$0x3];
	[sflag:s17] =	ssyncadd.s32 $0xFFFFF380;
	(pc) =	sbr.rel .LBB2_2-.Ltmp3, $4  }
0x23: {  	[tilespmem:s4], [sflag:$0x4] =	stream.linear.gather [hbm4b:s31+s2], $0x7700, $0x38;
	[tilespmem:$0x17400] =	vst v63  }
0x24: {  	_ =	swait.ge [sflag:s17], $0x7700  }
0x25: {  	s18 =	simm.s32 $0x57;
	[sflag:s17] =	ssyncset.done $0x0  }
0x26: {  	s19 =	simm.s32 $0xA7;
	s20 =	simm.s32 $0x0;
	[sflag:s17] =	ssyncadd.s32 $0xFFFF8900  }
.LBB2_14:
0x27: {  	s20 =	sadd.s32 $0x1, s20  }
0x28: {  	p1 =	sne.s32 s20, $0xD  }
.Ltmp4:
0x29: {  	_ = 	snop;
	(pc) =	sbr.rel @!p1 .LBB2_15-.Ltmp4, $2  }
0x2a: {  	_ =	sdelay $0x2  }
0x2b: {  	s17 =	sadd.s32 $0xF0, s17;
	s18 =	sadd.s32 $0xF0, s18;
	s19 =	sadd.s32 $0xF0, s19  }
.LBB2_2:
0x2c: {  	s21 =	smul.u32 $0x3, s20;
	_ =	sdelay $0x1  }
0x2d: {  	p2 =	sge.u32 s21, s5  }
.Ltmp5:
0x2e: {  	_ = 	snop;
	(pc) =	sbr.rel @p2 .LBB2_6-.Ltmp5, $2  }
0x2f: {  	_ =	sdelay $0x2  }
0x30: {  	p1 =	seq.s32 s20, $0x0  }
0x31: {  	s0 =	simm.s32 @!p1 $0x1  }
0x32: {  	_ =	swait.ge @!p1 [sflag:s0], $0x5000  }
0x33: {  	[sflag:s0] =	ssyncset.done @!p1 $0x0  }
0x34: {  	[sflag:s0] =	ssyncadd.s32 @!p1 $0xFFFFB000  }
0x35: {  	v0 =	vld [tilespmem:s17+$0x3]  }
0x36: {  	v1 =	vld [tilespmem:s17+$0xFFFFFFFD]  }
0x37: {  	v2 =	vld [tilespmem:s17+$0xFFFFFFFE]  }
0x38: {  	v3 =	vld [tilespmem:s17+$0xFFFFFFFF]  }
0x39: {  	v4 =	vld [tilespmem:s17+$0x0]  }
0x3a: {  	v5 =	vld [tilespmem:s17+$0x1];
	(v2sf) =	vpush v0, $0x0  }
0x3b: {  	v0 =	vld [tilespmem:s17+$0x2];
	(v2sf) =	vpush v1, $0x0  }
0x3c: {  	v1 =	vld [tilespmem:s17+$0xFFFFFFFC];
	(v2sf) =	vpush v2, $0x0  }
0x3d: {  	(v2sf) =	vpush v3, $0x0  }
0x3e: {  	(v2sf) =	vpush v4, $0x0  }
0x3f: {  	(v2sf) =	vpush v5, $0x0  }
0x40: {  	(v2sf) =	vpush v0, $0x0  }
0x41: {  	(v2sf) =	vpush v1, $0x0;
	_ =	sdelay $0x7  }
0x42: {  	s6 =	spop (v2sf)  }
0x43: {  	s0 =	sshll.u32 s6, $0xA;
	s4 =	spop (v2sf)  }
0x44: {  	s0 =	sshra.s32 s0, $0x2;
	s7 =	spop (v2sf)  }
0x45: {  	s4 =	sshll.u32 s4, $0xA;
	v0 =	vld [tilespmem:s0+$0xD00];
	s9 =	spop (v2sf)  }
0x46: {  	s24 =	sshra.s32 s4, $0x2;
	s7 =	sshll.u32 s7, $0xA;
	s8 =	spop (v2sf)  }
0x47: {  	v1 =	vld [tilespmem:s24+$0xD00];
	s25 =	sshra.s32 s7, $0x2;
	s22 =	sshll.u32 s9, $0xA;
	s9 =	spop (v2sf)  }
0x48: {  	v2 =	vld [tilespmem:s25+$0xD00];
	s26 =	sshra.s32 s22, $0x2;
	s23 =	sshll.u32 s8, $0xA;
	s6 =	spop (v2sf)  }
0x49: {  	s22 =	simm.s32 $0x8800;
	v3 =	vld [tilespmem:s26+$0xD00];
	s28 =	sshra.s32 s23, $0x2;
	s8 =	spop (v2sf)  }
0x4a: {  	v4 =	vld [tilespmem:s28+$0xD00];
	s4 =	sshll.u32 s8, $0xA;
	[tilespmem:s22+$0xFFFFFF80] =	vst v0  }
0x4b: {  	s9 =	sshll.u32 s9, $0xA;
	s30 =	sshra.s32 s4, $0x2;
	v0 =	vld [tilespmem:s0+$0xD10]  }
0x4c: {  	s23 =	sshll.u32 s6, $0xA;
	s29 =	sshra.s32 s9, $0x2;
	[tilespmem:s22+$0xFFFFFC80] =	vst v1;
	v1 =	vld [tilespmem:s30+$0xD00]  }
0x4d: {  	s23 =	sshra.s32 s23, $0x2;
	[tilespmem:s22+$0xFFFFFD00] =	vst v2;
	v2 =	vld [tilespmem:s29+$0xD00]  }
0x4e: {  	[tilespmem:s22+$0xFFFFFD80] =	vst v3;
	v3 =	vld [tilespmem:s23+$0xD00]  }
0x4f: {  	v5 =	vld [tilespmem:s25+$0xD10];
	[tilespmem:s22+$0xFFFFFE00] =	vst v4  }
0x50: {  	v4 =	vld [tilespmem:s24+$0xD10];
	[tilespmem:s22+$0xFFFFFF90] =	vst v0  }
0x51: {  	[tilespmem:s22+$0xFFFFFC00] =	vst v1;
	v0 =	vld [tilespmem:s0+$0xD20]  }
0x52: {  	[tilespmem:s22+$0xFFFFFE80] =	vst v2;
	v2 =	vld [tilespmem:s26+$0xD10]  }
0x53: {  	v1 =	vld [tilespmem:s30+$0xD10];
	[tilespmem:s22+$0xFFFFFF00] =	vst v3  }
0x54: {  	v3 =	vld [tilespmem:s28+$0xD10];
	[tilespmem:s22+$0xFFFFFD10] =	vst v5  }
0x55: {  	[tilespmem:s22+$0xFFFFFC90] =	vst v4;
	v4 =	vld [tilespmem:s29+$0xD10]  }
0x56: {  	v5 =	vld [tilespmem:s23+$0xD10];
	[tilespmem:s22+$0xFFFFFFA0] =	vst v0  }
0x57: {  	[tilespmem:s22+$0xFFFFFD90] =	vst v2;
	v2 =	vld [tilespmem:s24+$0xD20]  }
0x58: {  	[tilespmem:s22+$0xFFFFFC10] =	vst v1;
	v0 =	vld [tilespmem:s0+$0xD30]  }
0x59: {  	[tilespmem:s22+$0xFFFFFE10] =	vst v3;
	v3 =	vld [tilespmem:s25+$0xD20]  }
0x5a: {  	v1 =	vld [tilespmem:s30+$0xD20];
	[tilespmem:s22+$0xFFFFFE90] =	vst v4  }
0x5b: {  	v4 =	vld [tilespmem:s26+$0xD20];
	[tilespmem:s22+$0xFFFFFF10] =	vst v5  }
0x5c: {  	v5 =	vld [tilespmem:s28+$0xD20];
	[tilespmem:s22+$0xFFFFFCA0] =	vst v2  }
0x5d: {  	v2 =	vld [tilespmem:s23+$0xD20];
	[tilespmem:s22+$0xFFFFFFB0] =	vst v0  }
0x5e: {  	[tilespmem:s22+$0xFFFFFD20] =	vst v3;
	v0 =	vld [tilespmem:s0+$0xD40]  }
0x5f: {  	[tilespmem:s22+$0xFFFFFC20] =	vst v1;
	v1 =	vld [tilespmem:s29+$0xD20]  }
0x60: {  	[tilespmem:s22+$0xFFFFFDA0] =	vst v4;
	v4 =	vld [tilespmem:s24+$0xD30]  }
0x61: {  	[tilespmem:s22+$0xFFFFFE20] =	vst v5;
	v5 =	vld [tilespmem:s25+$0xD30]  }
0x62: {  	v3 =	vld [tilespmem:s30+$0xD30];
	[tilespmem:s22+$0xFFFFFF20] =	vst v2  }
0x63: {  	v2 =	vld [tilespmem:s28+$0xD30];
	[tilespmem:s22+$0xFFFFFFC0] =	vst v0  }
0x64: {  	[tilespmem:s22+$0xFFFFFEA0] =	vst v1;
	v1 =	vld [tilespmem:s26+$0xD30]  }
0x65: {  	[tilespmem:s22+$0xFFFFFCB0] =	vst v4;
	v4 =	vld [tilespmem:s23+$0xD30]  }
0x66: {  	[tilespmem:s22+$0xFFFFFD30] =	vst v5;
	v0 =	vld [tilespmem:s0+$0xD50]  }
0x67: {  	[tilespmem:s22+$0xFFFFFC30] =	vst v3;
	v3 =	vld [tilespmem:s29+$0xD30]  }
0x68: {  	v5 =	vld [tilespmem:s30+$0xD40];
	[tilespmem:s22+$0xFFFFFE30] =	vst v2  }
0x69: {  	v2 =	vld [tilespmem:s25+$0xD40];
	[tilespmem:s22+$0xFFFFFDB0] =	vst v1  }
0x6a: {  	v1 =	vld [tilespmem:s24+$0xD40];
	[tilespmem:s22+$0xFFFFFF30] =	vst v4  }
0x6b: {  	v4 =	vld [tilespmem:s28+$0xD40];
	[tilespmem:s22+$0xFFFFFFD0] =	vst v0  }
0x6c: {  	[tilespmem:s22+$0xFFFFFEB0] =	vst v3;
	v0 =	vld [tilespmem:s0+$0xD60]  }
0x6d: {  	v3 =	vld [tilespmem:s26+$0xD40];
	[tilespmem:s22+$0xFFFFFC40] =	vst v5  }
0x6e: {  	v5 =	vld [tilespmem:s29+$0xD40];
	[tilespmem:s22+$0xFFFFFD40] =	vst v2  }
0x6f: {  	v2 =	vld [tilespmem:s30+$0xD50];
	[tilespmem:s22+$0xFFFFFCC0] =	vst v1  }
0x70: {  	v1 =	vld [tilespmem:s23+$0xD40];
	[tilespmem:s22+$0xFFFFFE40] =	vst v4  }
0x71: {  	v4 =	vld [tilespmem:s25+$0xD50];
	[tilespmem:s22+$0xFFFFFFE0] =	vst v0  }
0x72: {  	[tilespmem:s22+$0xFFFFFDC0] =	vst v3;
	v0 =	vld [tilespmem:s0+$0xD70]  }
0x73: {  	v3 =	vld [tilespmem:s24+$0xD50];
	[tilespmem:s22+$0xFFFFFEC0] =	vst v5  }
0x74: {  	v5 =	vld [tilespmem:s26+$0xD50];
	[tilespmem:s22+$0xFFFFFC50] =	vst v2  }
0x75: {  	v2 =	vld [tilespmem:s29+$0xD50];
	[tilespmem:s22+$0xFFFFFF40] =	vst v1  }
0x76: {  	v1 =	vld [tilespmem:s28+$0xD50];
	[tilespmem:s22+$0xFFFFFD50] =	vst v4  }
0x77: {  	v4 =	vld [tilespmem:s30+$0xD60];
	[tilespmem:s22+$0xFFFFFFF0] =	vst v0  }
0x78: {  	[tilespmem:s22+$0xFFFFFCD0] =	vst v3;
	v0 =	vld [tilespmem:s0+$0xD80]  }
0x79: {  	v3 =	vld [tilespmem:s23+$0xD50];
	[tilespmem:s22+$0xFFFFFDD0] =	vst v5  }
0x7a: {  	v5 =	vld [tilespmem:s24+$0xD60];
	[tilespmem:s22+$0xFFFFFED0] =	vst v2  }
0x7b: {  	v2 =	vld [tilespmem:s26+$0xD60];
	[tilespmem:s22+$0xFFFFFE50] =	vst v1  }
0x7c: {  	v1 =	vld [tilespmem:s25+$0xD60];
	[tilespmem:s22+$0xFFFFFC60] =	vst v4  }
0x7d: {  	v4 =	vld [tilespmem:s29+$0xD60];
	[tilespmem:s22+$0x380] =	vst v0  }
0x7e: {  	[tilespmem:s22+$0xFFFFFF50] =	vst v3;
	v0 =	vld [tilespmem:s0+$0xD90]  }
0x7f: {  	v3 =	vld [tilespmem:s28+$0xD60];
	[tilespmem:s22+$0xFFFFFCE0] =	vst v5  }
0x80: {  	v5 =	vld [tilespmem:s23+$0xD60];
	[tilespmem:s22+$0xFFFFFDE0] =	vst v2  }
0x81: {  	v2 =	vld [tilespmem:s24+$0xD70];
	[tilespmem:s22+$0xFFFFFD60] =	vst v1  }
0x82: {  	v1 =	vld [tilespmem:s30+$0xD70];
	[tilespmem:s22+$0xFFFFFEE0] =	vst v4  }
0x83: {  	v4 =	vld [tilespmem:s26+$0xD70];
	[tilespmem:s22+$0x390] =	vst v0  }
0x84: {  	[tilespmem:s22+$0xFFFFFE60] =	vst v3;
	v0 =	vld [tilespmem:s0+$0xDA0]  }
0x85: {  	v3 =	vld [tilespmem:s25+$0xD70];
	[tilespmem:s22+$0xFFFFFF60] =	vst v5  }
0x86: {  	v5 =	vld [tilespmem:s28+$0xD70];
	[tilespmem:s22+$0xFFFFFCF0] =	vst v2  }
0x87: {  	v2 =	vld [tilespmem:s23+$0xD70];
	[tilespmem:s22+$0xFFFFFC70] =	vst v1  }
0x88: {  	v1 =	vld [tilespmem:s29+$0xD70];
	[tilespmem:s22+$0xFFFFFDF0] =	vst v4  }
0x89: {  	v4 =	vld [tilespmem:s24+$0xD80];
	[tilespmem:s22+$0x3A0] =	vst v0  }
0x8a: {  	[tilespmem:s22+$0xFFFFFD70] =	vst v3;
	v0 =	vld [tilespmem:s0+$0xDB0]  }
0x8b: {  	v3 =	vld [tilespmem:s30+$0xD80];
	[tilespmem:s22+$0xFFFFFE70] =	vst v5  }
0x8c: {  	v5 =	vld [tilespmem:s25+$0xD80];
	[tilespmem:s22+$0xFFFFFF70] =	vst v2  }
0x8d: {  	v2 =	vld [tilespmem:s28+$0xD80];
	[tilespmem:s22+$0xFFFFFEF0] =	vst v1  }
0x8e: {  	v1 =	vld [tilespmem:s26+$0xD80];
	[tilespmem:s22+$0x80] =	vst v4  }
0x8f: {  	v4 =	vld [tilespmem:s23+$0xD80];
	[tilespmem:s22+$0x3B0] =	vst v0  }
0x90: {  	[tilespmem:s22+$0x0] =	vst v3;
	v0 =	vld [tilespmem:s0+$0xDC0]  }
0x91: {  	v3 =	vld [tilespmem:s29+$0xD80];
	[tilespmem:s22+$0x100] =	vst v5  }
0x92: {  	v5 =	vld [tilespmem:s30+$0xD90];
	[tilespmem:s22+$0x200] =	vst v2  }
0x93: {  	v2 =	vld [tilespmem:s25+$0xD90];
	[tilespmem:s22+$0x180] =	vst v1  }
0x94: {  	v1 =	vld [tilespmem:s24+$0xD90];
	[tilespmem:s22+$0x300] =	vst v4  }
0x95: {  	v4 =	vld [tilespmem:s28+$0xD90];
	[tilespmem:s22+$0x3C0] =	vst v0  }
0x96: {  	[tilespmem:s22+$0x280] =	vst v3;
	v0 =	vld [tilespmem:s0+$0xDD0]  }
0x97: {  	v3 =	vld [tilespmem:s26+$0xD90];
	[tilespmem:s22+$0x10] =	vst v5  }
0x98: {  	v5 =	vld [tilespmem:s29+$0xD90];
	[tilespmem:s22+$0x110] =	vst v2  }
0x99: {  	v2 =	vld [tilespmem:s30+$0xDA0];
	[tilespmem:s22+$0x90] =	vst v1  }
0x9a: {  	v1 =	vld [tilespmem:s23+$0xD90];
	[tilespmem:s22+$0x210] =	vst v4  }
0x9b: {  	v4 =	vld [tilespmem:s25+$0xDA0];
	[tilespmem:s22+$0x3D0] =	vst v0  }
0x9c: {  	[tilespmem:s22+$0x190] =	vst v3;
	v0 =	vld [tilespmem:s0+$0xDE0]  }
0x9d: {  	v3 =	vld [tilespmem:s24+$0xDA0];
	[tilespmem:s22+$0x290] =	vst v5  }
0x9e: {  	v5 =	vld [tilespmem:s26+$0xDA0];
	[tilespmem:s22+$0x20] =	vst v2  }
0x9f: {  	v2 =	vld [tilespmem:s29+$0xDA0];
	[tilespmem:s22+$0x310] =	vst v1  }
0xa0: {  	v1 =	vld [tilespmem:s28+$0xDA0];
	[tilespmem:s22+$0x120] =	vst v4  }
0xa1: {  	v4 =	vld [tilespmem:s30+$0xDB0];
	[tilespmem:s22+$0x3E0] =	vst v0  }
0xa2: {  	[tilespmem:s22+$0xA0] =	vst v3;
	v0 =	vld [tilespmem:s0+$0xDF0]  }
0xa3: {  	v3 =	vld [tilespmem:s23+$0xDA0];
	[tilespmem:s22+$0x1A0] =	vst v5  }
0xa4: {  	v5 =	vld [tilespmem:s24+$0xDB0];
	[tilespmem:s22+$0x2A0] =	vst v2  }
0xa5: {  	[tilespmem:s22+$0x220] =	vst v1;
	v1 =	vld [tilespmem:s26+$0xDB0]  }
0xa6: {  	[tilespmem:s22+$0x30] =	vst v4;
	v2 =	vld [tilespmem:s28+$0xDB0]  }
0xa7: {  	[tilespmem:s22+$0x3F0] =	vst v0;
	v0 =	vld [tilespmem:s25+$0xDB0]  }
0xa8: {  	[tilespmem:s22+$0x320] =	vst v3;
	v3 =	vld [tilespmem:s29+$0xDB0]  }
0xa9: {  	[tilespmem:s22+$0xB0] =	vst v5;
	v4 =	vld [tilespmem:s23+$0xDB0]  }
0xaa: {  	v5 =	vld [tilespmem:s30+$0xDC0];
	[tilespmem:s22+$0x1B0] =	vst v1  }
0xab: {  	[tilespmem:s22+$0x230] =	vst v2;
	v2 =	vld [tilespmem:s26+$0xDC0]  }
0xac: {  	[tilespmem:s22+$0x130] =	vst v0;
	v0 =	vld [tilespmem:s24+$0xDC0]  }
0xad: {  	[tilespmem:s22+$0x2B0] =	vst v3;
	v1 =	vld [tilespmem:s25+$0xDC0]  }
0xae: {  	v6 =	vld [tilespmem:s28+$0xDC0];
	[tilespmem:s22+$0x330] =	vst v4  }
0xaf: {  	[tilespmem:s22+$0x40] =	vst v5;
	v4 =	vld [tilespmem:s29+$0xDC0]  }
0xb0: {  	v5 =	vld [tilespmem:s23+$0xDC0];
	[tilespmem:s22+$0x1C0] =	vst v2  }
0xb1: {  	v3 =	vld [tilespmem:s30+$0xDD0];
	[tilespmem:s22+$0xC0] =	vst v0  }
0xb2: {  	[tilespmem:s22+$0x140] =	vst v1;
	v0 =	vld [tilespmem:s24+$0xDD0]  }
0xb3: {  	[tilespmem:s22+$0x240] =	vst v6;
	v1 =	vld [tilespmem:s25+$0xDD0]  }
0xb4: {  	v2 =	vld [tilespmem:s26+$0xDD0];
	[tilespmem:s22+$0x2C0] =	vst v4  }
0xb5: {  	s31 =	simm.s32 $0x8800;
	s7 =	sadd.s32 $0x8, s17;
	s0 =	simm.s32 $0x0;
	v4 =	vld [tilespmem:s28+$0xDD0];
	[tilespmem:s22+$0x340] =	vst v5  }
.LBB2_4:
0xb6: {  	v5 =	vld [tilespmem:s7+$0x3];
	s0 =	sadd.s32 $0x8, s0;
	[tilespmem:s22+$0x50] =	vst v3  }
0xb7: {  	v3 =	vld [tilespmem:s7+$0xFFFFFFFD];
	p2 =	slt.u32 s0, $0x48;
	[tilespmem:s22+$0xD0] =	vst v0  }
0xb8: {  	v0 =	vld [tilespmem:s7+$0xFFFFFFFE];
	[tilespmem:s22+$0x150] =	vst v1  }
0xb9: {  	v1 =	vld [tilespmem:s7+$0xFFFFFFFF];
	[tilespmem:s22+$0x1D0] =	vst v2  }
0xba: {  	v2 =	vld [tilespmem:s7+$0x0];
	[tilespmem:s22+$0x250] =	vst v4  }
0xbb: {  	v4 =	vld [tilespmem:s7+$0x1];
	(v2sf) =	vpush v5, $0x0  }
0xbc: {  	v5 =	vld [tilespmem:s7+$0x2];
	(v2sf) =	vpush v3, $0x0  }
0xbd: {  	v3 =	vld [tilespmem:s7+$0xFFFFFFFC];
	(v2sf) =	vpush v0, $0x0  }
0xbe: {  	(v2sf) =	vpush v1, $0x0;
	v0 =	vld [tilespmem:s29+$0xDD0]  }
0xbf: {  	(v2sf) =	vpush v2, $0x0;
	v1 =	vld [tilespmem:s23+$0xDD0]  }
0xc0: {  	(v2sf) =	vpush v4, $0x0;
	v2 =	vld [tilespmem:s30+$0xDE0]  }
0xc1: {  	(v2sf) =	vpush v5, $0x0;
	v4 =	vld [tilespmem:s24+$0xDE0]  }
0xc2: {  	(v2sf) =	vpush v3, $0x0;
	v3 =	vld [tilespmem:s25+$0xDE0]  }
0xc3: {  	v5 =	vld [tilespmem:s26+$0xDE0];
	[tilespmem:s22+$0x2D0] =	vst v0  }
0xc4: {  	v0 =	vld [tilespmem:s28+$0xDE0];
	[tilespmem:s22+$0x350] =	vst v1  }
0xc5: {  	[tilespmem:s22+$0x60] =	vst v2;
	v1 =	vld [tilespmem:s29+$0xDE0]  }
0xc6: {  	[tilespmem:s22+$0xE0] =	vst v4;
	v2 =	vld [tilespmem:s23+$0xDE0]  }
0xc7: {  	v4 =	vld [tilespmem:s30+$0xDF0];
	[tilespmem:s22+$0x160] =	vst v3  }
0xc8: {  	v3 =	vld [tilespmem:s24+$0xDF0];
	[tilespmem:s22+$0x1E0] =	vst v5  }
0xc9: {  	v5 =	vld [tilespmem:s25+$0xDF0];
	[tilespmem:s22+$0x260] =	vst v0  }
0xca: {  	s4 =	spop (v2sf);
	v0 =	vld [tilespmem:s26+$0xDF0];
	[tilespmem:s22+$0x2E0] =	vst v1  }
0xcb: {  	s4 =	sshll.u32 s4, $0xA;
	s9 =	spop (v2sf);
	v1 =	vld [tilespmem:s28+$0xDF0];
	[tilespmem:s22+$0x360] =	vst v2  }
0xcc: {  	s24 =	sshll.u32 s9, $0xA;
	s9 =	sshra.s32 s4, $0x2;
	s4 =	spop (v2sf);
	[tilespmem:s22+$0x70] =	vst v4;
	v2 =	vld [tilespmem:s29+$0xDF0]  }
0xcd: {  	s24 =	sshra.s32 s24, $0x2;
	s4 =	sshll.u32 s4, $0xA;
	v4 =	vld [tilespmem:s9+$0xD00];
	s26 =	spop (v2sf);
	[tilespmem:s22+$0xF0] =	vst v3  }
0xce: {  	v3 =	vld [tilespmem:s24+$0xD00];
	s25 =	sshra.s32 s4, $0x2;
	s4 =	sshll.u32 s26, $0xA;
	s28 =	spop (v2sf);
	[tilespmem:s22+$0x170] =	vst v5  }
0xcf: {  	v5 =	vld [tilespmem:s25+$0xD00];
	s26 =	sshra.s32 s4, $0x2;
	s4 =	sshll.u32 s28, $0xA;
	s29 =	spop (v2sf);
	[tilespmem:s22+$0x1F0] =	vst v0  }
0xd0: {  	v0 =	vld [tilespmem:s26+$0xD00];
	s28 =	sshra.s32 s4, $0x2;
	s4 =	sshll.u32 s29, $0xA;
	s29 =	spop (v2sf);
	[tilespmem:s22+$0x270] =	vst v1  }
0xd1: {  	s22 =	sadd.s32 $0x800, s22;
	v1 =	vld [tilespmem:s28+$0xD00];
	s30 =	sshll.u32 s29, $0xA;
	s29 =	spop (v2sf);
	[tilespmem:s31+$0x2F0] =	vst v2  }
0xd2: {  	s6 =	sshll.u32 s29, $0xA;
	s29 =	sshra.s32 s4, $0x2;
	[tilespmem:s22+$0xFFFFFF80] =	vst v4;
	v2 =	vld [tilespmem:s23+$0xDF0];
	s23 =	sshra.s32 s30, $0x2  }
0xd3: {  	s30 =	sshra.s32 s6, $0x2;
	[tilespmem:s22+$0xFFFFFC80] =	vst v3;
	v3 =	vld [tilespmem:s9+$0xD10]  }
0xd4: {  	v4 =	vld [tilespmem:s30+$0xD00];
	[tilespmem:s22+$0xFFFFFD00] =	vst v5  }
0xd5: {  	[tilespmem:s22+$0xFFFFFD80] =	vst v0;
	v0 =	vld [tilespmem:s29+$0xD00]  }
0xd6: {  	[tilespmem:s22+$0xFFFFFE00] =	vst v1;
	v1 =	vld [tilespmem:s23+$0xD00]  }
0xd7: {  	v5 =	vld [tilespmem:s24+$0xD10];
	[tilespmem:s31+$0x370] =	vst v2;
	s31 =	smov.u32 s22  }
0xd8: {  	v2 =	vld [tilespmem:s25+$0xD10];
	[tilespmem:s22+$0xFFFFFF90] =	vst v3  }
0xd9: {  	[tilespmem:s22+$0xFFFFFC00] =	vst v4;
	v3 =	vld [tilespmem:s9+$0xD20]  }
0xda: {  	v4 =	vld [tilespmem:s30+$0xD10];
	[tilespmem:s22+$0xFFFFFE80] =	vst v0  }
0xdb: {  	v0 =	vld [tilespmem:s26+$0xD10];
	[tilespmem:s22+$0xFFFFFF00] =	vst v1  }
0xdc: {  	[tilespmem:s22+$0xFFFFFC90] =	vst v5;
	v1 =	vld [tilespmem:s28+$0xD10]  }
0xdd: {  	[tilespmem:s22+$0xFFFFFD10] =	vst v2;
	v2 =	vld [tilespmem:s29+$0xD10]  }
0xde: {  	v5 =	vld [tilespmem:s23+$0xD10];
	[tilespmem:s22+$0xFFFFFFA0] =	vst v3  }
0xdf: {  	[tilespmem:s22+$0xFFFFFC10] =	vst v4;
	v3 =	vld [tilespmem:s9+$0xD30]  }
0xe0: {  	v4 =	vld [tilespmem:s30+$0xD20];
	[tilespmem:s22+$0xFFFFFD90] =	vst v0  }
0xe1: {  	v0 =	vld [tilespmem:s24+$0xD20];
	[tilespmem:s22+$0xFFFFFE10] =	vst v1  }
0xe2: {  	v1 =	vld [tilespmem:s25+$0xD20];
	[tilespmem:s22+$0xFFFFFE90] =	vst v2  }
0xe3: {  	v2 =	vld [tilespmem:s26+$0xD20];
	[tilespmem:s22+$0xFFFFFF10] =	vst v5  }
0xe4: {  	v5 =	vld [tilespmem:s28+$0xD20];
	[tilespmem:s22+$0xFFFFFFB0] =	vst v3  }
0xe5: {  	[tilespmem:s22+$0xFFFFFC20] =	vst v4;
	v3 =	vld [tilespmem:s9+$0xD40]  }
0xe6: {  	[tilespmem:s22+$0xFFFFFCA0] =	vst v0;
	v0 =	vld [tilespmem:s29+$0xD20]  }
0xe7: {  	[tilespmem:s22+$0xFFFFFD20] =	vst v1;
	v1 =	vld [tilespmem:s23+$0xD20]  }
0xe8: {  	v4 =	vld [tilespmem:s30+$0xD30];
	[tilespmem:s22+$0xFFFFFDA0] =	vst v2  }
0xe9: {  	v2 =	vld [tilespmem:s24+$0xD30];
	[tilespmem:s22+$0xFFFFFE20] =	vst v5  }
0xea: {  	v5 =	vld [tilespmem:s25+$0xD30];
	[tilespmem:s22+$0xFFFFFFC0] =	vst v3  }
0xeb: {  	[tilespmem:s22+$0xFFFFFEA0] =	vst v0;
	v0 =	vld [tilespmem:s9+$0xD50]  }
0xec: {  	v3 =	vld [tilespmem:s26+$0xD30];
	[tilespmem:s22+$0xFFFFFF20] =	vst v1  }
0xed: {  	[tilespmem:s22+$0xFFFFFC30] =	vst v4;
	v1 =	vld [tilespmem:s28+$0xD30]  }
0xee: {  	[tilespmem:s22+$0xFFFFFCB0] =	vst v2;
	v2 =	vld [tilespmem:s29+$0xD30]  }
0xef: {  	[tilespmem:s22+$0xFFFFFD30] =	vst v5;
	v4 =	vld [tilespmem:s23+$0xD30]  }
0xf0: {  	v5 =	vld [tilespmem:s30+$0xD40];
	[tilespmem:s22+$0xFFFFFFD0] =	vst v0  }
0xf1: {  	[tilespmem:s22+$0xFFFFFDB0] =	vst v3;
	v0 =	vld [tilespmem:s9+$0xD60]  }
0xf2: {  	v3 =	vld [tilespmem:s24+$0xD40];
	[tilespmem:s22+$0xFFFFFE30] =	vst v1  }
0xf3: {  	v1 =	vld [tilespmem:s25+$0xD40];
	[tilespmem:s22+$0xFFFFFEB0] =	vst v2  }
0xf4: {  	v2 =	vld [tilespmem:s26+$0xD40];
	[tilespmem:s22+$0xFFFFFF30] =	vst v4  }
0xf5: {  	[tilespmem:s22+$0xFFFFFC40] =	vst v5;
	v4 =	vld [tilespmem:s28+$0xD40]  }
0xf6: {  	v5 =	vld [tilespmem:s29+$0xD40];
	[tilespmem:s22+$0xFFFFFFE0] =	vst v0  }
0xf7: {  	[tilespmem:s22+$0xFFFFFCC0] =	vst v3;
	v0 =	vld [tilespmem:s9+$0xD70]  }
0xf8: {  	[tilespmem:s22+$0xFFFFFD40] =	vst v1;
	v1 =	vld [tilespmem:s23+$0xD40]  }
0xf9: {  	v3 =	vld [tilespmem:s30+$0xD50];
	[tilespmem:s22+$0xFFFFFDC0] =	vst v2  }
0xfa: {  	v2 =	vld [tilespmem:s24+$0xD50];
	[tilespmem:s22+$0xFFFFFE40] =	vst v4  }
0xfb: {  	v4 =	vld [tilespmem:s25+$0xD50];
	[tilespmem:s22+$0xFFFFFEC0] =	vst v5  }
0xfc: {  	v5 =	vld [tilespmem:s26+$0xD50];
	[tilespmem:s22+$0xFFFFFFF0] =	vst v0  }
0xfd: {  	[tilespmem:s22+$0xFFFFFF40] =	vst v1;
	v0 =	vld [tilespmem:s9+$0xD80]  }
0xfe: {  	[tilespmem:s22+$0xFFFFFC50] =	vst v3;
	v1 =	vld [tilespmem:s28+$0xD50]  }
0xff: {  	[tilespmem:s22+$0xFFFFFCD0] =	vst v2;
	v2 =	vld [tilespmem:s29+$0xD50]  }
0x100: {  	[tilespmem:s22+$0xFFFFFD50] =	vst v4;
	v3 =	vld [tilespmem:s23+$0xD50]  }
0x101: {  	v4 =	vld [tilespmem:s30+$0xD60];
	[tilespmem:s22+$0xFFFFFDD0] =	vst v5  }
0x102: {  	v5 =	vld [tilespmem:s24+$0xD60];
	[tilespmem:s22+$0x380] =	vst v0  }
0x103: {  	[tilespmem:s22+$0xFFFFFE50] =	vst v1;
	v0 =	vld [tilespmem:s9+$0xD90]  }
0x104: {  	v1 =	vld [tilespmem:s25+$0xD60];
	[tilespmem:s22+$0xFFFFFED0] =	vst v2  }
0x105: {  	v2 =	vld [tilespmem:s26+$0xD60];
	[tilespmem:s22+$0xFFFFFF50] =	vst v3  }
0x106: {  	[tilespmem:s22+$0xFFFFFC60] =	vst v4;
	v3 =	vld [tilespmem:s28+$0xD60]  }
0x107: {  	[tilespmem:s22+$0xFFFFFCE0] =	vst v5;
	v4 =	vld [tilespmem:s29+$0xD60]  }
0x108: {  	v5 =	vld [tilespmem:s23+$0xD60];
	[tilespmem:s22+$0x390] =	vst v0  }
0x109: {  	[tilespmem:s22+$0xFFFFFD60] =	vst v1;
	v0 =	vld [tilespmem:s9+$0xDA0]  }
0x10a: {  	v1 =	vld [tilespmem:s30+$0xD70];
	[tilespmem:s22+$0xFFFFFDE0] =	vst v2  }
0x10b: {  	v2 =	vld [tilespmem:s24+$0xD70];
	[tilespmem:s22+$0xFFFFFE60] =	vst v3  }
0x10c: {  	v3 =	vld [tilespmem:s25+$0xD70];
	[tilespmem:s22+$0xFFFFFEE0] =	vst v4  }
0x10d: {  	v4 =	vld [tilespmem:s26+$0xD70];
	[tilespmem:s22+$0xFFFFFF60] =	vst v5  }
0x10e: {  	v5 =	vld [tilespmem:s28+$0xD70];
	[tilespmem:s22+$0x3A0] =	vst v0  }
0x10f: {  	[tilespmem:s22+$0xFFFFFC70] =	vst v1;
	v0 =	vld [tilespmem:s9+$0xDB0]  }
0x110: {  	[tilespmem:s22+$0xFFFFFCF0] =	vst v2;
	v1 =	vld [tilespmem:s29+$0xD70]  }
0x111: {  	[tilespmem:s22+$0xFFFFFD70] =	vst v3;
	v2 =	vld [tilespmem:s23+$0xD70]  }
0x112: {  	v3 =	vld [tilespmem:s30+$0xD80];
	[tilespmem:s22+$0xFFFFFDF0] =	vst v4  }
0x113: {  	v4 =	vld [tilespmem:s24+$0xD80];
	[tilespmem:s22+$0xFFFFFE70] =	vst v5  }
0x114: {  	v5 =	vld [tilespmem:s25+$0xD80];
	[tilespmem:s22+$0x3B0] =	vst v0  }
0x115: {  	[tilespmem:s22+$0xFFFFFEF0] =	vst v1;
	v0 =	vld [tilespmem:s9+$0xDC0]  }
0x116: {  	v1 =	vld [tilespmem:s26+$0xD80];
	[tilespmem:s22+$0xFFFFFF70] =	vst v2  }
0x117: {  	[tilespmem:s22+$0x0] =	vst v3;
	v2 =	vld [tilespmem:s28+$0xD80]  }
0x118: {  	[tilespmem:s22+$0x80] =	vst v4;
	v3 =	vld [tilespmem:s29+$0xD80]  }
0x119: {  	[tilespmem:s22+$0x100] =	vst v5;
	v4 =	vld [tilespmem:s23+$0xD80]  }
0x11a: {  	v5 =	vld [tilespmem:s30+$0xD90];
	[tilespmem:s22+$0x3C0] =	vst v0  }
0x11b: {  	[tilespmem:s22+$0x180] =	vst v1;
	v0 =	vld [tilespmem:s9+$0xDD0]  }
0x11c: {  	v1 =	vld [tilespmem:s24+$0xD90];
	[tilespmem:s22+$0x200] =	vst v2  }
0x11d: {  	v2 =	vld [tilespmem:s25+$0xD90];
	[tilespmem:s22+$0x280] =	vst v3  }
0x11e: {  	v3 =	vld [tilespmem:s26+$0xD90];
	[tilespmem:s22+$0x300] =	vst v4  }
0x11f: {  	[tilespmem:s22+$0x10] =	vst v5;
	v4 =	vld [tilespmem:s28+$0xD90]  }
0x120: {  	v5 =	vld [tilespmem:s29+$0xD90];
	[tilespmem:s22+$0x3D0] =	vst v0  }
0x121: {  	[tilespmem:s22+$0x90] =	vst v1;
	v0 =	vld [tilespmem:s9+$0xDE0]  }
0x122: {  	[tilespmem:s22+$0x110] =	vst v2;
	v1 =	vld [tilespmem:s23+$0xD90]  }
0x123: {  	v2 =	vld [tilespmem:s30+$0xDA0];
	[tilespmem:s22+$0x190] =	vst v3  }
0x124: {  	v3 =	vld [tilespmem:s24+$0xDA0];
	[tilespmem:s22+$0x210] =	vst v4  }
0x125: {  	v4 =	vld [tilespmem:s25+$0xDA0];
	[tilespmem:s22+$0x290] =	vst v5  }
0x126: {  	v5 =	vld [tilespmem:s26+$0xDA0];
	[tilespmem:s22+$0x3E0] =	vst v0  }
0x127: {  	[tilespmem:s22+$0x310] =	vst v1;
	v0 =	vld [tilespmem:s9+$0xDF0]  }
0x128: {  	[tilespmem:s22+$0x20] =	vst v2;
	v1 =	vld [tilespmem:s28+$0xDA0]  }
0x129: {  	[tilespmem:s22+$0xA0] =	vst v3;
	v2 =	vld [tilespmem:s29+$0xDA0]  }
0x12a: {  	[tilespmem:s22+$0x120] =	vst v4;
	v3 =	vld [tilespmem:s23+$0xDA0]  }
0x12b: {  	v4 =	vld [tilespmem:s30+$0xDB0];
	[tilespmem:s22+$0x1A0] =	vst v5  }
0x12c: {  	v5 =	vld [tilespmem:s24+$0xDB0];
	[tilespmem:s22+$0x3F0] =	vst v0  }
0x12d: {  	v0 =	vld [tilespmem:s25+$0xDB0];
	[tilespmem:s22+$0x220] =	vst v1  }
0x12e: {  	v1 =	vld [tilespmem:s26+$0xDB0];
	[tilespmem:s22+$0x2A0] =	vst v2  }
0x12f: {  	v2 =	vld [tilespmem:s28+$0xDB0];
	[tilespmem:s22+$0x320] =	vst v3  }
0x130: {  	[tilespmem:s22+$0x30] =	vst v4;
	v3 =	vld [tilespmem:s29+$0xDB0]  }
0x131: {  	[tilespmem:s22+$0xB0] =	vst v5;
	v4 =	vld [tilespmem:s23+$0xDB0]  }
0x132: {  	v5 =	vld [tilespmem:s30+$0xDC0];
	[tilespmem:s22+$0x130] =	vst v0  }
0x133: {  	v0 =	vld [tilespmem:s24+$0xDC0];
	[tilespmem:s22+$0x1B0] =	vst v1  }
0x134: {  	v1 =	vld [tilespmem:s25+$0xDC0];
	[tilespmem:s22+$0x230] =	vst v2  }
0x135: {  	v2 =	vld [tilespmem:s26+$0xDC0];
	[tilespmem:s22+$0x2B0] =	vst v3  }
0x136: {  	v6 =	vld [tilespmem:s28+$0xDC0];
	[tilespmem:s22+$0x330] =	vst v4  }
0x137: {  	[tilespmem:s22+$0x40] =	vst v5;
	v4 =	vld [tilespmem:s29+$0xDC0]  }
0x138: {  	[tilespmem:s22+$0xC0] =	vst v0;
	v5 =	vld [tilespmem:s23+$0xDC0]  }
.Ltmp6:
0x139: {  	v3 =	vld [tilespmem:s30+$0xDD0];
	[tilespmem:s22+$0x140] =	vst v1;
	(pc) =	sbr.rel @p2 .LBB2_4-.Ltmp6, $4  }
0x13a: {  	v0 =	vld [tilespmem:s24+$0xDD0];
	[tilespmem:s22+$0x1C0] =	vst v2  }
0x13b: {  	v1 =	vld [tilespmem:s25+$0xDD0];
	[tilespmem:s22+$0x240] =	vst v6  }
0x13c: {  	v2 =	vld [tilespmem:s26+$0xDD0];
	[tilespmem:s22+$0x2C0] =	vst v4  }
0x13d: {  	s7 =	sadd.s32 $0x8, s7;
	v4 =	vld [tilespmem:s28+$0xDD0];
	[tilespmem:s22+$0x340] =	vst v5  }
0x13e: {  	[tilespmem:s22+$0x50] =	vst v3;
	v49 =	vld [tilespmem:s29+$0xDD0]  }
0x13f: {  	v50 =	vld [tilespmem:s23+$0xDD0];
	[tilespmem:s22+$0xD0] =	vst v0  }
0x140: {  	v51 =	vld [tilespmem:s30+$0xDE0];
	[tilespmem:s22+$0x150] =	vst v1  }
0x141: {  	v52 =	vld [tilespmem:s24+$0xDE0];
	[tilespmem:s22+$0x1D0] =	vst v2  }
0x142: {  	v53 =	vld [tilespmem:s25+$0xDE0];
	[tilespmem:s22+$0x250] =	vst v4  }
0x143: {  	v5 =	vld [tilespmem:s26+$0xDE0];
	[tilespmem:s22+$0x2D0] =	vst v49  }
0x144: {  	v54 =	vld [tilespmem:s28+$0xDE0];
	[tilespmem:s22+$0x350] =	vst v50  }
0x145: {  	[tilespmem:s22+$0x60] =	vst v51;
	v55 =	vld [tilespmem:s29+$0xDE0]  }
0x146: {  	v56 =	vld [tilespmem:s23+$0xDE0];
	[tilespmem:s22+$0xE0] =	vst v52  }
0x147: {  	v57 =	vld [tilespmem:s30+$0xDF0];
	[tilespmem:s22+$0x160] =	vst v53  }
0x148: {  	v58 =	vld [tilespmem:s24+$0xDF0];
	[tilespmem:s22+$0x1E0] =	vst v5  }
0x149: {  	v59 =	vld [tilespmem:s25+$0xDF0];
	[tilespmem:s22+$0x260] =	vst v54  }
0x14a: {  	v60 =	vld [tilespmem:s26+$0xDF0];
	[tilespmem:s22+$0x2E0] =	vst v55  }
0x14b: {  	v61 =	vld [tilespmem:s28+$0xDF0];
	[tilespmem:s22+$0x360] =	vst v56  }
0x14c: {  	[tilespmem:s22+$0x70] =	vst v57;
	v62 =	vld [tilespmem:s29+$0xDF0]  }
0x14d: {  	v63 =	vld [tilespmem:s23+$0xDF0];
	[tilespmem:s22+$0xF0] =	vst v58  }
0x14e: {  	[tilespmem:s22+$0x170] =	vst v59  }
0x14f: {  	s0 =	sadd.s32 s3, s21;
	[tilespmem:s22+$0x1F0] =	vst v60  }
0x150: {  	s0 =	smul.u32 $0xA00, s0;
	[tilespmem:s22+$0x270] =	vst v61  }
0x151: {  	[tilespmem:s31+$0x2F0] =	vst v62  }
0x152: {  	s0 =	sadd.s32 s1, s0;
	[tilespmem:s31+$0x370] =	vst v63  }
0x153: {  	[hbm4b:s0+s2] =	stream.linear.scatter [tilespmem:s10], [sflag:$0x1], $0x5000, $0x38;
	[tilespmem:$0x17400] =	vst v63  }
.LBB2_6:
0x154: {  	s22 =	sadd.s32 $0x1, s21  }
0x155: {  	p2 =	sge.u32 s22, s5  }
.Ltmp7:
0x156: {  	_ = 	snop;
	(pc) =	sbr.rel @p2 .LBB2_10-.Ltmp7, $1  }
0x157: {  	_ =	sdelay $0x3  }
0x158: {  	s0 =	simm.s32 @!p1 $0x2  }
0x159: {  	_ =	swait.ge @!p1 [sflag:s0], $0x5000  }
0x15a: {  	[sflag:s0] =	ssyncset.done @!p1 $0x0  }
0x15b: {  	[sflag:s0] =	ssyncadd.s32 @!p1 $0xFFFFB000  }
0x15c: {  	v0 =	vld [tilespmem:s18+$0x0]  }
0x15d: {  	v1 =	vld [tilespmem:s18+$0xFFFFFFFA]  }
0x15e: {  	v2 =	vld [tilespmem:s18+$0xFFFFFFFB]  }
0x15f: {  	v3 =	vld [tilespmem:s18+$0xFFFFFFFC]  }
0x160: {  	v4 =	vld [tilespmem:s18+$0xFFFFFFFD]  }
0x161: {  	v5 =	vld [tilespmem:s18+$0xFFFFFFFE];
	(v2sf) =	vpush v0, $0x0  }
0x162: {  	v0 =	vld [tilespmem:s18+$0xFFFFFFFF];
	(v2sf) =	vpush v1, $0x0  }
0x163: {  	v1 =	vld [tilespmem:s18+$0xFFFFFFF9];
	(v2sf) =	vpush v2, $0x0  }
0x164: {  	(v2sf) =	vpush v3, $0x0  }
0x165: {  	(v2sf) =	vpush v4, $0x0  }
0x166: {  	(v2sf) =	vpush v5, $0x0  }
0x167: {  	(v2sf) =	vpush v0, $0x0  }
0x168: {  	(v2sf) =	vpush v1, $0x0;
	_ =	sdelay $0x7  }
0x169: {  	s7 =	spop (v2sf)  }
0x16a: {  	s0 =	sshll.u32 s7, $0xA;
	s4 =	spop (v2sf)  }
0x16b: {  	s0 =	sshra.s32 s0, $0x2;
	s6 =	spop (v2sf)  }
0x16c: {  	s4 =	sshll.u32 s4, $0xA;
	v0 =	vld [tilespmem:s0+$0xD00];
	s7 =	spop (v2sf)  }
0x16d: {  	s25 =	sshra.s32 s4, $0x2;
	s8 =	sshll.u32 s6, $0xA;
	s9 =	spop (v2sf)  }
0x16e: {  	v1 =	vld [tilespmem:s25+$0xD00];
	s26 =	sshra.s32 s8, $0x2;
	s23 =	sshll.u32 s7, $0xA;
	s24 =	spop (v2sf)  }
0x16f: {  	v2 =	vld [tilespmem:s26+$0xD00];
	s28 =	sshra.s32 s23, $0x2;
	s6 =	sshll.u32 s9, $0xA;
	s8 =	spop (v2sf)  }
0x170: {  	s23 =	simm.s32 $0xD800;
	v3 =	vld [tilespmem:s28+$0xD00];
	s29 =	sshra.s32 s6, $0x2;
	s9 =	spop (v2sf)  }
0x171: {  	v4 =	vld [tilespmem:s29+$0xD00];
	s4 =	sshll.u32 s9, $0xA;
	[tilespmem:s23+$0xFFFFFF80] =	vst v0  }
0x172: {  	s7 =	sshll.u32 s24, $0xA;
	s31 =	sshra.s32 s4, $0x2;
	v0 =	vld [tilespmem:s0+$0xD10]  }
0x173: {  	s24 =	sshll.u32 s8, $0xA;
	s30 =	sshra.s32 s7, $0x2;
	[tilespmem:s23+$0xFFFFFC80] =	vst v1;
	v1 =	vld [tilespmem:s31+$0xD00]  }
0x174: {  	s24 =	sshra.s32 s24, $0x2;
	[tilespmem:s23+$0xFFFFFD00] =	vst v2;
	v2 =	vld [tilespmem:s30+$0xD00]  }
0x175: {  	[tilespmem:s23+$0xFFFFFD80] =	vst v3;
	v3 =	vld [tilespmem:s24+$0xD00]  }
0x176: {  	v5 =	vld [tilespmem:s26+$0xD10];
	[tilespmem:s23+$0xFFFFFE00] =	vst v4  }
0x177: {  	v4 =	vld [tilespmem:s25+$0xD10];
	[tilespmem:s23+$0xFFFFFF90] =	vst v0  }
0x178: {  	[tilespmem:s23+$0xFFFFFC00] =	vst v1;
	v0 =	vld [tilespmem:s0+$0xD20]  }
0x179: {  	[tilespmem:s23+$0xFFFFFE80] =	vst v2;
	v2 =	vld [tilespmem:s28+$0xD10]  }
0x17a: {  	v1 =	vld [tilespmem:s31+$0xD10];
	[tilespmem:s23+$0xFFFFFF00] =	vst v3  }
0x17b: {  	v3 =	vld [tilespmem:s29+$0xD10];
	[tilespmem:s23+$0xFFFFFD10] =	vst v5  }
0x17c: {  	[tilespmem:s23+$0xFFFFFC90] =	vst v4;
	v4 =	vld [tilespmem:s30+$0xD10]  }
0x17d: {  	v5 =	vld [tilespmem:s24+$0xD10];
	[tilespmem:s23+$0xFFFFFFA0] =	vst v0  }
0x17e: {  	[tilespmem:s23+$0xFFFFFD90] =	vst v2;
	v2 =	vld [tilespmem:s25+$0xD20]  }
0x17f: {  	[tilespmem:s23+$0xFFFFFC10] =	vst v1;
	v0 =	vld [tilespmem:s0+$0xD30]  }
0x180: {  	[tilespmem:s23+$0xFFFFFE10] =	vst v3;
	v3 =	vld [tilespmem:s26+$0xD20]  }
0x181: {  	v1 =	vld [tilespmem:s31+$0xD20];
	[tilespmem:s23+$0xFFFFFE90] =	vst v4  }
0x182: {  	v4 =	vld [tilespmem:s28+$0xD20];
	[tilespmem:s23+$0xFFFFFF10] =	vst v5  }
0x183: {  	v5 =	vld [tilespmem:s29+$0xD20];
	[tilespmem:s23+$0xFFFFFCA0] =	vst v2  }
0x184: {  	v2 =	vld [tilespmem:s24+$0xD20];
	[tilespmem:s23+$0xFFFFFFB0] =	vst v0  }
0x185: {  	[tilespmem:s23+$0xFFFFFD20] =	vst v3;
	v0 =	vld [tilespmem:s0+$0xD40]  }
0x186: {  	[tilespmem:s23+$0xFFFFFC20] =	vst v1;
	v1 =	vld [tilespmem:s30+$0xD20]  }
0x187: {  	[tilespmem:s23+$0xFFFFFDA0] =	vst v4;
	v4 =	vld [tilespmem:s25+$0xD30]  }
0x188: {  	[tilespmem:s23+$0xFFFFFE20] =	vst v5;
	v5 =	vld [tilespmem:s26+$0xD30]  }
0x189: {  	v3 =	vld [tilespmem:s31+$0xD30];
	[tilespmem:s23+$0xFFFFFF20] =	vst v2  }
0x18a: {  	v2 =	vld [tilespmem:s29+$0xD30];
	[tilespmem:s23+$0xFFFFFFC0] =	vst v0  }
0x18b: {  	[tilespmem:s23+$0xFFFFFEA0] =	vst v1;
	v1 =	vld [tilespmem:s28+$0xD30]  }
0x18c: {  	[tilespmem:s23+$0xFFFFFCB0] =	vst v4;
	v4 =	vld [tilespmem:s24+$0xD30]  }
0x18d: {  	[tilespmem:s23+$0xFFFFFD30] =	vst v5;
	v0 =	vld [tilespmem:s0+$0xD50]  }
0x18e: {  	[tilespmem:s23+$0xFFFFFC30] =	vst v3;
	v3 =	vld [tilespmem:s30+$0xD30]  }
0x18f: {  	v5 =	vld [tilespmem:s31+$0xD40];
	[tilespmem:s23+$0xFFFFFE30] =	vst v2  }
0x190: {  	v2 =	vld [tilespmem:s26+$0xD40];
	[tilespmem:s23+$0xFFFFFDB0] =	vst v1  }
0x191: {  	v1 =	vld [tilespmem:s25+$0xD40];
	[tilespmem:s23+$0xFFFFFF30] =	vst v4  }
0x192: {  	v4 =	vld [tilespmem:s29+$0xD40];
	[tilespmem:s23+$0xFFFFFFD0] =	vst v0  }
0x193: {  	[tilespmem:s23+$0xFFFFFEB0] =	vst v3;
	v0 =	vld [tilespmem:s0+$0xD60]  }
0x194: {  	v3 =	vld [tilespmem:s28+$0xD40];
	[tilespmem:s23+$0xFFFFFC40] =	vst v5  }
0x195: {  	v5 =	vld [tilespmem:s30+$0xD40];
	[tilespmem:s23+$0xFFFFFD40] =	vst v2  }
0x196: {  	v2 =	vld [tilespmem:s31+$0xD50];
	[tilespmem:s23+$0xFFFFFCC0] =	vst v1  }
0x197: {  	v1 =	vld [tilespmem:s24+$0xD40];
	[tilespmem:s23+$0xFFFFFE40] =	vst v4  }
0x198: {  	v4 =	vld [tilespmem:s26+$0xD50];
	[tilespmem:s23+$0xFFFFFFE0] =	vst v0  }
0x199: {  	[tilespmem:s23+$0xFFFFFDC0] =	vst v3;
	v0 =	vld [tilespmem:s0+$0xD70]  }
0x19a: {  	v3 =	vld [tilespmem:s25+$0xD50];
	[tilespmem:s23+$0xFFFFFEC0] =	vst v5  }
0x19b: {  	v5 =	vld [tilespmem:s28+$0xD50];
	[tilespmem:s23+$0xFFFFFC50] =	vst v2  }
0x19c: {  	v2 =	vld [tilespmem:s30+$0xD50];
	[tilespmem:s23+$0xFFFFFF40] =	vst v1  }
0x19d: {  	v1 =	vld [tilespmem:s29+$0xD50];
	[tilespmem:s23+$0xFFFFFD50] =	vst v4  }
0x19e: {  	v4 =	vld [tilespmem:s31+$0xD60];
	[tilespmem:s23+$0xFFFFFFF0] =	vst v0  }
0x19f: {  	[tilespmem:s23+$0xFFFFFCD0] =	vst v3;
	v0 =	vld [tilespmem:s0+$0xD80]  }
0x1a0: {  	v3 =	vld [tilespmem:s24+$0xD50];
	[tilespmem:s23+$0xFFFFFDD0] =	vst v5  }
0x1a1: {  	v5 =	vld [tilespmem:s25+$0xD60];
	[tilespmem:s23+$0xFFFFFED0] =	vst v2  }
0x1a2: {  	v2 =	vld [tilespmem:s28+$0xD60];
	[tilespmem:s23+$0xFFFFFE50] =	vst v1  }
0x1a3: {  	v1 =	vld [tilespmem:s26+$0xD60];
	[tilespmem:s23+$0xFFFFFC60] =	vst v4  }
0x1a4: {  	v4 =	vld [tilespmem:s30+$0xD60];
	[tilespmem:s23+$0x380] =	vst v0  }
0x1a5: {  	[tilespmem:s23+$0xFFFFFF50] =	vst v3;
	v0 =	vld [tilespmem:s0+$0xD90]  }
0x1a6: {  	v3 =	vld [tilespmem:s29+$0xD60];
	[tilespmem:s23+$0xFFFFFCE0] =	vst v5  }
0x1a7: {  	v5 =	vld [tilespmem:s24+$0xD60];
	[tilespmem:s23+$0xFFFFFDE0] =	vst v2  }
0x1a8: {  	v2 =	vld [tilespmem:s25+$0xD70];
	[tilespmem:s23+$0xFFFFFD60] =	vst v1  }
0x1a9: {  	v1 =	vld [tilespmem:s31+$0xD70];
	[tilespmem:s23+$0xFFFFFEE0] =	vst v4  }
0x1aa: {  	v4 =	vld [tilespmem:s28+$0xD70];
	[tilespmem:s23+$0x390] =	vst v0  }
0x1ab: {  	[tilespmem:s23+$0xFFFFFE60] =	vst v3;
	v0 =	vld [tilespmem:s0+$0xDA0]  }
0x1ac: {  	v3 =	vld [tilespmem:s26+$0xD70];
	[tilespmem:s23+$0xFFFFFF60] =	vst v5  }
0x1ad: {  	v5 =	vld [tilespmem:s29+$0xD70];
	[tilespmem:s23+$0xFFFFFCF0] =	vst v2  }
0x1ae: {  	v2 =	vld [tilespmem:s24+$0xD70];
	[tilespmem:s23+$0xFFFFFC70] =	vst v1  }
0x1af: {  	v1 =	vld [tilespmem:s30+$0xD70];
	[tilespmem:s23+$0xFFFFFDF0] =	vst v4  }
0x1b0: {  	v4 =	vld [tilespmem:s25+$0xD80];
	[tilespmem:s23+$0x3A0] =	vst v0  }
0x1b1: {  	[tilespmem:s23+$0xFFFFFD70] =	vst v3;
	v0 =	vld [tilespmem:s0+$0xDB0]  }
0x1b2: {  	v3 =	vld [tilespmem:s31+$0xD80];
	[tilespmem:s23+$0xFFFFFE70] =	vst v5  }
0x1b3: {  	v5 =	vld [tilespmem:s26+$0xD80];
	[tilespmem:s23+$0xFFFFFF70] =	vst v2  }
0x1b4: {  	v2 =	vld [tilespmem:s29+$0xD80];
	[tilespmem:s23+$0xFFFFFEF0] =	vst v1  }
0x1b5: {  	v1 =	vld [tilespmem:s28+$0xD80];
	[tilespmem:s23+$0x80] =	vst v4  }
0x1b6: {  	v4 =	vld [tilespmem:s24+$0xD80];
	[tilespmem:s23+$0x3B0] =	vst v0  }
0x1b7: {  	[tilespmem:s23+$0x0] =	vst v3;
	v0 =	vld [tilespmem:s0+$0xDC0]  }
0x1b8: {  	v3 =	vld [tilespmem:s30+$0xD80];
	[tilespmem:s23+$0x100] =	vst v5  }
0x1b9: {  	v5 =	vld [tilespmem:s31+$0xD90];
	[tilespmem:s23+$0x200] =	vst v2  }
0x1ba: {  	v2 =	vld [tilespmem:s26+$0xD90];
	[tilespmem:s23+$0x180] =	vst v1  }
0x1bb: {  	v1 =	vld [tilespmem:s25+$0xD90];
	[tilespmem:s23+$0x300] =	vst v4  }
0x1bc: {  	v4 =	vld [tilespmem:s29+$0xD90];
	[tilespmem:s23+$0x3C0] =	vst v0  }
0x1bd: {  	[tilespmem:s23+$0x280] =	vst v3;
	v0 =	vld [tilespmem:s0+$0xDD0]  }
0x1be: {  	v3 =	vld [tilespmem:s28+$0xD90];
	[tilespmem:s23+$0x10] =	vst v5  }
0x1bf: {  	v5 =	vld [tilespmem:s30+$0xD90];
	[tilespmem:s23+$0x110] =	vst v2  }
0x1c0: {  	v2 =	vld [tilespmem:s31+$0xDA0];
	[tilespmem:s23+$0x90] =	vst v1  }
0x1c1: {  	v1 =	vld [tilespmem:s24+$0xD90];
	[tilespmem:s23+$0x210] =	vst v4  }
0x1c2: {  	v4 =	vld [tilespmem:s26+$0xDA0];
	[tilespmem:s23+$0x3D0] =	vst v0  }
0x1c3: {  	[tilespmem:s23+$0x190] =	vst v3;
	v0 =	vld [tilespmem:s0+$0xDE0]  }
0x1c4: {  	v3 =	vld [tilespmem:s25+$0xDA0];
	[tilespmem:s23+$0x290] =	vst v5  }
0x1c5: {  	v5 =	vld [tilespmem:s28+$0xDA0];
	[tilespmem:s23+$0x20] =	vst v2  }
0x1c6: {  	v2 =	vld [tilespmem:s30+$0xDA0];
	[tilespmem:s23+$0x310] =	vst v1  }
0x1c7: {  	v1 =	vld [tilespmem:s29+$0xDA0];
	[tilespmem:s23+$0x120] =	vst v4  }
0x1c8: {  	v4 =	vld [tilespmem:s31+$0xDB0];
	[tilespmem:s23+$0x3E0] =	vst v0  }
0x1c9: {  	[tilespmem:s23+$0xA0] =	vst v3;
	v0 =	vld [tilespmem:s0+$0xDF0]  }
0x1ca: {  	v3 =	vld [tilespmem:s24+$0xDA0];
	[tilespmem:s23+$0x1A0] =	vst v5  }
0x1cb: {  	v5 =	vld [tilespmem:s25+$0xDB0];
	[tilespmem:s23+$0x2A0] =	vst v2  }
0x1cc: {  	[tilespmem:s23+$0x220] =	vst v1;
	v1 =	vld [tilespmem:s28+$0xDB0]  }
0x1cd: {  	[tilespmem:s23+$0x30] =	vst v4;
	v2 =	vld [tilespmem:s29+$0xDB0]  }
0x1ce: {  	[tilespmem:s23+$0x3F0] =	vst v0;
	v0 =	vld [tilespmem:s26+$0xDB0]  }
0x1cf: {  	[tilespmem:s23+$0x320] =	vst v3;
	v3 =	vld [tilespmem:s30+$0xDB0]  }
0x1d0: {  	[tilespmem:s23+$0xB0] =	vst v5;
	v4 =	vld [tilespmem:s24+$0xDB0]  }
0x1d1: {  	v5 =	vld [tilespmem:s31+$0xDC0];
	[tilespmem:s23+$0x1B0] =	vst v1  }
0x1d2: {  	[tilespmem:s23+$0x230] =	vst v2;
	v2 =	vld [tilespmem:s28+$0xDC0]  }
0x1d3: {  	[tilespmem:s23+$0x130] =	vst v0;
	v0 =	vld [tilespmem:s25+$0xDC0]  }
0x1d4: {  	[tilespmem:s23+$0x2B0] =	vst v3;
	v1 =	vld [tilespmem:s26+$0xDC0]  }
0x1d5: {  	v6 =	vld [tilespmem:s29+$0xDC0];
	[tilespmem:s23+$0x330] =	vst v4  }
0x1d6: {  	[tilespmem:s23+$0x40] =	vst v5;
	v4 =	vld [tilespmem:s30+$0xDC0]  }
0x1d7: {  	v5 =	vld [tilespmem:s24+$0xDC0];
	[tilespmem:s23+$0x1C0] =	vst v2  }
0x1d8: {  	v3 =	vld [tilespmem:s31+$0xDD0];
	[tilespmem:s23+$0xC0] =	vst v0  }
0x1d9: {  	[tilespmem:s23+$0x140] =	vst v1;
	v0 =	vld [tilespmem:s25+$0xDD0]  }
0x1da: {  	[tilespmem:s23+$0x240] =	vst v6;
	v1 =	vld [tilespmem:s26+$0xDD0]  }
0x1db: {  	v2 =	vld [tilespmem:s28+$0xDD0];
	[tilespmem:s23+$0x2C0] =	vst v4  }
0x1dc: {  	s7 =	simm.s32 $0x0;
	s9 =	sadd.s32 $0x8, s18;
	s0 =	simm.s32 $0xD800;
	v4 =	vld [tilespmem:s29+$0xDD0];
	[tilespmem:s23+$0x340] =	vst v5  }
.LBB2_8:
0x1dd: {  	v5 =	vld [tilespmem:s9+$0x0];
	s7 =	sadd.s32 $0x8, s7;
	[tilespmem:s23+$0x50] =	vst v3  }
0x1de: {  	v3 =	vld [tilespmem:s9+$0xFFFFFFFA];
	p2 =	slt.u32 s7, $0x48;
	[tilespmem:s23+$0xD0] =	vst v0  }
0x1df: {  	v0 =	vld [tilespmem:s9+$0xFFFFFFFB];
	[tilespmem:s23+$0x150] =	vst v1  }
0x1e0: {  	v1 =	vld [tilespmem:s9+$0xFFFFFFFC];
	[tilespmem:s23+$0x1D0] =	vst v2  }
0x1e1: {  	v2 =	vld [tilespmem:s9+$0xFFFFFFFD];
	[tilespmem:s23+$0x250] =	vst v4  }
0x1e2: {  	v4 =	vld [tilespmem:s9+$0xFFFFFFFE];
	(v2sf) =	vpush v5, $0x0  }
0x1e3: {  	v5 =	vld [tilespmem:s9+$0xFFFFFFFF];
	(v2sf) =	vpush v3, $0x0  }
0x1e4: {  	v3 =	vld [tilespmem:s9+$0xFFFFFFF9];
	(v2sf) =	vpush v0, $0x0  }
0x1e5: {  	(v2sf) =	vpush v1, $0x0;
	v0 =	vld [tilespmem:s30+$0xDD0]  }
0x1e6: {  	(v2sf) =	vpush v2, $0x0;
	v1 =	vld [tilespmem:s24+$0xDD0]  }
0x1e7: {  	(v2sf) =	vpush v4, $0x0;
	v2 =	vld [tilespmem:s31+$0xDE0]  }
0x1e8: {  	(v2sf) =	vpush v5, $0x0;
	v4 =	vld [tilespmem:s25+$0xDE0]  }
0x1e9: {  	(v2sf) =	vpush v3, $0x0;
	v3 =	vld [tilespmem:s26+$0xDE0]  }
0x1ea: {  	v5 =	vld [tilespmem:s28+$0xDE0];
	[tilespmem:s23+$0x2D0] =	vst v0  }
0x1eb: {  	v0 =	vld [tilespmem:s29+$0xDE0];
	[tilespmem:s23+$0x350] =	vst v1  }
0x1ec: {  	[tilespmem:s23+$0x60] =	vst v2;
	v1 =	vld [tilespmem:s30+$0xDE0]  }
0x1ed: {  	[tilespmem:s23+$0xE0] =	vst v4;
	v2 =	vld [tilespmem:s24+$0xDE0]  }
0x1ee: {  	v4 =	vld [tilespmem:s31+$0xDF0];
	[tilespmem:s23+$0x160] =	vst v3  }
0x1ef: {  	v3 =	vld [tilespmem:s25+$0xDF0];
	[tilespmem:s23+$0x1E0] =	vst v5  }
0x1f0: {  	v5 =	vld [tilespmem:s26+$0xDF0];
	[tilespmem:s23+$0x260] =	vst v0  }
0x1f1: {  	s4 =	spop (v2sf);
	v0 =	vld [tilespmem:s28+$0xDF0];
	[tilespmem:s23+$0x2E0] =	vst v1  }
0x1f2: {  	s4 =	sshll.u32 s4, $0xA;
	s6 =	spop (v2sf);
	v1 =	vld [tilespmem:s29+$0xDF0];
	[tilespmem:s23+$0x360] =	vst v2  }
0x1f3: {  	s6 =	sshll.u32 s6, $0xA;
	s4 =	sshra.s32 s4, $0x2;
	s26 =	spop (v2sf);
	[tilespmem:s23+$0x70] =	vst v4;
	v2 =	vld [tilespmem:s30+$0xDF0]  }
0x1f4: {  	s25 =	sshra.s32 s6, $0x2;
	s6 =	sshll.u32 s26, $0xA;
	v4 =	vld [tilespmem:s4+$0xD00];
	s28 =	spop (v2sf);
	[tilespmem:s23+$0xF0] =	vst v3  }
0x1f5: {  	v3 =	vld [tilespmem:s25+$0xD00];
	s26 =	sshra.s32 s6, $0x2;
	s6 =	sshll.u32 s28, $0xA;
	s29 =	spop (v2sf);
	[tilespmem:s23+$0x170] =	vst v5  }
0x1f6: {  	v5 =	vld [tilespmem:s26+$0xD00];
	s28 =	sshra.s32 s6, $0x2;
	s6 =	sshll.u32 s29, $0xA;
	s30 =	spop (v2sf);
	[tilespmem:s23+$0x1F0] =	vst v0  }
0x1f7: {  	v0 =	vld [tilespmem:s28+$0xD00];
	s29 =	sshra.s32 s6, $0x2;
	s6 =	sshll.u32 s30, $0xA;
	s30 =	spop (v2sf);
	[tilespmem:s23+$0x270] =	vst v1  }
0x1f8: {  	s23 =	sadd.s32 $0x800, s23;
	v1 =	vld [tilespmem:s29+$0xD00];
	s31 =	sshll.u32 s30, $0xA;
	s30 =	spop (v2sf);
	[tilespmem:s0+$0x2F0] =	vst v2  }
0x1f9: {  	s8 =	sshll.u32 s30, $0xA;
	s30 =	sshra.s32 s6, $0x2;
	[tilespmem:s23+$0xFFFFFF80] =	vst v4;
	v2 =	vld [tilespmem:s24+$0xDF0];
	s24 =	sshra.s32 s31, $0x2  }
0x1fa: {  	s31 =	sshra.s32 s8, $0x2;
	[tilespmem:s23+$0xFFFFFC80] =	vst v3;
	v3 =	vld [tilespmem:s4+$0xD10]  }
0x1fb: {  	v4 =	vld [tilespmem:s31+$0xD00];
	[tilespmem:s23+$0xFFFFFD00] =	vst v5  }
0x1fc: {  	[tilespmem:s23+$0xFFFFFD80] =	vst v0;
	v0 =	vld [tilespmem:s30+$0xD00]  }
0x1fd: {  	[tilespmem:s23+$0xFFFFFE00] =	vst v1;
	v1 =	vld [tilespmem:s24+$0xD00]  }
0x1fe: {  	v5 =	vld [tilespmem:s25+$0xD10];
	[tilespmem:s0+$0x370] =	vst v2;
	s0 =	smov.u32 s23  }
0x1ff: {  	v2 =	vld [tilespmem:s26+$0xD10];
	[tilespmem:s23+$0xFFFFFF90] =	vst v3  }
0x200: {  	[tilespmem:s23+$0xFFFFFC00] =	vst v4;
	v3 =	vld [tilespmem:s4+$0xD20]  }
0x201: {  	v4 =	vld [tilespmem:s31+$0xD10];
	[tilespmem:s23+$0xFFFFFE80] =	vst v0  }
0x202: {  	v0 =	vld [tilespmem:s28+$0xD10];
	[tilespmem:s23+$0xFFFFFF00] =	vst v1  }
0x203: {  	[tilespmem:s23+$0xFFFFFC90] =	vst v5;
	v1 =	vld [tilespmem:s29+$0xD10]  }
0x204: {  	[tilespmem:s23+$0xFFFFFD10] =	vst v2;
	v2 =	vld [tilespmem:s30+$0xD10]  }
0x205: {  	v5 =	vld [tilespmem:s24+$0xD10];
	[tilespmem:s23+$0xFFFFFFA0] =	vst v3  }
0x206: {  	[tilespmem:s23+$0xFFFFFC10] =	vst v4;
	v3 =	vld [tilespmem:s4+$0xD30]  }
0x207: {  	v4 =	vld [tilespmem:s31+$0xD20];
	[tilespmem:s23+$0xFFFFFD90] =	vst v0  }
0x208: {  	v0 =	vld [tilespmem:s25+$0xD20];
	[tilespmem:s23+$0xFFFFFE10] =	vst v1  }
0x209: {  	v1 =	vld [tilespmem:s26+$0xD20];
	[tilespmem:s23+$0xFFFFFE90] =	vst v2  }
0x20a: {  	v2 =	vld [tilespmem:s28+$0xD20];
	[tilespmem:s23+$0xFFFFFF10] =	vst v5  }
0x20b: {  	v5 =	vld [tilespmem:s29+$0xD20];
	[tilespmem:s23+$0xFFFFFFB0] =	vst v3  }
0x20c: {  	[tilespmem:s23+$0xFFFFFC20] =	vst v4;
	v3 =	vld [tilespmem:s4+$0xD40]  }
0x20d: {  	[tilespmem:s23+$0xFFFFFCA0] =	vst v0;
	v0 =	vld [tilespmem:s30+$0xD20]  }
0x20e: {  	[tilespmem:s23+$0xFFFFFD20] =	vst v1;
	v1 =	vld [tilespmem:s24+$0xD20]  }
0x20f: {  	v4 =	vld [tilespmem:s31+$0xD30];
	[tilespmem:s23+$0xFFFFFDA0] =	vst v2  }
0x210: {  	v2 =	vld [tilespmem:s25+$0xD30];
	[tilespmem:s23+$0xFFFFFE20] =	vst v5  }
0x211: {  	v5 =	vld [tilespmem:s26+$0xD30];
	[tilespmem:s23+$0xFFFFFFC0] =	vst v3  }
0x212: {  	[tilespmem:s23+$0xFFFFFEA0] =	vst v0;
	v0 =	vld [tilespmem:s4+$0xD50]  }
0x213: {  	v3 =	vld [tilespmem:s28+$0xD30];
	[tilespmem:s23+$0xFFFFFF20] =	vst v1  }
0x214: {  	[tilespmem:s23+$0xFFFFFC30] =	vst v4;
	v1 =	vld [tilespmem:s29+$0xD30]  }
0x215: {  	[tilespmem:s23+$0xFFFFFCB0] =	vst v2;
	v2 =	vld [tilespmem:s30+$0xD30]  }
0x216: {  	[tilespmem:s23+$0xFFFFFD30] =	vst v5;
	v4 =	vld [tilespmem:s24+$0xD30]  }
0x217: {  	v5 =	vld [tilespmem:s31+$0xD40];
	[tilespmem:s23+$0xFFFFFFD0] =	vst v0  }
0x218: {  	[tilespmem:s23+$0xFFFFFDB0] =	vst v3;
	v0 =	vld [tilespmem:s4+$0xD60]  }
0x219: {  	v3 =	vld [tilespmem:s25+$0xD40];
	[tilespmem:s23+$0xFFFFFE30] =	vst v1  }
0x21a: {  	v1 =	vld [tilespmem:s26+$0xD40];
	[tilespmem:s23+$0xFFFFFEB0] =	vst v2  }
0x21b: {  	v2 =	vld [tilespmem:s28+$0xD40];
	[tilespmem:s23+$0xFFFFFF30] =	vst v4  }
0x21c: {  	[tilespmem:s23+$0xFFFFFC40] =	vst v5;
	v4 =	vld [tilespmem:s29+$0xD40]  }
0x21d: {  	v5 =	vld [tilespmem:s30+$0xD40];
	[tilespmem:s23+$0xFFFFFFE0] =	vst v0  }
0x21e: {  	[tilespmem:s23+$0xFFFFFCC0] =	vst v3;
	v0 =	vld [tilespmem:s4+$0xD70]  }
0x21f: {  	[tilespmem:s23+$0xFFFFFD40] =	vst v1;
	v1 =	vld [tilespmem:s24+$0xD40]  }
0x220: {  	v3 =	vld [tilespmem:s31+$0xD50];
	[tilespmem:s23+$0xFFFFFDC0] =	vst v2  }
0x221: {  	v2 =	vld [tilespmem:s25+$0xD50];
	[tilespmem:s23+$0xFFFFFE40] =	vst v4  }
0x222: {  	v4 =	vld [tilespmem:s26+$0xD50];
	[tilespmem:s23+$0xFFFFFEC0] =	vst v5  }
0x223: {  	v5 =	vld [tilespmem:s28+$0xD50];
	[tilespmem:s23+$0xFFFFFFF0] =	vst v0  }
0x224: {  	[tilespmem:s23+$0xFFFFFF40] =	vst v1;
	v0 =	vld [tilespmem:s4+$0xD80]  }
0x225: {  	[tilespmem:s23+$0xFFFFFC50] =	vst v3;
	v1 =	vld [tilespmem:s29+$0xD50]  }
0x226: {  	[tilespmem:s23+$0xFFFFFCD0] =	vst v2;
	v2 =	vld [tilespmem:s30+$0xD50]  }
0x227: {  	[tilespmem:s23+$0xFFFFFD50] =	vst v4;
	v3 =	vld [tilespmem:s24+$0xD50]  }
0x228: {  	v4 =	vld [tilespmem:s31+$0xD60];
	[tilespmem:s23+$0xFFFFFDD0] =	vst v5  }
0x229: {  	v5 =	vld [tilespmem:s25+$0xD60];
	[tilespmem:s23+$0x380] =	vst v0  }
0x22a: {  	[tilespmem:s23+$0xFFFFFE50] =	vst v1;
	v0 =	vld [tilespmem:s4+$0xD90]  }
0x22b: {  	v1 =	vld [tilespmem:s26+$0xD60];
	[tilespmem:s23+$0xFFFFFED0] =	vst v2  }
0x22c: {  	v2 =	vld [tilespmem:s28+$0xD60];
	[tilespmem:s23+$0xFFFFFF50] =	vst v3  }
0x22d: {  	[tilespmem:s23+$0xFFFFFC60] =	vst v4;
	v3 =	vld [tilespmem:s29+$0xD60]  }
0x22e: {  	[tilespmem:s23+$0xFFFFFCE0] =	vst v5;
	v4 =	vld [tilespmem:s30+$0xD60]  }
0x22f: {  	v5 =	vld [tilespmem:s24+$0xD60];
	[tilespmem:s23+$0x390] =	vst v0  }
0x230: {  	[tilespmem:s23+$0xFFFFFD60] =	vst v1;
	v0 =	vld [tilespmem:s4+$0xDA0]  }
0x231: {  	v1 =	vld [tilespmem:s31+$0xD70];
	[tilespmem:s23+$0xFFFFFDE0] =	vst v2  }
0x232: {  	v2 =	vld [tilespmem:s25+$0xD70];
	[tilespmem:s23+$0xFFFFFE60] =	vst v3  }
0x233: {  	v3 =	vld [tilespmem:s26+$0xD70];
	[tilespmem:s23+$0xFFFFFEE0] =	vst v4  }
0x234: {  	v4 =	vld [tilespmem:s28+$0xD70];
	[tilespmem:s23+$0xFFFFFF60] =	vst v5  }
0x235: {  	v5 =	vld [tilespmem:s29+$0xD70];
	[tilespmem:s23+$0x3A0] =	vst v0  }
0x236: {  	[tilespmem:s23+$0xFFFFFC70] =	vst v1;
	v0 =	vld [tilespmem:s4+$0xDB0]  }
0x237: {  	[tilespmem:s23+$0xFFFFFCF0] =	vst v2;
	v1 =	vld [tilespmem:s30+$0xD70]  }
0x238: {  	[tilespmem:s23+$0xFFFFFD70] =	vst v3;
	v2 =	vld [tilespmem:s24+$0xD70]  }
0x239: {  	v3 =	vld [tilespmem:s31+$0xD80];
	[tilespmem:s23+$0xFFFFFDF0] =	vst v4  }
0x23a: {  	v4 =	vld [tilespmem:s25+$0xD80];
	[tilespmem:s23+$0xFFFFFE70] =	vst v5  }
0x23b: {  	v5 =	vld [tilespmem:s26+$0xD80];
	[tilespmem:s23+$0x3B0] =	vst v0  }
0x23c: {  	[tilespmem:s23+$0xFFFFFEF0] =	vst v1;
	v0 =	vld [tilespmem:s4+$0xDC0]  }
0x23d: {  	v1 =	vld [tilespmem:s28+$0xD80];
	[tilespmem:s23+$0xFFFFFF70] =	vst v2  }
0x23e: {  	[tilespmem:s23+$0x0] =	vst v3;
	v2 =	vld [tilespmem:s29+$0xD80]  }
0x23f: {  	[tilespmem:s23+$0x80] =	vst v4;
	v3 =	vld [tilespmem:s30+$0xD80]  }
0x240: {  	[tilespmem:s23+$0x100] =	vst v5;
	v4 =	vld [tilespmem:s24+$0xD80]  }
0x241: {  	v5 =	vld [tilespmem:s31+$0xD90];
	[tilespmem:s23+$0x3C0] =	vst v0  }
0x242: {  	[tilespmem:s23+$0x180] =	vst v1;
	v0 =	vld [tilespmem:s4+$0xDD0]  }
0x243: {  	v1 =	vld [tilespmem:s25+$0xD90];
	[tilespmem:s23+$0x200] =	vst v2  }
0x244: {  	v2 =	vld [tilespmem:s26+$0xD90];
	[tilespmem:s23+$0x280] =	vst v3  }
0x245: {  	v3 =	vld [tilespmem:s28+$0xD90];
	[tilespmem:s23+$0x300] =	vst v4  }
0x246: {  	[tilespmem:s23+$0x10] =	vst v5;
	v4 =	vld [tilespmem:s29+$0xD90]  }
0x247: {  	v5 =	vld [tilespmem:s30+$0xD90];
	[tilespmem:s23+$0x3D0] =	vst v0  }
0x248: {  	[tilespmem:s23+$0x90] =	vst v1;
	v0 =	vld [tilespmem:s4+$0xDE0]  }
0x249: {  	[tilespmem:s23+$0x110] =	vst v2;
	v1 =	vld [tilespmem:s24+$0xD90]  }
0x24a: {  	v2 =	vld [tilespmem:s31+$0xDA0];
	[tilespmem:s23+$0x190] =	vst v3  }
0x24b: {  	v3 =	vld [tilespmem:s25+$0xDA0];
	[tilespmem:s23+$0x210] =	vst v4  }
0x24c: {  	v4 =	vld [tilespmem:s26+$0xDA0];
	[tilespmem:s23+$0x290] =	vst v5  }
0x24d: {  	v5 =	vld [tilespmem:s28+$0xDA0];
	[tilespmem:s23+$0x3E0] =	vst v0  }
0x24e: {  	[tilespmem:s23+$0x310] =	vst v1;
	v0 =	vld [tilespmem:s4+$0xDF0]  }
0x24f: {  	[tilespmem:s23+$0x20] =	vst v2;
	v1 =	vld [tilespmem:s29+$0xDA0]  }
0x250: {  	[tilespmem:s23+$0xA0] =	vst v3;
	v2 =	vld [tilespmem:s30+$0xDA0]  }
0x251: {  	[tilespmem:s23+$0x120] =	vst v4;
	v3 =	vld [tilespmem:s24+$0xDA0]  }
0x252: {  	v4 =	vld [tilespmem:s31+$0xDB0];
	[tilespmem:s23+$0x1A0] =	vst v5  }
0x253: {  	v5 =	vld [tilespmem:s25+$0xDB0];
	[tilespmem:s23+$0x3F0] =	vst v0  }
0x254: {  	v0 =	vld [tilespmem:s26+$0xDB0];
	[tilespmem:s23+$0x220] =	vst v1  }
0x255: {  	v1 =	vld [tilespmem:s28+$0xDB0];
	[tilespmem:s23+$0x2A0] =	vst v2  }
0x256: {  	v2 =	vld [tilespmem:s29+$0xDB0];
	[tilespmem:s23+$0x320] =	vst v3  }
0x257: {  	[tilespmem:s23+$0x30] =	vst v4;
	v3 =	vld [tilespmem:s30+$0xDB0]  }
0x258: {  	[tilespmem:s23+$0xB0] =	vst v5;
	v4 =	vld [tilespmem:s24+$0xDB0]  }
0x259: {  	v5 =	vld [tilespmem:s31+$0xDC0];
	[tilespmem:s23+$0x130] =	vst v0  }
0x25a: {  	v0 =	vld [tilespmem:s25+$0xDC0];
	[tilespmem:s23+$0x1B0] =	vst v1  }
0x25b: {  	v1 =	vld [tilespmem:s26+$0xDC0];
	[tilespmem:s23+$0x230] =	vst v2  }
0x25c: {  	v2 =	vld [tilespmem:s28+$0xDC0];
	[tilespmem:s23+$0x2B0] =	vst v3  }
0x25d: {  	v6 =	vld [tilespmem:s29+$0xDC0];
	[tilespmem:s23+$0x330] =	vst v4  }
0x25e: {  	[tilespmem:s23+$0x40] =	vst v5;
	v4 =	vld [tilespmem:s30+$0xDC0]  }
0x25f: {  	[tilespmem:s23+$0xC0] =	vst v0;
	v5 =	vld [tilespmem:s24+$0xDC0]  }
.Ltmp8:
0x260: {  	v3 =	vld [tilespmem:s31+$0xDD0];
	[tilespmem:s23+$0x140] =	vst v1;
	(pc) =	sbr.rel @p2 .LBB2_8-.Ltmp8, $4  }
0x261: {  	v0 =	vld [tilespmem:s25+$0xDD0];
	[tilespmem:s23+$0x1C0] =	vst v2  }
0x262: {  	v1 =	vld [tilespmem:s26+$0xDD0];
	[tilespmem:s23+$0x240] =	vst v6  }
0x263: {  	v2 =	vld [tilespmem:s28+$0xDD0];
	[tilespmem:s23+$0x2C0] =	vst v4  }
0x264: {  	s9 =	sadd.s32 $0x8, s9;
	v4 =	vld [tilespmem:s29+$0xDD0];
	[tilespmem:s23+$0x340] =	vst v5  }
0x265: {  	[tilespmem:s23+$0x50] =	vst v3;
	v49 =	vld [tilespmem:s30+$0xDD0]  }
0x266: {  	v50 =	vld [tilespmem:s24+$0xDD0];
	[tilespmem:s23+$0xD0] =	vst v0  }
0x267: {  	v51 =	vld [tilespmem:s31+$0xDE0];
	[tilespmem:s23+$0x150] =	vst v1  }
0x268: {  	v52 =	vld [tilespmem:s25+$0xDE0];
	[tilespmem:s23+$0x1D0] =	vst v2  }
0x269: {  	v53 =	vld [tilespmem:s26+$0xDE0];
	[tilespmem:s23+$0x250] =	vst v4  }
0x26a: {  	v5 =	vld [tilespmem:s28+$0xDE0];
	[tilespmem:s23+$0x2D0] =	vst v49  }
0x26b: {  	v54 =	vld [tilespmem:s29+$0xDE0];
	[tilespmem:s23+$0x350] =	vst v50  }
0x26c: {  	[tilespmem:s23+$0x60] =	vst v51;
	v55 =	vld [tilespmem:s30+$0xDE0]  }
0x26d: {  	v56 =	vld [tilespmem:s24+$0xDE0];
	[tilespmem:s23+$0xE0] =	vst v52  }
0x26e: {  	v57 =	vld [tilespmem:s31+$0xDF0];
	[tilespmem:s23+$0x160] =	vst v53  }
0x26f: {  	v58 =	vld [tilespmem:s25+$0xDF0];
	[tilespmem:s23+$0x1E0] =	vst v5  }
0x270: {  	v59 =	vld [tilespmem:s26+$0xDF0];
	[tilespmem:s23+$0x260] =	vst v54  }
0x271: {  	v60 =	vld [tilespmem:s28+$0xDF0];
	[tilespmem:s23+$0x2E0] =	vst v55  }
0x272: {  	v61 =	vld [tilespmem:s29+$0xDF0];
	[tilespmem:s23+$0x360] =	vst v56  }
0x273: {  	[tilespmem:s23+$0x70] =	vst v57;
	v62 =	vld [tilespmem:s30+$0xDF0]  }
0x274: {  	v63 =	vld [tilespmem:s24+$0xDF0];
	[tilespmem:s23+$0xF0] =	vst v58  }
0x275: {  	[tilespmem:s23+$0x170] =	vst v59  }
0x276: {  	s4 =	sadd.s32 s3, s22;
	[tilespmem:s23+$0x1F0] =	vst v60  }
0x277: {  	s4 =	smul.u32 $0xA00, s4;
	[tilespmem:s23+$0x270] =	vst v61  }
0x278: {  	[tilespmem:s0+$0x2F0] =	vst v62  }
0x279: {  	s31 =	sadd.s32 s1, s4;
	[tilespmem:s0+$0x370] =	vst v63  }
0x27a: {  	[hbm4b:s31+s2] =	stream.linear.scatter [tilespmem:s11], [sflag:$0x2], $0x5000, $0x38;
	[tilespmem:$0x17400] =	vst v63  }
.LBB2_10:
0x27b: {  	s21 =	sadd.s32 $0x2, s21  }
0x27c: {  	p2 =	sge.u32 s21, s5  }
.Ltmp9:
0x27d: {  	_ = 	snop;
	(pc) =	sbr.rel @p2 .LBB2_14-.Ltmp9, $1  }
0x27e: {  	_ =	sdelay $0x3  }
0x27f: {  	s0 =	simm.s32 @!p1 $0x3  }
0x280: {  	_ =	swait.ge @!p1 [sflag:s0], $0x5000  }
0x281: {  	[sflag:s0] =	ssyncset.done @!p1 $0x0  }
0x282: {  	[sflag:s0] =	ssyncadd.s32 @!p1 $0xFFFFB000  }
0x283: {  	v0 =	vld [tilespmem:s19+$0x0]  }
0x284: {  	v1 =	vld [tilespmem:s19+$0xFFFFFFFA]  }
0x285: {  	v2 =	vld [tilespmem:s19+$0xFFFFFFFB]  }
0x286: {  	v3 =	vld [tilespmem:s19+$0xFFFFFFFC]  }
0x287: {  	v4 =	vld [tilespmem:s19+$0xFFFFFFFD]  }
0x288: {  	v5 =	vld [tilespmem:s19+$0xFFFFFFFE];
	(v2sf) =	vpush v0, $0x0  }
0x289: {  	v0 =	vld [tilespmem:s19+$0xFFFFFFFF];
	(v2sf) =	vpush v1, $0x0  }
0x28a: {  	v1 =	vld [tilespmem:s19+$0xFFFFFFF9];
	(v2sf) =	vpush v2, $0x0  }
0x28b: {  	(v2sf) =	vpush v3, $0x0  }
0x28c: {  	(v2sf) =	vpush v4, $0x0  }
0x28d: {  	(v2sf) =	vpush v5, $0x0  }
0x28e: {  	(v2sf) =	vpush v0, $0x0  }
0x28f: {  	(v2sf) =	vpush v1, $0x0;
	_ =	sdelay $0x7  }
0x290: {  	s9 =	spop (v2sf)  }
0x291: {  	s0 =	sshll.u32 s9, $0xA;
	s4 =	spop (v2sf)  }
0x292: {  	s0 =	sshra.s32 s0, $0x2;
	s6 =	spop (v2sf)  }
0x293: {  	s4 =	sshll.u32 s4, $0xA;
	v0 =	vld [tilespmem:s0+$0xD00];
	s7 =	spop (v2sf)  }
0x294: {  	s24 =	sshra.s32 s4, $0x2;
	s22 =	sshll.u32 s6, $0xA;
	s23 =	spop (v2sf)  }
0x295: {  	v1 =	vld [tilespmem:s24+$0xD00];
	s25 =	sshra.s32 s22, $0x2;
	s26 =	sshll.u32 s7, $0xA;
	s31 =	spop (v2sf)  }
0x296: {  	v2 =	vld [tilespmem:s25+$0xD00];
	s26 =	sshra.s32 s26, $0x2;
	s8 =	sshll.u32 s23, $0xA;
	s9 =	spop (v2sf)  }
0x297: {  	s22 =	simm.s32 $0x12800;
	v3 =	vld [tilespmem:s26+$0xD00];
	s28 =	sshra.s32 s8, $0x2;
	s23 =	spop (v2sf)  }
0x298: {  	v4 =	vld [tilespmem:s28+$0xD00];
	s4 =	sshll.u32 s23, $0xA;
	[tilespmem:s22+$0xFFFFFF80] =	vst v0  }
0x299: {  	s7 =	sshll.u32 s31, $0xA;
	s30 =	sshra.s32 s4, $0x2;
	v0 =	vld [tilespmem:s0+$0xD10]  }
0x29a: {  	s31 =	sshll.u32 s9, $0xA;
	s29 =	sshra.s32 s7, $0x2;
	[tilespmem:s22+$0xFFFFFC80] =	vst v1;
	v1 =	vld [tilespmem:s30+$0xD00]  }
0x29b: {  	s23 =	sshra.s32 s31, $0x2;
	[tilespmem:s22+$0xFFFFFD00] =	vst v2;
	v2 =	vld [tilespmem:s29+$0xD00]  }
0x29c: {  	[tilespmem:s22+$0xFFFFFD80] =	vst v3;
	v3 =	vld [tilespmem:s23+$0xD00]  }
0x29d: {  	v5 =	vld [tilespmem:s25+$0xD10];
	[tilespmem:s22+$0xFFFFFE00] =	vst v4  }
0x29e: {  	v4 =	vld [tilespmem:s24+$0xD10];
	[tilespmem:s22+$0xFFFFFF90] =	vst v0  }
0x29f: {  	[tilespmem:s22+$0xFFFFFC00] =	vst v1;
	v0 =	vld [tilespmem:s0+$0xD20]  }
0x2a0: {  	[tilespmem:s22+$0xFFFFFE80] =	vst v2;
	v2 =	vld [tilespmem:s26+$0xD10]  }
0x2a1: {  	v1 =	vld [tilespmem:s30+$0xD10];
	[tilespmem:s22+$0xFFFFFF00] =	vst v3  }
0x2a2: {  	v3 =	vld [tilespmem:s28+$0xD10];
	[tilespmem:s22+$0xFFFFFD10] =	vst v5  }
0x2a3: {  	[tilespmem:s22+$0xFFFFFC90] =	vst v4;
	v4 =	vld [tilespmem:s29+$0xD10]  }
0x2a4: {  	v5 =	vld [tilespmem:s23+$0xD10];
	[tilespmem:s22+$0xFFFFFFA0] =	vst v0  }
0x2a5: {  	[tilespmem:s22+$0xFFFFFD90] =	vst v2;
	v2 =	vld [tilespmem:s24+$0xD20]  }
0x2a6: {  	[tilespmem:s22+$0xFFFFFC10] =	vst v1;
	v0 =	vld [tilespmem:s0+$0xD30]  }
0x2a7: {  	[tilespmem:s22+$0xFFFFFE10] =	vst v3;
	v3 =	vld [tilespmem:s25+$0xD20]  }
0x2a8: {  	v1 =	vld [tilespmem:s30+$0xD20];
	[tilespmem:s22+$0xFFFFFE90] =	vst v4  }
0x2a9: {  	v4 =	vld [tilespmem:s26+$0xD20];
	[tilespmem:s22+$0xFFFFFF10] =	vst v5  }
0x2aa: {  	v5 =	vld [tilespmem:s28+$0xD20];
	[tilespmem:s22+$0xFFFFFCA0] =	vst v2  }
0x2ab: {  	v2 =	vld [tilespmem:s23+$0xD20];
	[tilespmem:s22+$0xFFFFFFB0] =	vst v0  }
0x2ac: {  	[tilespmem:s22+$0xFFFFFD20] =	vst v3;
	v0 =	vld [tilespmem:s0+$0xD40]  }
0x2ad: {  	[tilespmem:s22+$0xFFFFFC20] =	vst v1;
	v1 =	vld [tilespmem:s29+$0xD20]  }
0x2ae: {  	[tilespmem:s22+$0xFFFFFDA0] =	vst v4;
	v4 =	vld [tilespmem:s24+$0xD30]  }
0x2af: {  	[tilespmem:s22+$0xFFFFFE20] =	vst v5;
	v5 =	vld [tilespmem:s25+$0xD30]  }
0x2b0: {  	v3 =	vld [tilespmem:s30+$0xD30];
	[tilespmem:s22+$0xFFFFFF20] =	vst v2  }
0x2b1: {  	v2 =	vld [tilespmem:s28+$0xD30];
	[tilespmem:s22+$0xFFFFFFC0] =	vst v0  }
0x2b2: {  	[tilespmem:s22+$0xFFFFFEA0] =	vst v1;
	v1 =	vld [tilespmem:s26+$0xD30]  }
0x2b3: {  	[tilespmem:s22+$0xFFFFFCB0] =	vst v4;
	v4 =	vld [tilespmem:s23+$0xD30]  }
0x2b4: {  	[tilespmem:s22+$0xFFFFFD30] =	vst v5;
	v0 =	vld [tilespmem:s0+$0xD50]  }
0x2b5: {  	[tilespmem:s22+$0xFFFFFC30] =	vst v3;
	v3 =	vld [tilespmem:s29+$0xD30]  }
0x2b6: {  	v5 =	vld [tilespmem:s30+$0xD40];
	[tilespmem:s22+$0xFFFFFE30] =	vst v2  }
0x2b7: {  	v2 =	vld [tilespmem:s25+$0xD40];
	[tilespmem:s22+$0xFFFFFDB0] =	vst v1  }
0x2b8: {  	v1 =	vld [tilespmem:s24+$0xD40];
	[tilespmem:s22+$0xFFFFFF30] =	vst v4  }
0x2b9: {  	v4 =	vld [tilespmem:s28+$0xD40];
	[tilespmem:s22+$0xFFFFFFD0] =	vst v0  }
0x2ba: {  	[tilespmem:s22+$0xFFFFFEB0] =	vst v3;
	v0 =	vld [tilespmem:s0+$0xD60]  }
0x2bb: {  	v3 =	vld [tilespmem:s26+$0xD40];
	[tilespmem:s22+$0xFFFFFC40] =	vst v5  }
0x2bc: {  	v5 =	vld [tilespmem:s29+$0xD40];
	[tilespmem:s22+$0xFFFFFD40] =	vst v2  }
0x2bd: {  	v2 =	vld [tilespmem:s30+$0xD50];
	[tilespmem:s22+$0xFFFFFCC0] =	vst v1  }
0x2be: {  	v1 =	vld [tilespmem:s23+$0xD40];
	[tilespmem:s22+$0xFFFFFE40] =	vst v4  }
0x2bf: {  	v4 =	vld [tilespmem:s25+$0xD50];
	[tilespmem:s22+$0xFFFFFFE0] =	vst v0  }
0x2c0: {  	[tilespmem:s22+$0xFFFFFDC0] =	vst v3;
	v0 =	vld [tilespmem:s0+$0xD70]  }
0x2c1: {  	v3 =	vld [tilespmem:s24+$0xD50];
	[tilespmem:s22+$0xFFFFFEC0] =	vst v5  }
0x2c2: {  	v5 =	vld [tilespmem:s26+$0xD50];
	[tilespmem:s22+$0xFFFFFC50] =	vst v2  }
0x2c3: {  	v2 =	vld [tilespmem:s29+$0xD50];
	[tilespmem:s22+$0xFFFFFF40] =	vst v1  }
0x2c4: {  	v1 =	vld [tilespmem:s28+$0xD50];
	[tilespmem:s22+$0xFFFFFD50] =	vst v4  }
0x2c5: {  	v4 =	vld [tilespmem:s30+$0xD60];
	[tilespmem:s22+$0xFFFFFFF0] =	vst v0  }
0x2c6: {  	[tilespmem:s22+$0xFFFFFCD0] =	vst v3;
	v0 =	vld [tilespmem:s0+$0xD80]  }
0x2c7: {  	v3 =	vld [tilespmem:s23+$0xD50];
	[tilespmem:s22+$0xFFFFFDD0] =	vst v5  }
0x2c8: {  	v5 =	vld [tilespmem:s24+$0xD60];
	[tilespmem:s22+$0xFFFFFED0] =	vst v2  }
0x2c9: {  	v2 =	vld [tilespmem:s26+$0xD60];
	[tilespmem:s22+$0xFFFFFE50] =	vst v1  }
0x2ca: {  	v1 =	vld [tilespmem:s25+$0xD60];
	[tilespmem:s22+$0xFFFFFC60] =	vst v4  }
0x2cb: {  	v4 =	vld [tilespmem:s29+$0xD60];
	[tilespmem:s22+$0x380] =	vst v0  }
0x2cc: {  	[tilespmem:s22+$0xFFFFFF50] =	vst v3;
	v0 =	vld [tilespmem:s0+$0xD90]  }
0x2cd: {  	v3 =	vld [tilespmem:s28+$0xD60];
	[tilespmem:s22+$0xFFFFFCE0] =	vst v5  }
0x2ce: {  	v5 =	vld [tilespmem:s23+$0xD60];
	[tilespmem:s22+$0xFFFFFDE0] =	vst v2  }
0x2cf: {  	v2 =	vld [tilespmem:s24+$0xD70];
	[tilespmem:s22+$0xFFFFFD60] =	vst v1  }
0x2d0: {  	v1 =	vld [tilespmem:s30+$0xD70];
	[tilespmem:s22+$0xFFFFFEE0] =	vst v4  }
0x2d1: {  	v4 =	vld [tilespmem:s26+$0xD70];
	[tilespmem:s22+$0x390] =	vst v0  }
0x2d2: {  	[tilespmem:s22+$0xFFFFFE60] =	vst v3;
	v0 =	vld [tilespmem:s0+$0xDA0]  }
0x2d3: {  	v3 =	vld [tilespmem:s25+$0xD70];
	[tilespmem:s22+$0xFFFFFF60] =	vst v5  }
0x2d4: {  	v5 =	vld [tilespmem:s28+$0xD70];
	[tilespmem:s22+$0xFFFFFCF0] =	vst v2  }
0x2d5: {  	v2 =	vld [tilespmem:s23+$0xD70];
	[tilespmem:s22+$0xFFFFFC70] =	vst v1  }
0x2d6: {  	v1 =	vld [tilespmem:s29+$0xD70];
	[tilespmem:s22+$0xFFFFFDF0] =	vst v4  }
0x2d7: {  	v4 =	vld [tilespmem:s24+$0xD80];
	[tilespmem:s22+$0x3A0] =	vst v0  }
0x2d8: {  	[tilespmem:s22+$0xFFFFFD70] =	vst v3;
	v0 =	vld [tilespmem:s0+$0xDB0]  }
0x2d9: {  	v3 =	vld [tilespmem:s30+$0xD80];
	[tilespmem:s22+$0xFFFFFE70] =	vst v5  }
0x2da: {  	v5 =	vld [tilespmem:s25+$0xD80];
	[tilespmem:s22+$0xFFFFFF70] =	vst v2  }
0x2db: {  	v2 =	vld [tilespmem:s28+$0xD80];
	[tilespmem:s22+$0xFFFFFEF0] =	vst v1  }
0x2dc: {  	v1 =	vld [tilespmem:s26+$0xD80];
	[tilespmem:s22+$0x80] =	vst v4  }
0x2dd: {  	v4 =	vld [tilespmem:s23+$0xD80];
	[tilespmem:s22+$0x3B0] =	vst v0  }
0x2de: {  	[tilespmem:s22+$0x0] =	vst v3;
	v0 =	vld [tilespmem:s0+$0xDC0]  }
0x2df: {  	v3 =	vld [tilespmem:s29+$0xD80];
	[tilespmem:s22+$0x100] =	vst v5  }
0x2e0: {  	v5 =	vld [tilespmem:s30+$0xD90];
	[tilespmem:s22+$0x200] =	vst v2  }
0x2e1: {  	v2 =	vld [tilespmem:s25+$0xD90];
	[tilespmem:s22+$0x180] =	vst v1  }
0x2e2: {  	v1 =	vld [tilespmem:s24+$0xD90];
	[tilespmem:s22+$0x300] =	vst v4  }
0x2e3: {  	v4 =	vld [tilespmem:s28+$0xD90];
	[tilespmem:s22+$0x3C0] =	vst v0  }
0x2e4: {  	[tilespmem:s22+$0x280] =	vst v3;
	v0 =	vld [tilespmem:s0+$0xDD0]  }
0x2e5: {  	v3 =	vld [tilespmem:s26+$0xD90];
	[tilespmem:s22+$0x10] =	vst v5  }
0x2e6: {  	v5 =	vld [tilespmem:s29+$0xD90];
	[tilespmem:s22+$0x110] =	vst v2  }
0x2e7: {  	v2 =	vld [tilespmem:s30+$0xDA0];
	[tilespmem:s22+$0x90] =	vst v1  }
0x2e8: {  	v1 =	vld [tilespmem:s23+$0xD90];
	[tilespmem:s22+$0x210] =	vst v4  }
0x2e9: {  	v4 =	vld [tilespmem:s25+$0xDA0];
	[tilespmem:s22+$0x3D0] =	vst v0  }
0x2ea: {  	[tilespmem:s22+$0x190] =	vst v3;
	v0 =	vld [tilespmem:s0+$0xDE0]  }
0x2eb: {  	v3 =	vld [tilespmem:s24+$0xDA0];
	[tilespmem:s22+$0x290] =	vst v5  }
0x2ec: {  	v5 =	vld [tilespmem:s26+$0xDA0];
	[tilespmem:s22+$0x20] =	vst v2  }
0x2ed: {  	v2 =	vld [tilespmem:s29+$0xDA0];
	[tilespmem:s22+$0x310] =	vst v1  }
0x2ee: {  	v1 =	vld [tilespmem:s28+$0xDA0];
	[tilespmem:s22+$0x120] =	vst v4  }
0x2ef: {  	v4 =	vld [tilespmem:s30+$0xDB0];
	[tilespmem:s22+$0x3E0] =	vst v0  }
0x2f0: {  	[tilespmem:s22+$0xA0] =	vst v3;
	v0 =	vld [tilespmem:s0+$0xDF0]  }
0x2f1: {  	v3 =	vld [tilespmem:s23+$0xDA0];
	[tilespmem:s22+$0x1A0] =	vst v5  }
0x2f2: {  	v5 =	vld [tilespmem:s24+$0xDB0];
	[tilespmem:s22+$0x2A0] =	vst v2  }
0x2f3: {  	[tilespmem:s22+$0x220] =	vst v1;
	v1 =	vld [tilespmem:s26+$0xDB0]  }
0x2f4: {  	[tilespmem:s22+$0x30] =	vst v4;
	v2 =	vld [tilespmem:s28+$0xDB0]  }
0x2f5: {  	[tilespmem:s22+$0x3F0] =	vst v0;
	v0 =	vld [tilespmem:s25+$0xDB0]  }
0x2f6: {  	[tilespmem:s22+$0x320] =	vst v3;
	v3 =	vld [tilespmem:s29+$0xDB0]  }
0x2f7: {  	[tilespmem:s22+$0xB0] =	vst v5;
	v4 =	vld [tilespmem:s23+$0xDB0]  }
0x2f8: {  	v5 =	vld [tilespmem:s30+$0xDC0];
	[tilespmem:s22+$0x1B0] =	vst v1  }
0x2f9: {  	[tilespmem:s22+$0x230] =	vst v2;
	v2 =	vld [tilespmem:s26+$0xDC0]  }
0x2fa: {  	[tilespmem:s22+$0x130] =	vst v0;
	v0 =	vld [tilespmem:s24+$0xDC0]  }
0x2fb: {  	[tilespmem:s22+$0x2B0] =	vst v3;
	v1 =	vld [tilespmem:s25+$0xDC0]  }
0x2fc: {  	v6 =	vld [tilespmem:s28+$0xDC0];
	[tilespmem:s22+$0x330] =	vst v4  }
0x2fd: {  	[tilespmem:s22+$0x40] =	vst v5;
	v4 =	vld [tilespmem:s29+$0xDC0]  }
0x2fe: {  	v5 =	vld [tilespmem:s23+$0xDC0];
	[tilespmem:s22+$0x1C0] =	vst v2  }
0x2ff: {  	v3 =	vld [tilespmem:s30+$0xDD0];
	[tilespmem:s22+$0xC0] =	vst v0  }
0x300: {  	[tilespmem:s22+$0x140] =	vst v1;
	v0 =	vld [tilespmem:s24+$0xDD0]  }
0x301: {  	[tilespmem:s22+$0x240] =	vst v6;
	v1 =	vld [tilespmem:s25+$0xDD0]  }
0x302: {  	v2 =	vld [tilespmem:s26+$0xDD0];
	[tilespmem:s22+$0x2C0] =	vst v4  }
0x303: {  	s7 =	simm.s32 $0x0;
	s9 =	sadd.s32 $0x8, s19;
	s0 =	simm.s32 $0x12800;
	v4 =	vld [tilespmem:s28+$0xDD0];
	[tilespmem:s22+$0x340] =	vst v5  }
.LBB2_12:
0x304: {  	v5 =	vld [tilespmem:s9+$0x0];
	s7 =	sadd.s32 $0x8, s7;
	[tilespmem:s22+$0x50] =	vst v3  }
0x305: {  	v3 =	vld [tilespmem:s9+$0xFFFFFFFA];
	p1 =	slt.u32 s7, $0x48;
	[tilespmem:s22+$0xD0] =	vst v0  }
0x306: {  	v0 =	vld [tilespmem:s9+$0xFFFFFFFB];
	[tilespmem:s22+$0x150] =	vst v1  }
0x307: {  	v1 =	vld [tilespmem:s9+$0xFFFFFFFC];
	[tilespmem:s22+$0x1D0] =	vst v2  }
0x308: {  	v2 =	vld [tilespmem:s9+$0xFFFFFFFD];
	[tilespmem:s22+$0x250] =	vst v4  }
0x309: {  	v4 =	vld [tilespmem:s9+$0xFFFFFFFE];
	(v2sf) =	vpush v5, $0x0  }
0x30a: {  	v5 =	vld [tilespmem:s9+$0xFFFFFFFF];
	(v2sf) =	vpush v3, $0x0  }
0x30b: {  	v3 =	vld [tilespmem:s9+$0xFFFFFFF9];
	(v2sf) =	vpush v0, $0x0  }
0x30c: {  	(v2sf) =	vpush v1, $0x0;
	v0 =	vld [tilespmem:s29+$0xDD0]  }
0x30d: {  	(v2sf) =	vpush v2, $0x0;
	v1 =	vld [tilespmem:s23+$0xDD0]  }
0x30e: {  	(v2sf) =	vpush v4, $0x0;
	v2 =	vld [tilespmem:s30+$0xDE0]  }
0x30f: {  	(v2sf) =	vpush v5, $0x0;
	v4 =	vld [tilespmem:s24+$0xDE0]  }
0x310: {  	(v2sf) =	vpush v3, $0x0;
	v3 =	vld [tilespmem:s25+$0xDE0]  }
0x311: {  	v5 =	vld [tilespmem:s26+$0xDE0];
	[tilespmem:s22+$0x2D0] =	vst v0  }
0x312: {  	v0 =	vld [tilespmem:s28+$0xDE0];
	[tilespmem:s22+$0x350] =	vst v1  }
0x313: {  	[tilespmem:s22+$0x60] =	vst v2;
	v1 =	vld [tilespmem:s29+$0xDE0]  }
0x314: {  	[tilespmem:s22+$0xE0] =	vst v4;
	v2 =	vld [tilespmem:s23+$0xDE0]  }
0x315: {  	v4 =	vld [tilespmem:s30+$0xDF0];
	[tilespmem:s22+$0x160] =	vst v3  }
0x316: {  	v3 =	vld [tilespmem:s24+$0xDF0];
	[tilespmem:s22+$0x1E0] =	vst v5  }
0x317: {  	v5 =	vld [tilespmem:s25+$0xDF0];
	[tilespmem:s22+$0x260] =	vst v0  }
0x318: {  	s4 =	spop (v2sf);
	v0 =	vld [tilespmem:s26+$0xDF0];
	[tilespmem:s22+$0x2E0] =	vst v1  }
0x319: {  	s4 =	sshll.u32 s4, $0xA;
	s6 =	spop (v2sf);
	v1 =	vld [tilespmem:s28+$0xDF0];
	[tilespmem:s22+$0x360] =	vst v2  }
0x31a: {  	s6 =	sshll.u32 s6, $0xA;
	s4 =	sshra.s32 s4, $0x2;
	s8 =	spop (v2sf);
	[tilespmem:s22+$0x70] =	vst v4;
	v2 =	vld [tilespmem:s29+$0xDF0]  }
0x31b: {  	s24 =	sshra.s32 s6, $0x2;
	s6 =	sshll.u32 s8, $0xA;
	v4 =	vld [tilespmem:s4+$0xD00];
	s8 =	spop (v2sf);
	[tilespmem:s22+$0xF0] =	vst v3  }
0x31c: {  	v3 =	vld [tilespmem:s24+$0xD00];
	s25 =	sshra.s32 s6, $0x2;
	s6 =	sshll.u32 s8, $0xA;
	s8 =	spop (v2sf);
	[tilespmem:s22+$0x170] =	vst v5  }
0x31d: {  	v5 =	vld [tilespmem:s25+$0xD00];
	s26 =	sshra.s32 s6, $0x2;
	s6 =	sshll.u32 s8, $0xA;
	s8 =	spop (v2sf);
	[tilespmem:s22+$0x1F0] =	vst v0  }
0x31e: {  	v0 =	vld [tilespmem:s26+$0xD00];
	s28 =	sshra.s32 s6, $0x2;
	s6 =	sshll.u32 s8, $0xA;
	s8 =	spop (v2sf);
	[tilespmem:s22+$0x270] =	vst v1  }
0x31f: {  	s22 =	sadd.s32 $0x800, s22;
	v1 =	vld [tilespmem:s28+$0xD00];
	s8 =	sshll.u32 s8, $0xA;
	s29 =	spop (v2sf);
	[tilespmem:s0+$0x2F0] =	vst v2  }
0x320: {  	s30 =	sshll.u32 s29, $0xA;
	s29 =	sshra.s32 s6, $0x2;
	[tilespmem:s22+$0xFFFFFF80] =	vst v4;
	v2 =	vld [tilespmem:s23+$0xDF0];
	s23 =	sshra.s32 s8, $0x2  }
0x321: {  	s30 =	sshra.s32 s30, $0x2;
	[tilespmem:s22+$0xFFFFFC80] =	vst v3;
	v3 =	vld [tilespmem:s4+$0xD10]  }
0x322: {  	v4 =	vld [tilespmem:s30+$0xD00];
	[tilespmem:s22+$0xFFFFFD00] =	vst v5  }
0x323: {  	[tilespmem:s22+$0xFFFFFD80] =	vst v0;
	v0 =	vld [tilespmem:s29+$0xD00]  }
0x324: {  	[tilespmem:s22+$0xFFFFFE00] =	vst v1;
	v1 =	vld [tilespmem:s23+$0xD00]  }
0x325: {  	v5 =	vld [tilespmem:s24+$0xD10];
	[tilespmem:s0+$0x370] =	vst v2;
	s0 =	smov.u32 s22  }
0x326: {  	v2 =	vld [tilespmem:s25+$0xD10];
	[tilespmem:s22+$0xFFFFFF90] =	vst v3  }
0x327: {  	[tilespmem:s22+$0xFFFFFC00] =	vst v4;
	v3 =	vld [tilespmem:s4+$0xD20]  }
0x328: {  	v4 =	vld [tilespmem:s30+$0xD10];
	[tilespmem:s22+$0xFFFFFE80] =	vst v0  }
0x329: {  	v0 =	vld [tilespmem:s26+$0xD10];
	[tilespmem:s22+$0xFFFFFF00] =	vst v1  }
0x32a: {  	[tilespmem:s22+$0xFFFFFC90] =	vst v5;
	v1 =	vld [tilespmem:s28+$0xD10]  }
0x32b: {  	[tilespmem:s22+$0xFFFFFD10] =	vst v2;
	v2 =	vld [tilespmem:s29+$0xD10]  }
0x32c: {  	v5 =	vld [tilespmem:s23+$0xD10];
	[tilespmem:s22+$0xFFFFFFA0] =	vst v3  }
0x32d: {  	[tilespmem:s22+$0xFFFFFC10] =	vst v4;
	v3 =	vld [tilespmem:s4+$0xD30]  }
0x32e: {  	v4 =	vld [tilespmem:s30+$0xD20];
	[tilespmem:s22+$0xFFFFFD90] =	vst v0  }
0x32f: {  	v0 =	vld [tilespmem:s24+$0xD20];
	[tilespmem:s22+$0xFFFFFE10] =	vst v1  }
0x330: {  	v1 =	vld [tilespmem:s25+$0xD20];
	[tilespmem:s22+$0xFFFFFE90] =	vst v2  }
0x331: {  	v2 =	vld [tilespmem:s26+$0xD20];
	[tilespmem:s22+$0xFFFFFF10] =	vst v5  }
0x332: {  	v5 =	vld [tilespmem:s28+$0xD20];
	[tilespmem:s22+$0xFFFFFFB0] =	vst v3  }
0x333: {  	[tilespmem:s22+$0xFFFFFC20] =	vst v4;
	v3 =	vld [tilespmem:s4+$0xD40]  }
0x334: {  	[tilespmem:s22+$0xFFFFFCA0] =	vst v0;
	v0 =	vld [tilespmem:s29+$0xD20]  }
0x335: {  	[tilespmem:s22+$0xFFFFFD20] =	vst v1;
	v1 =	vld [tilespmem:s23+$0xD20]  }
0x336: {  	v4 =	vld [tilespmem:s30+$0xD30];
	[tilespmem:s22+$0xFFFFFDA0] =	vst v2  }
0x337: {  	v2 =	vld [tilespmem:s24+$0xD30];
	[tilespmem:s22+$0xFFFFFE20] =	vst v5  }
0x338: {  	v5 =	vld [tilespmem:s25+$0xD30];
	[tilespmem:s22+$0xFFFFFFC0] =	vst v3  }
0x339: {  	[tilespmem:s22+$0xFFFFFEA0] =	vst v0;
	v0 =	vld [tilespmem:s4+$0xD50]  }
0x33a: {  	v3 =	vld [tilespmem:s26+$0xD30];
	[tilespmem:s22+$0xFFFFFF20] =	vst v1  }
0x33b: {  	[tilespmem:s22+$0xFFFFFC30] =	vst v4;
	v1 =	vld [tilespmem:s28+$0xD30]  }
0x33c: {  	[tilespmem:s22+$0xFFFFFCB0] =	vst v2;
	v2 =	vld [tilespmem:s29+$0xD30]  }
0x33d: {  	[tilespmem:s22+$0xFFFFFD30] =	vst v5;
	v4 =	vld [tilespmem:s23+$0xD30]  }
0x33e: {  	v5 =	vld [tilespmem:s30+$0xD40];
	[tilespmem:s22+$0xFFFFFFD0] =	vst v0  }
0x33f: {  	[tilespmem:s22+$0xFFFFFDB0] =	vst v3;
	v0 =	vld [tilespmem:s4+$0xD60]  }
0x340: {  	v3 =	vld [tilespmem:s24+$0xD40];
	[tilespmem:s22+$0xFFFFFE30] =	vst v1  }
0x341: {  	v1 =	vld [tilespmem:s25+$0xD40];
	[tilespmem:s22+$0xFFFFFEB0] =	vst v2  }
0x342: {  	v2 =	vld [tilespmem:s26+$0xD40];
	[tilespmem:s22+$0xFFFFFF30] =	vst v4  }
0x343: {  	[tilespmem:s22+$0xFFFFFC40] =	vst v5;
	v4 =	vld [tilespmem:s28+$0xD40]  }
0x344: {  	v5 =	vld [tilespmem:s29+$0xD40];
	[tilespmem:s22+$0xFFFFFFE0] =	vst v0  }
0x345: {  	[tilespmem:s22+$0xFFFFFCC0] =	vst v3;
	v0 =	vld [tilespmem:s4+$0xD70]  }
0x346: {  	[tilespmem:s22+$0xFFFFFD40] =	vst v1;
	v1 =	vld [tilespmem:s23+$0xD40]  }
0x347: {  	v3 =	vld [tilespmem:s30+$0xD50];
	[tilespmem:s22+$0xFFFFFDC0] =	vst v2  }
0x348: {  	v2 =	vld [tilespmem:s24+$0xD50];
	[tilespmem:s22+$0xFFFFFE40] =	vst v4  }
0x349: {  	v4 =	vld [tilespmem:s25+$0xD50];
	[tilespmem:s22+$0xFFFFFEC0] =	vst v5  }
0x34a: {  	v5 =	vld [tilespmem:s26+$0xD50];
	[tilespmem:s22+$0xFFFFFFF0] =	vst v0  }
0x34b: {  	[tilespmem:s22+$0xFFFFFF40] =	vst v1;
	v0 =	vld [tilespmem:s4+$0xD80]  }
0x34c: {  	[tilespmem:s22+$0xFFFFFC50] =	vst v3;
	v1 =	vld [tilespmem:s28+$0xD50]  }
0x34d: {  	[tilespmem:s22+$0xFFFFFCD0] =	vst v2;
	v2 =	vld [tilespmem:s29+$0xD50]  }
0x34e: {  	[tilespmem:s22+$0xFFFFFD50] =	vst v4;
	v3 =	vld [tilespmem:s23+$0xD50]  }
0x34f: {  	v4 =	vld [tilespmem:s30+$0xD60];
	[tilespmem:s22+$0xFFFFFDD0] =	vst v5  }
0x350: {  	v5 =	vld [tilespmem:s24+$0xD60];
	[tilespmem:s22+$0x380] =	vst v0  }
0x351: {  	[tilespmem:s22+$0xFFFFFE50] =	vst v1;
	v0 =	vld [tilespmem:s4+$0xD90]  }
0x352: {  	v1 =	vld [tilespmem:s25+$0xD60];
	[tilespmem:s22+$0xFFFFFED0] =	vst v2  }
0x353: {  	v2 =	vld [tilespmem:s26+$0xD60];
	[tilespmem:s22+$0xFFFFFF50] =	vst v3  }
0x354: {  	[tilespmem:s22+$0xFFFFFC60] =	vst v4;
	v3 =	vld [tilespmem:s28+$0xD60]  }
0x355: {  	[tilespmem:s22+$0xFFFFFCE0] =	vst v5;
	v4 =	vld [tilespmem:s29+$0xD60]  }
0x356: {  	v5 =	vld [tilespmem:s23+$0xD60];
	[tilespmem:s22+$0x390] =	vst v0  }
0x357: {  	[tilespmem:s22+$0xFFFFFD60] =	vst v1;
	v0 =	vld [tilespmem:s4+$0xDA0]  }
0x358: {  	v1 =	vld [tilespmem:s30+$0xD70];
	[tilespmem:s22+$0xFFFFFDE0] =	vst v2  }
0x359: {  	v2 =	vld [tilespmem:s24+$0xD70];
	[tilespmem:s22+$0xFFFFFE60] =	vst v3  }
0x35a: {  	v3 =	vld [tilespmem:s25+$0xD70];
	[tilespmem:s22+$0xFFFFFEE0] =	vst v4  }
0x35b: {  	v4 =	vld [tilespmem:s26+$0xD70];
	[tilespmem:s22+$0xFFFFFF60] =	vst v5  }
0x35c: {  	v5 =	vld [tilespmem:s28+$0xD70];
	[tilespmem:s22+$0x3A0] =	vst v0  }
0x35d: {  	[tilespmem:s22+$0xFFFFFC70] =	vst v1;
	v0 =	vld [tilespmem:s4+$0xDB0]  }
0x35e: {  	[tilespmem:s22+$0xFFFFFCF0] =	vst v2;
	v1 =	vld [tilespmem:s29+$0xD70]  }
0x35f: {  	[tilespmem:s22+$0xFFFFFD70] =	vst v3;
	v2 =	vld [tilespmem:s23+$0xD70]  }
0x360: {  	v3 =	vld [tilespmem:s30+$0xD80];
	[tilespmem:s22+$0xFFFFFDF0] =	vst v4  }
0x361: {  	v4 =	vld [tilespmem:s24+$0xD80];
	[tilespmem:s22+$0xFFFFFE70] =	vst v5  }
0x362: {  	v5 =	vld [tilespmem:s25+$0xD80];
	[tilespmem:s22+$0x3B0] =	vst v0  }
0x363: {  	[tilespmem:s22+$0xFFFFFEF0] =	vst v1;
	v0 =	vld [tilespmem:s4+$0xDC0]  }
0x364: {  	v1 =	vld [tilespmem:s26+$0xD80];
	[tilespmem:s22+$0xFFFFFF70] =	vst v2  }
0x365: {  	[tilespmem:s22+$0x0] =	vst v3;
	v2 =	vld [tilespmem:s28+$0xD80]  }
0x366: {  	[tilespmem:s22+$0x80] =	vst v4;
	v3 =	vld [tilespmem:s29+$0xD80]  }
0x367: {  	[tilespmem:s22+$0x100] =	vst v5;
	v4 =	vld [tilespmem:s23+$0xD80]  }
0x368: {  	v5 =	vld [tilespmem:s30+$0xD90];
	[tilespmem:s22+$0x3C0] =	vst v0  }
0x369: {  	[tilespmem:s22+$0x180] =	vst v1;
	v0 =	vld [tilespmem:s4+$0xDD0]  }
0x36a: {  	v1 =	vld [tilespmem:s24+$0xD90];
	[tilespmem:s22+$0x200] =	vst v2  }
0x36b: {  	v2 =	vld [tilespmem:s25+$0xD90];
	[tilespmem:s22+$0x280] =	vst v3  }
0x36c: {  	v3 =	vld [tilespmem:s26+$0xD90];
	[tilespmem:s22+$0x300] =	vst v4  }
0x36d: {  	[tilespmem:s22+$0x10] =	vst v5;
	v4 =	vld [tilespmem:s28+$0xD90]  }
0x36e: {  	v5 =	vld [tilespmem:s29+$0xD90];
	[tilespmem:s22+$0x3D0] =	vst v0  }
0x36f: {  	[tilespmem:s22+$0x90] =	vst v1;
	v0 =	vld [tilespmem:s4+$0xDE0]  }
0x370: {  	[tilespmem:s22+$0x110] =	vst v2;
	v1 =	vld [tilespmem:s23+$0xD90]  }
0x371: {  	v2 =	vld [tilespmem:s30+$0xDA0];
	[tilespmem:s22+$0x190] =	vst v3  }
0x372: {  	v3 =	vld [tilespmem:s24+$0xDA0];
	[tilespmem:s22+$0x210] =	vst v4  }
0x373: {  	v4 =	vld [tilespmem:s25+$0xDA0];
	[tilespmem:s22+$0x290] =	vst v5  }
0x374: {  	v5 =	vld [tilespmem:s26+$0xDA0];
	[tilespmem:s22+$0x3E0] =	vst v0  }
0x375: {  	[tilespmem:s22+$0x310] =	vst v1;
	v0 =	vld [tilespmem:s4+$0xDF0]  }
0x376: {  	[tilespmem:s22+$0x20] =	vst v2;
	v1 =	vld [tilespmem:s28+$0xDA0]  }
0x377: {  	[tilespmem:s22+$0xA0] =	vst v3;
	v2 =	vld [tilespmem:s29+$0xDA0]  }
0x378: {  	[tilespmem:s22+$0x120] =	vst v4;
	v3 =	vld [tilespmem:s23+$0xDA0]  }
0x379: {  	v4 =	vld [tilespmem:s30+$0xDB0];
	[tilespmem:s22+$0x1A0] =	vst v5  }
0x37a: {  	v5 =	vld [tilespmem:s24+$0xDB0];
	[tilespmem:s22+$0x3F0] =	vst v0  }
0x37b: {  	v0 =	vld [tilespmem:s25+$0xDB0];
	[tilespmem:s22+$0x220] =	vst v1  }
0x37c: {  	v1 =	vld [tilespmem:s26+$0xDB0];
	[tilespmem:s22+$0x2A0] =	vst v2  }
0x37d: {  	v2 =	vld [tilespmem:s28+$0xDB0];
	[tilespmem:s22+$0x320] =	vst v3  }
0x37e: {  	[tilespmem:s22+$0x30] =	vst v4;
	v3 =	vld [tilespmem:s29+$0xDB0]  }
0x37f: {  	[tilespmem:s22+$0xB0] =	vst v5;
	v4 =	vld [tilespmem:s23+$0xDB0]  }
0x380: {  	v5 =	vld [tilespmem:s30+$0xDC0];
	[tilespmem:s22+$0x130] =	vst v0  }
0x381: {  	v0 =	vld [tilespmem:s24+$0xDC0];
	[tilespmem:s22+$0x1B0] =	vst v1  }
0x382: {  	v1 =	vld [tilespmem:s25+$0xDC0];
	[tilespmem:s22+$0x230] =	vst v2  }
0x383: {  	v2 =	vld [tilespmem:s26+$0xDC0];
	[tilespmem:s22+$0x2B0] =	vst v3  }
0x384: {  	v6 =	vld [tilespmem:s28+$0xDC0];
	[tilespmem:s22+$0x330] =	vst v4  }
0x385: {  	[tilespmem:s22+$0x40] =	vst v5;
	v4 =	vld [tilespmem:s29+$0xDC0]  }
0x386: {  	[tilespmem:s22+$0xC0] =	vst v0;
	v5 =	vld [tilespmem:s23+$0xDC0]  }
.Ltmp10:
0x387: {  	v3 =	vld [tilespmem:s30+$0xDD0];
	[tilespmem:s22+$0x140] =	vst v1;
	(pc) =	sbr.rel @p1 .LBB2_12-.Ltmp10, $4  }
0x388: {  	v0 =	vld [tilespmem:s24+$0xDD0];
	[tilespmem:s22+$0x1C0] =	vst v2  }
0x389: {  	v1 =	vld [tilespmem:s25+$0xDD0];
	[tilespmem:s22+$0x240] =	vst v6  }
0x38a: {  	v2 =	vld [tilespmem:s26+$0xDD0];
	[tilespmem:s22+$0x2C0] =	vst v4  }
0x38b: {  	s9 =	sadd.s32 $0x8, s9;
	v4 =	vld [tilespmem:s28+$0xDD0];
	[tilespmem:s22+$0x340] =	vst v5  }
0x38c: {  	[tilespmem:s22+$0x50] =	vst v3;
	v49 =	vld [tilespmem:s29+$0xDD0]  }
0x38d: {  	v50 =	vld [tilespmem:s23+$0xDD0];
	[tilespmem:s22+$0xD0] =	vst v0  }
0x38e: {  	v51 =	vld [tilespmem:s30+$0xDE0];
	[tilespmem:s22+$0x150] =	vst v1  }
0x38f: {  	v52 =	vld [tilespmem:s24+$0xDE0];
	[tilespmem:s22+$0x1D0] =	vst v2  }
0x390: {  	v53 =	vld [tilespmem:s25+$0xDE0];
	[tilespmem:s22+$0x250] =	vst v4  }
0x391: {  	v5 =	vld [tilespmem:s26+$0xDE0];
	[tilespmem:s22+$0x2D0] =	vst v49  }
0x392: {  	v54 =	vld [tilespmem:s28+$0xDE0];
	[tilespmem:s22+$0x350] =	vst v50  }
0x393: {  	[tilespmem:s22+$0x60] =	vst v51;
	v55 =	vld [tilespmem:s29+$0xDE0]  }
0x394: {  	v56 =	vld [tilespmem:s23+$0xDE0];
	[tilespmem:s22+$0xE0] =	vst v52  }
0x395: {  	v57 =	vld [tilespmem:s30+$0xDF0];
	[tilespmem:s22+$0x160] =	vst v53  }
0x396: {  	v58 =	vld [tilespmem:s24+$0xDF0];
	[tilespmem:s22+$0x1E0] =	vst v5  }
0x397: {  	v59 =	vld [tilespmem:s25+$0xDF0];
	[tilespmem:s22+$0x260] =	vst v54  }
0x398: {  	v60 =	vld [tilespmem:s26+$0xDF0];
	[tilespmem:s22+$0x2E0] =	vst v55  }
0x399: {  	v61 =	vld [tilespmem:s28+$0xDF0];
	[tilespmem:s22+$0x360] =	vst v56  }
0x39a: {  	[tilespmem:s22+$0x70] =	vst v57;
	v62 =	vld [tilespmem:s29+$0xDF0]  }
0x39b: {  	v63 =	vld [tilespmem:s23+$0xDF0];
	[tilespmem:s22+$0xF0] =	vst v58  }
0x39c: {  	[tilespmem:s22+$0x170] =	vst v59  }
.Ltmp11:
0x39d: {  	s4 =	sadd.s32 s3, s21;
	[tilespmem:s22+$0x1F0] =	vst v60;
	(pc) =	sbr.rel .LBB2_14-.Ltmp11, $4  }
0x39e: {  	s4 =	smul.u32 $0xA00, s4;
	[tilespmem:s22+$0x270] =	vst v61  }
0x39f: {  	[tilespmem:s0+$0x2F0] =	vst v62  }
0x3a0: {  	s31 =	sadd.s32 s1, s4;
	[tilespmem:s0+$0x370] =	vst v63  }
0x3a1: {  	[hbm4b:s31+s2] =	stream.linear.scatter [tilespmem:s12], [sflag:$0x3], $0x5000, $0x38;
	[tilespmem:$0x17400] =	vst v63  }
.LBB2_16:
0x3a2: {  	_ =	swait.ge [sflag:s13], $0x5000  }
0x3a3: {  	[sflag:s13] =	ssyncset.done $0x0  }
0x3a4: {  	s0 =	simm.s32 $0xC37;
	[sflag:s13] =	ssyncadd.s32 $0xFFFFB000  }
0x3a5: {  	v0 =	vld [tilespmem:s0+$0x0]  }
0x3a6: {  	v1 =	vld [tilespmem:s0+$0xFFFFFFFA]  }
0x3a7: {  	v2 =	vld [tilespmem:s0+$0xFFFFFFFB]  }
0x3a8: {  	v3 =	vld [tilespmem:s0+$0xFFFFFFFC]  }
0x3a9: {  	v4 =	vld [tilespmem:s0+$0xFFFFFFFD]  }
0x3aa: {  	v5 =	vld [tilespmem:s0+$0xFFFFFFFE];
	(v2sf) =	vpush v0, $0x0  }
0x3ab: {  	v0 =	vld [tilespmem:s0+$0xFFFFFFFF];
	(v2sf) =	vpush v1, $0x0  }
0x3ac: {  	v1 =	vld [tilespmem:s0+$0xFFFFFFF9];
	(v2sf) =	vpush v2, $0x0  }
0x3ad: {  	(v2sf) =	vpush v3, $0x0  }
0x3ae: {  	(v2sf) =	vpush v4, $0x0  }
0x3af: {  	(v2sf) =	vpush v5, $0x0  }
0x3b0: {  	(v2sf) =	vpush v0, $0x0  }
0x3b1: {  	(v2sf) =	vpush v1, $0x0;
	_ =	sdelay $0x7  }
0x3b2: {  	s22 =	spop (v2sf)  }
0x3b3: {  	s0 =	sshll.u32 s22, $0xA;
	s4 =	spop (v2sf)  }
0x3b4: {  	s0 =	sshra.s32 s0, $0x2;
	s6 =	spop (v2sf)  }
0x3b5: {  	s4 =	sshll.u32 s4, $0xA;
	v0 =	vld [tilespmem:s0+$0xD00];
	s7 =	spop (v2sf)  }
0x3b6: {  	s19 =	sshra.s32 s4, $0x2;
	s23 =	sshll.u32 s6, $0xA;
	s24 =	spop (v2sf)  }
0x3b7: {  	v1 =	vld [tilespmem:s19+$0xD00];
	s20 =	sshra.s32 s23, $0x2;
	s25 =	sshll.u32 s7, $0xA;
	s26 =	spop (v2sf)  }
0x3b8: {  	v2 =	vld [tilespmem:s20+$0xD00];
	s21 =	sshra.s32 s25, $0x2;
	s28 =	sshll.u32 s24, $0xA;
	s29 =	spop (v2sf)  }
0x3b9: {  	s17 =	simm.s32 $0x8800;
	v3 =	vld [tilespmem:s21+$0xD00];
	s22 =	sshra.s32 s28, $0x2;
	s30 =	spop (v2sf)  }
0x3ba: {  	v4 =	vld [tilespmem:s22+$0xD00];
	s4 =	sshll.u32 s30, $0xA;
	[tilespmem:s17+$0xFFFFFF80] =	vst v0  }
0x3bb: {  	s7 =	sshll.u32 s26, $0xA;
	s24 =	sshra.s32 s4, $0x2;
	v0 =	vld [tilespmem:s0+$0xD10]  }
0x3bc: {  	s31 =	sshll.u32 s29, $0xA;
	s23 =	sshra.s32 s7, $0x2;
	[tilespmem:s17+$0xFFFFFC80] =	vst v1;
	v1 =	vld [tilespmem:s24+$0xD00]  }
0x3bd: {  	s18 =	sshra.s32 s31, $0x2;
	[tilespmem:s17+$0xFFFFFD00] =	vst v2;
	v2 =	vld [tilespmem:s23+$0xD00]  }
0x3be: {  	[tilespmem:s17+$0xFFFFFD80] =	vst v3;
	v3 =	vld [tilespmem:s18+$0xD00]  }
0x3bf: {  	v5 =	vld [tilespmem:s20+$0xD10];
	[tilespmem:s17+$0xFFFFFE00] =	vst v4  }
0x3c0: {  	v4 =	vld [tilespmem:s19+$0xD10];
	[tilespmem:s17+$0xFFFFFF90] =	vst v0  }
0x3c1: {  	[tilespmem:s17+$0xFFFFFC00] =	vst v1;
	v0 =	vld [tilespmem:s0+$0xD20]  }
0x3c2: {  	[tilespmem:s17+$0xFFFFFE80] =	vst v2;
	v2 =	vld [tilespmem:s21+$0xD10]  }
0x3c3: {  	v1 =	vld [tilespmem:s24+$0xD10];
	[tilespmem:s17+$0xFFFFFF00] =	vst v3  }
0x3c4: {  	v3 =	vld [tilespmem:s22+$0xD10];
	[tilespmem:s17+$0xFFFFFD10] =	vst v5  }
0x3c5: {  	[tilespmem:s17+$0xFFFFFC90] =	vst v4;
	v4 =	vld [tilespmem:s23+$0xD10]  }
0x3c6: {  	v5 =	vld [tilespmem:s18+$0xD10];
	[tilespmem:s17+$0xFFFFFFA0] =	vst v0  }
0x3c7: {  	[tilespmem:s17+$0xFFFFFD90] =	vst v2;
	v2 =	vld [tilespmem:s19+$0xD20]  }
0x3c8: {  	[tilespmem:s17+$0xFFFFFC10] =	vst v1;
	v0 =	vld [tilespmem:s0+$0xD30]  }
0x3c9: {  	[tilespmem:s17+$0xFFFFFE10] =	vst v3;
	v3 =	vld [tilespmem:s20+$0xD20]  }
0x3ca: {  	v1 =	vld [tilespmem:s24+$0xD20];
	[tilespmem:s17+$0xFFFFFE90] =	vst v4  }
0x3cb: {  	v4 =	vld [tilespmem:s21+$0xD20];
	[tilespmem:s17+$0xFFFFFF10] =	vst v5  }
0x3cc: {  	v5 =	vld [tilespmem:s22+$0xD20];
	[tilespmem:s17+$0xFFFFFCA0] =	vst v2  }
0x3cd: {  	v2 =	vld [tilespmem:s18+$0xD20];
	[tilespmem:s17+$0xFFFFFFB0] =	vst v0  }
0x3ce: {  	[tilespmem:s17+$0xFFFFFD20] =	vst v3;
	v0 =	vld [tilespmem:s0+$0xD40]  }
0x3cf: {  	[tilespmem:s17+$0xFFFFFC20] =	vst v1;
	v1 =	vld [tilespmem:s23+$0xD20]  }
0x3d0: {  	[tilespmem:s17+$0xFFFFFDA0] =	vst v4;
	v4 =	vld [tilespmem:s19+$0xD30]  }
0x3d1: {  	[tilespmem:s17+$0xFFFFFE20] =	vst v5;
	v5 =	vld [tilespmem:s20+$0xD30]  }
0x3d2: {  	v3 =	vld [tilespmem:s24+$0xD30];
	[tilespmem:s17+$0xFFFFFF20] =	vst v2  }
0x3d3: {  	v2 =	vld [tilespmem:s22+$0xD30];
	[tilespmem:s17+$0xFFFFFFC0] =	vst v0  }
0x3d4: {  	[tilespmem:s17+$0xFFFFFEA0] =	vst v1;
	v1 =	vld [tilespmem:s21+$0xD30]  }
0x3d5: {  	[tilespmem:s17+$0xFFFFFCB0] =	vst v4;
	v4 =	vld [tilespmem:s18+$0xD30]  }
0x3d6: {  	[tilespmem:s17+$0xFFFFFD30] =	vst v5;
	v0 =	vld [tilespmem:s0+$0xD50]  }
0x3d7: {  	[tilespmem:s17+$0xFFFFFC30] =	vst v3;
	v3 =	vld [tilespmem:s23+$0xD30]  }
0x3d8: {  	v5 =	vld [tilespmem:s24+$0xD40];
	[tilespmem:s17+$0xFFFFFE30] =	vst v2  }
0x3d9: {  	v2 =	vld [tilespmem:s20+$0xD40];
	[tilespmem:s17+$0xFFFFFDB0] =	vst v1  }
0x3da: {  	v1 =	vld [tilespmem:s19+$0xD40];
	[tilespmem:s17+$0xFFFFFF30] =	vst v4  }
0x3db: {  	v4 =	vld [tilespmem:s22+$0xD40];
	[tilespmem:s17+$0xFFFFFFD0] =	vst v0  }
0x3dc: {  	[tilespmem:s17+$0xFFFFFEB0] =	vst v3;
	v0 =	vld [tilespmem:s0+$0xD60]  }
0x3dd: {  	v3 =	vld [tilespmem:s21+$0xD40];
	[tilespmem:s17+$0xFFFFFC40] =	vst v5  }
0x3de: {  	v5 =	vld [tilespmem:s23+$0xD40];
	[tilespmem:s17+$0xFFFFFD40] =	vst v2  }
0x3df: {  	v2 =	vld [tilespmem:s24+$0xD50];
	[tilespmem:s17+$0xFFFFFCC0] =	vst v1  }
0x3e0: {  	v1 =	vld [tilespmem:s18+$0xD40];
	[tilespmem:s17+$0xFFFFFE40] =	vst v4  }
0x3e1: {  	v4 =	vld [tilespmem:s20+$0xD50];
	[tilespmem:s17+$0xFFFFFFE0] =	vst v0  }
0x3e2: {  	[tilespmem:s17+$0xFFFFFDC0] =	vst v3;
	v0 =	vld [tilespmem:s0+$0xD70]  }
0x3e3: {  	v3 =	vld [tilespmem:s19+$0xD50];
	[tilespmem:s17+$0xFFFFFEC0] =	vst v5  }
0x3e4: {  	v5 =	vld [tilespmem:s21+$0xD50];
	[tilespmem:s17+$0xFFFFFC50] =	vst v2  }
0x3e5: {  	v2 =	vld [tilespmem:s23+$0xD50];
	[tilespmem:s17+$0xFFFFFF40] =	vst v1  }
0x3e6: {  	v1 =	vld [tilespmem:s22+$0xD50];
	[tilespmem:s17+$0xFFFFFD50] =	vst v4  }
0x3e7: {  	v4 =	vld [tilespmem:s24+$0xD60];
	[tilespmem:s17+$0xFFFFFFF0] =	vst v0  }
0x3e8: {  	[tilespmem:s17+$0xFFFFFCD0] =	vst v3;
	v0 =	vld [tilespmem:s0+$0xD80]  }
0x3e9: {  	v3 =	vld [tilespmem:s18+$0xD50];
	[tilespmem:s17+$0xFFFFFDD0] =	vst v5  }
0x3ea: {  	v5 =	vld [tilespmem:s19+$0xD60];
	[tilespmem:s17+$0xFFFFFED0] =	vst v2  }
0x3eb: {  	v2 =	vld [tilespmem:s21+$0xD60];
	[tilespmem:s17+$0xFFFFFE50] =	vst v1  }
0x3ec: {  	v1 =	vld [tilespmem:s20+$0xD60];
	[tilespmem:s17+$0xFFFFFC60] =	vst v4  }
0x3ed: {  	v4 =	vld [tilespmem:s23+$0xD60];
	[tilespmem:s17+$0x380] =	vst v0  }
0x3ee: {  	[tilespmem:s17+$0xFFFFFF50] =	vst v3;
	v0 =	vld [tilespmem:s0+$0xD90]  }
0x3ef: {  	v3 =	vld [tilespmem:s22+$0xD60];
	[tilespmem:s17+$0xFFFFFCE0] =	vst v5  }
0x3f0: {  	v5 =	vld [tilespmem:s18+$0xD60];
	[tilespmem:s17+$0xFFFFFDE0] =	vst v2  }
0x3f1: {  	v2 =	vld [tilespmem:s19+$0xD70];
	[tilespmem:s17+$0xFFFFFD60] =	vst v1  }
0x3f2: {  	v1 =	vld [tilespmem:s24+$0xD70];
	[tilespmem:s17+$0xFFFFFEE0] =	vst v4  }
0x3f3: {  	v4 =	vld [tilespmem:s21+$0xD70];
	[tilespmem:s17+$0x390] =	vst v0  }
0x3f4: {  	[tilespmem:s17+$0xFFFFFE60] =	vst v3;
	v0 =	vld [tilespmem:s0+$0xDA0]  }
0x3f5: {  	v3 =	vld [tilespmem:s20+$0xD70];
	[tilespmem:s17+$0xFFFFFF60] =	vst v5  }
0x3f6: {  	v5 =	vld [tilespmem:s22+$0xD70];
	[tilespmem:s17+$0xFFFFFCF0] =	vst v2  }
0x3f7: {  	v2 =	vld [tilespmem:s18+$0xD70];
	[tilespmem:s17+$0xFFFFFC70] =	vst v1  }
0x3f8: {  	v1 =	vld [tilespmem:s23+$0xD70];
	[tilespmem:s17+$0xFFFFFDF0] =	vst v4  }
0x3f9: {  	v4 =	vld [tilespmem:s19+$0xD80];
	[tilespmem:s17+$0x3A0] =	vst v0  }
0x3fa: {  	[tilespmem:s17+$0xFFFFFD70] =	vst v3;
	v0 =	vld [tilespmem:s0+$0xDB0]  }
0x3fb: {  	v3 =	vld [tilespmem:s24+$0xD80];
	[tilespmem:s17+$0xFFFFFE70] =	vst v5  }
0x3fc: {  	v5 =	vld [tilespmem:s20+$0xD80];
	[tilespmem:s17+$0xFFFFFF70] =	vst v2  }
0x3fd: {  	v2 =	vld [tilespmem:s22+$0xD80];
	[tilespmem:s17+$0xFFFFFEF0] =	vst v1  }
0x3fe: {  	v1 =	vld [tilespmem:s21+$0xD80];
	[tilespmem:s17+$0x80] =	vst v4  }
0x3ff: {  	v4 =	vld [tilespmem:s18+$0xD80];
	[tilespmem:s17+$0x3B0] =	vst v0  }
0x400: {  	[tilespmem:s17+$0x0] =	vst v3;
	v0 =	vld [tilespmem:s0+$0xDC0]  }
0x401: {  	v3 =	vld [tilespmem:s23+$0xD80];
	[tilespmem:s17+$0x100] =	vst v5  }
0x402: {  	v5 =	vld [tilespmem:s24+$0xD90];
	[tilespmem:s17+$0x200] =	vst v2  }
0x403: {  	v2 =	vld [tilespmem:s20+$0xD90];
	[tilespmem:s17+$0x180] =	vst v1  }
0x404: {  	v1 =	vld [tilespmem:s19+$0xD90];
	[tilespmem:s17+$0x300] =	vst v4  }
0x405: {  	v4 =	vld [tilespmem:s22+$0xD90];
	[tilespmem:s17+$0x3C0] =	vst v0  }
0x406: {  	[tilespmem:s17+$0x280] =	vst v3;
	v0 =	vld [tilespmem:s0+$0xDD0]  }
0x407: {  	v3 =	vld [tilespmem:s21+$0xD90];
	[tilespmem:s17+$0x10] =	vst v5  }
0x408: {  	v5 =	vld [tilespmem:s23+$0xD90];
	[tilespmem:s17+$0x110] =	vst v2  }
0x409: {  	v2 =	vld [tilespmem:s24+$0xDA0];
	[tilespmem:s17+$0x90] =	vst v1  }
0x40a: {  	v1 =	vld [tilespmem:s18+$0xD90];
	[tilespmem:s17+$0x210] =	vst v4  }
0x40b: {  	v4 =	vld [tilespmem:s20+$0xDA0];
	[tilespmem:s17+$0x3D0] =	vst v0  }
0x40c: {  	[tilespmem:s17+$0x190] =	vst v3;
	v0 =	vld [tilespmem:s0+$0xDE0]  }
0x40d: {  	v3 =	vld [tilespmem:s19+$0xDA0];
	[tilespmem:s17+$0x290] =	vst v5  }
0x40e: {  	v5 =	vld [tilespmem:s21+$0xDA0];
	[tilespmem:s17+$0x20] =	vst v2  }
0x40f: {  	v2 =	vld [tilespmem:s23+$0xDA0];
	[tilespmem:s17+$0x310] =	vst v1  }
0x410: {  	v1 =	vld [tilespmem:s22+$0xDA0];
	[tilespmem:s17+$0x120] =	vst v4  }
0x411: {  	v4 =	vld [tilespmem:s24+$0xDB0];
	[tilespmem:s17+$0x3E0] =	vst v0  }
0x412: {  	[tilespmem:s17+$0xA0] =	vst v3;
	v0 =	vld [tilespmem:s0+$0xDF0]  }
0x413: {  	v3 =	vld [tilespmem:s18+$0xDA0];
	[tilespmem:s17+$0x1A0] =	vst v5  }
0x414: {  	v5 =	vld [tilespmem:s19+$0xDB0];
	[tilespmem:s17+$0x2A0] =	vst v2  }
0x415: {  	[tilespmem:s17+$0x220] =	vst v1;
	v1 =	vld [tilespmem:s21+$0xDB0]  }
0x416: {  	[tilespmem:s17+$0x30] =	vst v4;
	v2 =	vld [tilespmem:s22+$0xDB0]  }
0x417: {  	[tilespmem:s17+$0x3F0] =	vst v0;
	v0 =	vld [tilespmem:s20+$0xDB0]  }
0x418: {  	[tilespmem:s17+$0x320] =	vst v3;
	v3 =	vld [tilespmem:s23+$0xDB0]  }
0x419: {  	[tilespmem:s17+$0xB0] =	vst v5;
	v4 =	vld [tilespmem:s18+$0xDB0]  }
0x41a: {  	v5 =	vld [tilespmem:s24+$0xDC0];
	[tilespmem:s17+$0x1B0] =	vst v1  }
0x41b: {  	[tilespmem:s17+$0x230] =	vst v2;
	v2 =	vld [tilespmem:s21+$0xDC0]  }
0x41c: {  	[tilespmem:s17+$0x130] =	vst v0;
	v0 =	vld [tilespmem:s19+$0xDC0]  }
0x41d: {  	[tilespmem:s17+$0x2B0] =	vst v3;
	v1 =	vld [tilespmem:s20+$0xDC0]  }
0x41e: {  	v6 =	vld [tilespmem:s22+$0xDC0];
	[tilespmem:s17+$0x330] =	vst v4  }
0x41f: {  	[tilespmem:s17+$0x40] =	vst v5;
	v4 =	vld [tilespmem:s23+$0xDC0]  }
0x420: {  	v5 =	vld [tilespmem:s18+$0xDC0];
	[tilespmem:s17+$0x1C0] =	vst v2  }
0x421: {  	v3 =	vld [tilespmem:s24+$0xDD0];
	[tilespmem:s17+$0xC0] =	vst v0  }
0x422: {  	[tilespmem:s17+$0x140] =	vst v1;
	v0 =	vld [tilespmem:s19+$0xDD0]  }
0x423: {  	[tilespmem:s17+$0x240] =	vst v6;
	v1 =	vld [tilespmem:s20+$0xDD0]  }
0x424: {  	v2 =	vld [tilespmem:s21+$0xDD0];
	[tilespmem:s17+$0x2C0] =	vst v4  }
0x425: {  	s9 =	simm.s32 $0xC3F;
	s7 =	simm.s32 $0x0;
	s0 =	simm.s32 $0x8800;
	v4 =	vld [tilespmem:s22+$0xDD0];
	[tilespmem:s17+$0x340] =	vst v5  }
.LBB2_17:
0x426: {  	v5 =	vld [tilespmem:s9+$0x0];
	s7 =	sadd.s32 $0x8, s7;
	[tilespmem:s17+$0x50] =	vst v3  }
0x427: {  	v3 =	vld [tilespmem:s9+$0xFFFFFFFA];
	p1 =	slt.u32 s7, $0x48;
	[tilespmem:s17+$0xD0] =	vst v0  }
0x428: {  	v0 =	vld [tilespmem:s9+$0xFFFFFFFB];
	[tilespmem:s17+$0x150] =	vst v1  }
0x429: {  	v1 =	vld [tilespmem:s9+$0xFFFFFFFC];
	[tilespmem:s17+$0x1D0] =	vst v2  }
0x42a: {  	v2 =	vld [tilespmem:s9+$0xFFFFFFFD];
	[tilespmem:s17+$0x250] =	vst v4  }
0x42b: {  	v4 =	vld [tilespmem:s9+$0xFFFFFFFE];
	(v2sf) =	vpush v5, $0x0  }
0x42c: {  	v5 =	vld [tilespmem:s9+$0xFFFFFFFF];
	(v2sf) =	vpush v3, $0x0  }
0x42d: {  	v3 =	vld [tilespmem:s9+$0xFFFFFFF9];
	(v2sf) =	vpush v0, $0x0  }
0x42e: {  	(v2sf) =	vpush v1, $0x0;
	v0 =	vld [tilespmem:s23+$0xDD0]  }
0x42f: {  	(v2sf) =	vpush v2, $0x0;
	v1 =	vld [tilespmem:s18+$0xDD0]  }
0x430: {  	(v2sf) =	vpush v4, $0x0;
	v2 =	vld [tilespmem:s24+$0xDE0]  }
0x431: {  	(v2sf) =	vpush v5, $0x0;
	v4 =	vld [tilespmem:s19+$0xDE0]  }
0x432: {  	(v2sf) =	vpush v3, $0x0;
	v3 =	vld [tilespmem:s20+$0xDE0]  }
0x433: {  	v5 =	vld [tilespmem:s21+$0xDE0];
	[tilespmem:s17+$0x2D0] =	vst v0  }
0x434: {  	v0 =	vld [tilespmem:s22+$0xDE0];
	[tilespmem:s17+$0x350] =	vst v1  }
0x435: {  	[tilespmem:s17+$0x60] =	vst v2;
	v1 =	vld [tilespmem:s23+$0xDE0]  }
0x436: {  	[tilespmem:s17+$0xE0] =	vst v4;
	v2 =	vld [tilespmem:s18+$0xDE0]  }
0x437: {  	v4 =	vld [tilespmem:s24+$0xDF0];
	[tilespmem:s17+$0x160] =	vst v3  }
0x438: {  	v3 =	vld [tilespmem:s19+$0xDF0];
	[tilespmem:s17+$0x1E0] =	vst v5  }
0x439: {  	v5 =	vld [tilespmem:s20+$0xDF0];
	[tilespmem:s17+$0x260] =	vst v0  }
0x43a: {  	s4 =	spop (v2sf);
	v0 =	vld [tilespmem:s21+$0xDF0];
	[tilespmem:s17+$0x2E0] =	vst v1  }
0x43b: {  	s4 =	sshll.u32 s4, $0xA;
	s6 =	spop (v2sf);
	v1 =	vld [tilespmem:s22+$0xDF0];
	[tilespmem:s17+$0x360] =	vst v2  }
0x43c: {  	s6 =	sshll.u32 s6, $0xA;
	s4 =	sshra.s32 s4, $0x2;
	s8 =	spop (v2sf);
	[tilespmem:s17+$0x70] =	vst v4;
	v2 =	vld [tilespmem:s23+$0xDF0]  }
0x43d: {  	s19 =	sshra.s32 s6, $0x2;
	s6 =	sshll.u32 s8, $0xA;
	v4 =	vld [tilespmem:s4+$0xD00];
	s8 =	spop (v2sf);
	[tilespmem:s17+$0xF0] =	vst v3  }
0x43e: {  	v3 =	vld [tilespmem:s19+$0xD00];
	s20 =	sshra.s32 s6, $0x2;
	s6 =	sshll.u32 s8, $0xA;
	s8 =	spop (v2sf);
	[tilespmem:s17+$0x170] =	vst v5  }
0x43f: {  	v5 =	vld [tilespmem:s20+$0xD00];
	s21 =	sshra.s32 s6, $0x2;
	s6 =	sshll.u32 s8, $0xA;
	s8 =	spop (v2sf);
	[tilespmem:s17+$0x1F0] =	vst v0  }
0x440: {  	v0 =	vld [tilespmem:s21+$0xD00];
	s22 =	sshra.s32 s6, $0x2;
	s6 =	sshll.u32 s8, $0xA;
	s8 =	spop (v2sf);
	[tilespmem:s17+$0x270] =	vst v1  }
0x441: {  	s17 =	sadd.s32 $0x800, s17;
	v1 =	vld [tilespmem:s22+$0xD00];
	s8 =	sshll.u32 s8, $0xA;
	s23 =	spop (v2sf);
	[tilespmem:s0+$0x2F0] =	vst v2  }
0x442: {  	s24 =	sshll.u32 s23, $0xA;
	s23 =	sshra.s32 s6, $0x2;
	[tilespmem:s17+$0xFFFFFF80] =	vst v4;
	v2 =	vld [tilespmem:s18+$0xDF0];
	s18 =	sshra.s32 s8, $0x2  }
0x443: {  	s24 =	sshra.s32 s24, $0x2;
	[tilespmem:s17+$0xFFFFFC80] =	vst v3;
	v3 =	vld [tilespmem:s4+$0xD10]  }
0x444: {  	v4 =	vld [tilespmem:s24+$0xD00];
	[tilespmem:s17+$0xFFFFFD00] =	vst v5  }
0x445: {  	[tilespmem:s17+$0xFFFFFD80] =	vst v0;
	v0 =	vld [tilespmem:s23+$0xD00]  }
0x446: {  	[tilespmem:s17+$0xFFFFFE00] =	vst v1;
	v1 =	vld [tilespmem:s18+$0xD00]  }
0x447: {  	v5 =	vld [tilespmem:s19+$0xD10];
	[tilespmem:s0+$0x370] =	vst v2;
	s0 =	smov.u32 s17  }
0x448: {  	v2 =	vld [tilespmem:s20+$0xD10];
	[tilespmem:s17+$0xFFFFFF90] =	vst v3  }
0x449: {  	[tilespmem:s17+$0xFFFFFC00] =	vst v4;
	v3 =	vld [tilespmem:s4+$0xD20]  }
0x44a: {  	v4 =	vld [tilespmem:s24+$0xD10];
	[tilespmem:s17+$0xFFFFFE80] =	vst v0  }
0x44b: {  	v0 =	vld [tilespmem:s21+$0xD10];
	[tilespmem:s17+$0xFFFFFF00] =	vst v1  }
0x44c: {  	[tilespmem:s17+$0xFFFFFC90] =	vst v5;
	v1 =	vld [tilespmem:s22+$0xD10]  }
0x44d: {  	[tilespmem:s17+$0xFFFFFD10] =	vst v2;
	v2 =	vld [tilespmem:s23+$0xD10]  }
0x44e: {  	v5 =	vld [tilespmem:s18+$0xD10];
	[tilespmem:s17+$0xFFFFFFA0] =	vst v3  }
0x44f: {  	[tilespmem:s17+$0xFFFFFC10] =	vst v4;
	v3 =	vld [tilespmem:s4+$0xD30]  }
0x450: {  	v4 =	vld [tilespmem:s24+$0xD20];
	[tilespmem:s17+$0xFFFFFD90] =	vst v0  }
0x451: {  	v0 =	vld [tilespmem:s19+$0xD20];
	[tilespmem:s17+$0xFFFFFE10] =	vst v1  }
0x452: {  	v1 =	vld [tilespmem:s20+$0xD20];
	[tilespmem:s17+$0xFFFFFE90] =	vst v2  }
0x453: {  	v2 =	vld [tilespmem:s21+$0xD20];
	[tilespmem:s17+$0xFFFFFF10] =	vst v5  }
0x454: {  	v5 =	vld [tilespmem:s22+$0xD20];
	[tilespmem:s17+$0xFFFFFFB0] =	vst v3  }
0x455: {  	[tilespmem:s17+$0xFFFFFC20] =	vst v4;
	v3 =	vld [tilespmem:s4+$0xD40]  }
0x456: {  	[tilespmem:s17+$0xFFFFFCA0] =	vst v0;
	v0 =	vld [tilespmem:s23+$0xD20]  }
0x457: {  	[tilespmem:s17+$0xFFFFFD20] =	vst v1;
	v1 =	vld [tilespmem:s18+$0xD20]  }
0x458: {  	v4 =	vld [tilespmem:s24+$0xD30];
	[tilespmem:s17+$0xFFFFFDA0] =	vst v2  }
0x459: {  	v2 =	vld [tilespmem:s19+$0xD30];
	[tilespmem:s17+$0xFFFFFE20] =	vst v5  }
0x45a: {  	v5 =	vld [tilespmem:s20+$0xD30];
	[tilespmem:s17+$0xFFFFFFC0] =	vst v3  }
0x45b: {  	[tilespmem:s17+$0xFFFFFEA0] =	vst v0;
	v0 =	vld [tilespmem:s4+$0xD50]  }
0x45c: {  	v3 =	vld [tilespmem:s21+$0xD30];
	[tilespmem:s17+$0xFFFFFF20] =	vst v1  }
0x45d: {  	[tilespmem:s17+$0xFFFFFC30] =	vst v4;
	v1 =	vld [tilespmem:s22+$0xD30]  }
0x45e: {  	[tilespmem:s17+$0xFFFFFCB0] =	vst v2;
	v2 =	vld [tilespmem:s23+$0xD30]  }
0x45f: {  	[tilespmem:s17+$0xFFFFFD30] =	vst v5;
	v4 =	vld [tilespmem:s18+$0xD30]  }
0x460: {  	v5 =	vld [tilespmem:s24+$0xD40];
	[tilespmem:s17+$0xFFFFFFD0] =	vst v0  }
0x461: {  	[tilespmem:s17+$0xFFFFFDB0] =	vst v3;
	v0 =	vld [tilespmem:s4+$0xD60]  }
0x462: {  	v3 =	vld [tilespmem:s19+$0xD40];
	[tilespmem:s17+$0xFFFFFE30] =	vst v1  }
0x463: {  	v1 =	vld [tilespmem:s20+$0xD40];
	[tilespmem:s17+$0xFFFFFEB0] =	vst v2  }
0x464: {  	v2 =	vld [tilespmem:s21+$0xD40];
	[tilespmem:s17+$0xFFFFFF30] =	vst v4  }
0x465: {  	[tilespmem:s17+$0xFFFFFC40] =	vst v5;
	v4 =	vld [tilespmem:s22+$0xD40]  }
0x466: {  	v5 =	vld [tilespmem:s23+$0xD40];
	[tilespmem:s17+$0xFFFFFFE0] =	vst v0  }
0x467: {  	[tilespmem:s17+$0xFFFFFCC0] =	vst v3;
	v0 =	vld [tilespmem:s4+$0xD70]  }
0x468: {  	[tilespmem:s17+$0xFFFFFD40] =	vst v1;
	v1 =	vld [tilespmem:s18+$0xD40]  }
0x469: {  	v3 =	vld [tilespmem:s24+$0xD50];
	[tilespmem:s17+$0xFFFFFDC0] =	vst v2  }
0x46a: {  	v2 =	vld [tilespmem:s19+$0xD50];
	[tilespmem:s17+$0xFFFFFE40] =	vst v4  }
0x46b: {  	v4 =	vld [tilespmem:s20+$0xD50];
	[tilespmem:s17+$0xFFFFFEC0] =	vst v5  }
0x46c: {  	v5 =	vld [tilespmem:s21+$0xD50];
	[tilespmem:s17+$0xFFFFFFF0] =	vst v0  }
0x46d: {  	[tilespmem:s17+$0xFFFFFF40] =	vst v1;
	v0 =	vld [tilespmem:s4+$0xD80]  }
0x46e: {  	[tilespmem:s17+$0xFFFFFC50] =	vst v3;
	v1 =	vld [tilespmem:s22+$0xD50]  }
0x46f: {  	[tilespmem:s17+$0xFFFFFCD0] =	vst v2;
	v2 =	vld [tilespmem:s23+$0xD50]  }
0x470: {  	[tilespmem:s17+$0xFFFFFD50] =	vst v4;
	v3 =	vld [tilespmem:s18+$0xD50]  }
0x471: {  	v4 =	vld [tilespmem:s24+$0xD60];
	[tilespmem:s17+$0xFFFFFDD0] =	vst v5  }
0x472: {  	v5 =	vld [tilespmem:s19+$0xD60];
	[tilespmem:s17+$0x380] =	vst v0  }
0x473: {  	[tilespmem:s17+$0xFFFFFE50] =	vst v1;
	v0 =	vld [tilespmem:s4+$0xD90]  }
0x474: {  	v1 =	vld [tilespmem:s20+$0xD60];
	[tilespmem:s17+$0xFFFFFED0] =	vst v2  }
0x475: {  	v2 =	vld [tilespmem:s21+$0xD60];
	[tilespmem:s17+$0xFFFFFF50] =	vst v3  }
0x476: {  	[tilespmem:s17+$0xFFFFFC60] =	vst v4;
	v3 =	vld [tilespmem:s22+$0xD60]  }
0x477: {  	[tilespmem:s17+$0xFFFFFCE0] =	vst v5;
	v4 =	vld [tilespmem:s23+$0xD60]  }
0x478: {  	v5 =	vld [tilespmem:s18+$0xD60];
	[tilespmem:s17+$0x390] =	vst v0  }
0x479: {  	[tilespmem:s17+$0xFFFFFD60] =	vst v1;
	v0 =	vld [tilespmem:s4+$0xDA0]  }
0x47a: {  	v1 =	vld [tilespmem:s24+$0xD70];
	[tilespmem:s17+$0xFFFFFDE0] =	vst v2  }
0x47b: {  	v2 =	vld [tilespmem:s19+$0xD70];
	[tilespmem:s17+$0xFFFFFE60] =	vst v3  }
0x47c: {  	v3 =	vld [tilespmem:s20+$0xD70];
	[tilespmem:s17+$0xFFFFFEE0] =	vst v4  }
0x47d: {  	v4 =	vld [tilespmem:s21+$0xD70];
	[tilespmem:s17+$0xFFFFFF60] =	vst v5  }
0x47e: {  	v5 =	vld [tilespmem:s22+$0xD70];
	[tilespmem:s17+$0x3A0] =	vst v0  }
0x47f: {  	[tilespmem:s17+$0xFFFFFC70] =	vst v1;
	v0 =	vld [tilespmem:s4+$0xDB0]  }
0x480: {  	[tilespmem:s17+$0xFFFFFCF0] =	vst v2;
	v1 =	vld [tilespmem:s23+$0xD70]  }
0x481: {  	[tilespmem:s17+$0xFFFFFD70] =	vst v3;
	v2 =	vld [tilespmem:s18+$0xD70]  }
0x482: {  	v3 =	vld [tilespmem:s24+$0xD80];
	[tilespmem:s17+$0xFFFFFDF0] =	vst v4  }
0x483: {  	v4 =	vld [tilespmem:s19+$0xD80];
	[tilespmem:s17+$0xFFFFFE70] =	vst v5  }
0x484: {  	v5 =	vld [tilespmem:s20+$0xD80];
	[tilespmem:s17+$0x3B0] =	vst v0  }
0x485: {  	[tilespmem:s17+$0xFFFFFEF0] =	vst v1;
	v0 =	vld [tilespmem:s4+$0xDC0]  }
0x486: {  	v1 =	vld [tilespmem:s21+$0xD80];
	[tilespmem:s17+$0xFFFFFF70] =	vst v2  }
0x487: {  	[tilespmem:s17+$0x0] =	vst v3;
	v2 =	vld [tilespmem:s22+$0xD80]  }
0x488: {  	[tilespmem:s17+$0x80] =	vst v4;
	v3 =	vld [tilespmem:s23+$0xD80]  }
0x489: {  	[tilespmem:s17+$0x100] =	vst v5;
	v4 =	vld [tilespmem:s18+$0xD80]  }
0x48a: {  	v5 =	vld [tilespmem:s24+$0xD90];
	[tilespmem:s17+$0x3C0] =	vst v0  }
0x48b: {  	[tilespmem:s17+$0x180] =	vst v1;
	v0 =	vld [tilespmem:s4+$0xDD0]  }
0x48c: {  	v1 =	vld [tilespmem:s19+$0xD90];
	[tilespmem:s17+$0x200] =	vst v2  }
0x48d: {  	v2 =	vld [tilespmem:s20+$0xD90];
	[tilespmem:s17+$0x280] =	vst v3  }
0x48e: {  	v3 =	vld [tilespmem:s21+$0xD90];
	[tilespmem:s17+$0x300] =	vst v4  }
0x48f: {  	[tilespmem:s17+$0x10] =	vst v5;
	v4 =	vld [tilespmem:s22+$0xD90]  }
0x490: {  	v5 =	vld [tilespmem:s23+$0xD90];
	[tilespmem:s17+$0x3D0] =	vst v0  }
0x491: {  	[tilespmem:s17+$0x90] =	vst v1;
	v0 =	vld [tilespmem:s4+$0xDE0]  }
0x492: {  	[tilespmem:s17+$0x110] =	vst v2;
	v1 =	vld [tilespmem:s18+$0xD90]  }
0x493: {  	v2 =	vld [tilespmem:s24+$0xDA0];
	[tilespmem:s17+$0x190] =	vst v3  }
0x494: {  	v3 =	vld [tilespmem:s19+$0xDA0];
	[tilespmem:s17+$0x210] =	vst v4  }
0x495: {  	v4 =	vld [tilespmem:s20+$0xDA0];
	[tilespmem:s17+$0x290] =	vst v5  }
0x496: {  	v5 =	vld [tilespmem:s21+$0xDA0];
	[tilespmem:s17+$0x3E0] =	vst v0  }
0x497: {  	[tilespmem:s17+$0x310] =	vst v1;
	v0 =	vld [tilespmem:s4+$0xDF0]  }
0x498: {  	[tilespmem:s17+$0x20] =	vst v2;
	v1 =	vld [tilespmem:s22+$0xDA0]  }
0x499: {  	[tilespmem:s17+$0xA0] =	vst v3;
	v2 =	vld [tilespmem:s23+$0xDA0]  }
0x49a: {  	[tilespmem:s17+$0x120] =	vst v4;
	v3 =	vld [tilespmem:s18+$0xDA0]  }
0x49b: {  	v4 =	vld [tilespmem:s24+$0xDB0];
	[tilespmem:s17+$0x1A0] =	vst v5  }
0x49c: {  	v5 =	vld [tilespmem:s19+$0xDB0];
	[tilespmem:s17+$0x3F0] =	vst v0  }
0x49d: {  	v0 =	vld [tilespmem:s20+$0xDB0];
	[tilespmem:s17+$0x220] =	vst v1  }
0x49e: {  	v1 =	vld [tilespmem:s21+$0xDB0];
	[tilespmem:s17+$0x2A0] =	vst v2  }
0x49f: {  	v2 =	vld [tilespmem:s22+$0xDB0];
	[tilespmem:s17+$0x320] =	vst v3  }
0x4a0: {  	[tilespmem:s17+$0x30] =	vst v4;
	v3 =	vld [tilespmem:s23+$0xDB0]  }
0x4a1: {  	[tilespmem:s17+$0xB0] =	vst v5;
	v4 =	vld [tilespmem:s18+$0xDB0]  }
0x4a2: {  	v5 =	vld [tilespmem:s24+$0xDC0];
	[tilespmem:s17+$0x130] =	vst v0  }
0x4a3: {  	v0 =	vld [tilespmem:s19+$0xDC0];
	[tilespmem:s17+$0x1B0] =	vst v1  }
0x4a4: {  	v1 =	vld [tilespmem:s20+$0xDC0];
	[tilespmem:s17+$0x230] =	vst v2  }
0x4a5: {  	v2 =	vld [tilespmem:s21+$0xDC0];
	[tilespmem:s17+$0x2B0] =	vst v3  }
0x4a6: {  	v6 =	vld [tilespmem:s22+$0xDC0];
	[tilespmem:s17+$0x330] =	vst v4  }
0x4a7: {  	[tilespmem:s17+$0x40] =	vst v5;
	v4 =	vld [tilespmem:s23+$0xDC0]  }
0x4a8: {  	[tilespmem:s17+$0xC0] =	vst v0;
	v5 =	vld [tilespmem:s18+$0xDC0]  }
.Ltmp12:
0x4a9: {  	v3 =	vld [tilespmem:s24+$0xDD0];
	[tilespmem:s17+$0x140] =	vst v1;
	(pc) =	sbr.rel @p1 .LBB2_17-.Ltmp12, $4  }
0x4aa: {  	v0 =	vld [tilespmem:s19+$0xDD0];
	[tilespmem:s17+$0x1C0] =	vst v2  }
0x4ab: {  	v1 =	vld [tilespmem:s20+$0xDD0];
	[tilespmem:s17+$0x240] =	vst v6  }
0x4ac: {  	v2 =	vld [tilespmem:s21+$0xDD0];
	[tilespmem:s17+$0x2C0] =	vst v4  }
0x4ad: {  	s9 =	sadd.s32 $0x8, s9;
	v4 =	vld [tilespmem:s22+$0xDD0];
	[tilespmem:s17+$0x340] =	vst v5  }
0x4ae: {  	[tilespmem:s17+$0x50] =	vst v3;
	v49 =	vld [tilespmem:s23+$0xDD0]  }
0x4af: {  	v50 =	vld [tilespmem:s18+$0xDD0];
	[tilespmem:s17+$0xD0] =	vst v0  }
0x4b0: {  	v51 =	vld [tilespmem:s24+$0xDE0];
	[tilespmem:s17+$0x150] =	vst v1  }
0x4b1: {  	v52 =	vld [tilespmem:s19+$0xDE0];
	[tilespmem:s17+$0x1D0] =	vst v2  }
0x4b2: {  	v53 =	vld [tilespmem:s20+$0xDE0];
	[tilespmem:s17+$0x250] =	vst v4  }
0x4b3: {  	v5 =	vld [tilespmem:s21+$0xDE0];
	[tilespmem:s17+$0x2D0] =	vst v49  }
0x4b4: {  	v54 =	vld [tilespmem:s22+$0xDE0];
	[tilespmem:s17+$0x350] =	vst v50  }
0x4b5: {  	[tilespmem:s17+$0x60] =	vst v51;
	v55 =	vld [tilespmem:s23+$0xDE0]  }
0x4b6: {  	v56 =	vld [tilespmem:s18+$0xDE0];
	[tilespmem:s17+$0xE0] =	vst v52  }
0x4b7: {  	v57 =	vld [tilespmem:s24+$0xDF0];
	[tilespmem:s17+$0x160] =	vst v53  }
0x4b8: {  	v58 =	vld [tilespmem:s19+$0xDF0];
	[tilespmem:s17+$0x1E0] =	vst v5  }
0x4b9: {  	v59 =	vld [tilespmem:s20+$0xDF0];
	[tilespmem:s17+$0x260] =	vst v54  }
0x4ba: {  	v60 =	vld [tilespmem:s21+$0xDF0];
	[tilespmem:s17+$0x2E0] =	vst v55  }
0x4bb: {  	v61 =	vld [tilespmem:s22+$0xDF0];
	[tilespmem:s17+$0x360] =	vst v56  }
0x4bc: {  	[tilespmem:s17+$0x70] =	vst v57;
	v62 =	vld [tilespmem:s23+$0xDF0]  }
0x4bd: {  	v63 =	vld [tilespmem:s18+$0xDF0];
	[tilespmem:s17+$0xF0] =	vst v58  }
0x4be: {  	[tilespmem:s17+$0x170] =	vst v59  }
0x4bf: {  	[tilespmem:s17+$0x1F0] =	vst v60  }
.Ltmp13:
0x4c0: {  	[tilespmem:s17+$0x270] =	vst v61;
	(pc) =	sbr.rel .LBB2_19-.Ltmp13, $4  }
0x4c1: {  	[tilespmem:s0+$0x2F0] =	vst v62  }
0x4c2: {  	[tilespmem:s0+$0x370] =	vst v63  }
0x4c3: {  	s0 =	rddreg [dreg:$0x5]  }
0x4c4: {  	[hbm4b:s0+s2] =	stream.linear.scatter [tilespmem:s10], [sflag:$0x1], $0x5000, $0x38;
	[tilespmem:$0x17400] =	vst v63  }
.LBB2_20:
0x4c5: {  	_ =	sfence.sel $0x180000  }
0x4c6: {  	[bflag:$0x0] =	sbarrier.arrive $0xFFFF  }
0x4c7: {  	_ =	strace $0x90000047  }
0x4c8: {  	[bflag:$0x2] =	sbarrier.arrive $0xFFFF  }
0x4c9: {  	s0 =	rddreg [dreg:$0x2]  }
0x4ca: {  	s0 =	sadd.s32 @!p0 $0x100000, s0  }
0x4cb: {  	[sflag:s0] =	ssyncadd.tile.s32 @!p0 $0x1;
	_ =	shalt  }
.Lfunc_end2:
_tile_overlayer_lowered:
.L_overlay_start_2:
0x4cc: {  	(tag) =	ssettag $0x2  }
0x4cd: {  	s0 =	rddreg [dreg:$0x0];
	s2 =	stileid.u32  }
0x4ce: {  	s1 =	rddreg [dreg:$0x1];
	p0 =	sne.s32 s2, $0x0  }
0x4cf: {  	s3 =	rddreg [dreg:$0x2];
	[bflag:$0x3] =	sbarrier.arrive $0xFFFF;
	s2 =	simm.s32 @!p0 $0x1C04  }
0x4d0: {  	[timem:s3], [sflag:s2] =	dma.local @!p0 [hbm:s0], s1  }
0x4d1: {  	s0 =	simm.s32 @!p0 $0x4  }
0x4d2: {  	_ =	swait.ge @!p0 [sflag:s0], s1  }
0x4d3: {  	s1 =	ssub.s32 @!p0 $0x0, s1;
	[sflag:s0] =	ssyncset.done @!p0 $0x0  }
0x4d4: {  	[sflag:s0] =	ssyncadd.s32 @!p0 s1  }
0x4d5: {  	[bflag:$0x3] =	sbarrier.arrive $0xFFFF  }
0x4d6: {  	_ =	shalt  }

</sc_bundles>
